<compile_context>
chip_gen: v7x
topology: tpu7x:2x2x1
jax: 0.10.2.dev20260603
libtpu: 0.0.44.dev20260713+nightly
codegen_flags: <defaults>
</compile_context>

<pallas_src>
import functools

import jax
import jax.numpy as jnp
from jax import lax
from jax.experimental import pallas as pl
from jax.experimental.pallas import tpu as pltpu
from jax.experimental.pallas import tpu_sc as plsc

B, H, W, C = 4, 192, 192, 96
OH, OW = 384, 384
EPB = H * W * C
PB = OH * OW * C
TOTAL = B * PB

NC, NS = 2, 16
NCH = 8
CH = PB // NCH
ACCW = CH
ET = EPB // NS
BLK = 4096
BR = BLK // 128
NBLK = ET // BLK
NBUF = 2
OWT = CH // NS
ZW = ACCW // NS
ZB = 3456
ZREP = ZW // ZB
SENT = -1


def _sc_scatter_add(val2d, idx2d):
    mesh = plsc.VectorSubcoreMesh(core_axis_name="c", subcore_axis_name="s")

    scratch = (
        [pltpu.VMEM((BR, 128), jnp.int32) for _ in range(NBUF)]
        + [pltpu.VMEM((BR, 128), jnp.float32) for _ in range(NBUF)]
        + [
            pltpu.VMEM((ZB,), jnp.float32),
            pltpu.VMEM_SHARED((ACCW,), jnp.float32),
        ]
        + [pltpu.SemaphoreType.DMA for _ in range(2 * NBUF + 1)]
    )

    @functools.partial(
        pl.kernel,
        out_type=jax.ShapeDtypeStruct((TOTAL,), jnp.float32),
        mesh=mesh,
        scratch_types=scratch,
    )
    def k(vals_hbm, idx_hbm, out_hbm, *s):
        idx_raw = s[0:NBUF]
        val_v = s[NBUF:2 * NBUF]
        zbuf = s[2 * NBUF]
        acc = s[2 * NBUF + 1]
        lsem = s[2 * NBUF + 2:2 * NBUF + 2 + NBUF]
        ssem = s[2 * NBUF + 2 + NBUF:2 * NBUF + 2 + 2 * NBUF]
        zsem = s[2 * NBUF + 2 + 2 * NBUF]

        cid = lax.axis_index("c")
        sid = lax.axis_index("s")
        zero16 = jnp.zeros((16,), jnp.float32)

        def zinit(i, carry):
            zbuf[pl.ds(i * 16, 16)] = zero16
            return carry

        lax.fori_loop(0, ZB // 16, zinit, 0)

        def chunk_body(ck, carry):
            b = cid * 2 + ck // NCH
            r = ck % NCH
            base = r * CH
            row0 = b * (EPB // 128) + sid * (ET // 128)

            def fire_load(g, slot):
                roff = row0 + g * BR
                pltpu.async_copy(idx_hbm.at[pl.ds(roff, BR)], idx_raw[slot],
                                 lsem[slot])
                pltpu.async_copy(vals_hbm.at[pl.ds(roff, BR)], val_v[slot],
                                 lsem[slot])

            fire_load(0, 0)
            fire_load(1, 1)

            def blk2_body(t, c3):
                for slot in range(NBUF):
                    g = t * NBUF + slot
                    pltpu.make_async_copy(
                        idx_hbm.at[pl.ds(0, BR)], idx_raw[slot], lsem[slot]).wait()
                    pltpu.make_async_copy(
                        vals_hbm.at[pl.ds(0, BR)], val_v[slot], lsem[slot]).wait()

                    def row_body(j, c4, slot=slot):
                        for kk in range(8):
                            v = idx_raw[slot][j, pl.ds(kk * 16, 16)]
                            local = v - base
                            m = plsc.bitcast(local, jnp.uint32) < jnp.uint32(CH)
                            idx_raw[slot][j, pl.ds(kk * 16, 16)] = (
                                jnp.where(m, local, SENT))
                        pltpu.async_copy(
                            val_v[slot].at[j],
                            acc.at[plsc.Indices(idx_raw[slot].at[j],
                                                ignored_value=SENT)],
                            ssem[slot], add=True)
                        return c4

                    lax.fori_loop(0, BR, row_body, 0)

                    def dbody(j, c5, slot=slot):
                        pltpu.make_async_copy(
                            val_v[slot].at[j],
                            acc.at[plsc.Indices(idx_raw[slot].at[j],
                                                ignored_value=SENT)],
                            ssem[slot]).wait()
                        return c5

                    lax.fori_loop(0, BR, dbody, 0)

                    @pl.when(g + 2 < NBLK)
                    def _prefetch(g=g, slot=slot):
                        fire_load(g + 2, slot)
                return c3

            lax.fori_loop(0, NBLK // NBUF, blk2_body, 0)
            plsc.subcore_barrier()
            pltpu.sync_copy(
                acc.at[pl.ds(sid * OWT, OWT)],
                out_hbm.at[pl.ds(b * PB + base + sid * OWT, OWT)])
            zd = [
                pltpu.async_copy(zbuf, acc.at[pl.ds(sid * ZW + i * ZB, ZB)], zsem)
                for i in range(ZREP)
            ]
            for d in zd:
                d.wait()
            plsc.subcore_barrier()
            return carry

        zd0 = [
            pltpu.async_copy(zbuf, acc.at[pl.ds(sid * ZW + i * ZB, ZB)], zsem)
            for i in range(ZREP)
        ]
        for d in zd0:
            d.wait()
        plsc.subcore_barrier()
        lax.fori_loop(0, NC * NCH, chunk_body, 0)

    return k(val2d, idx2d)


def kernel(inputs, indices, output_shape):
    del output_shape
    val2d = inputs.reshape(-1, 128)
    idx2d = indices.reshape(-1, 128)
    out = _sc_scatter_add(val2d, idx2d)
    return out.reshape(B, OH, OW, C)

# --- scband reference (transcript-rebuilt; emitter-appended) ---
"""Pipeline reference for scband-max-unpooling2-d-32366873542794 (READ-ONLY COPY).

The authoritative reference and input builder live on the scoring server;
editing this copy changes nothing except your own understanding.
"""

import jax, jax.numpy as jnp
import numpy as np

B, H, W, C = 4, 192, 192, 96
OH, OW = 384, 384

def setup_inputs(seed: int = 0) -> dict:
    key = jax.random.key(seed)
    k1, k2 = jax.random.split(key)
    inputs = jax.random.normal(k1, (B, H, W, C), dtype=jnp.float32)
    per_batch_out = OH * OW * C
    indices = jax.random.randint(k2, (B, H, W, C), 0, per_batch_out, dtype=jnp.int32)
    output_shape = jnp.array([B, OH, OW, C], dtype=jnp.int32)
    return {"inputs": inputs, "indices": indices, "output_shape": output_shape}

def reference(inputs, indices, output_shape):
    # Faithful translation of MaxUnpooling2D.call (tf.scatter_nd accumulates duplicates,
    # matching .at[].add). Batch offsets lift per-batch flat indices (as produced by
    # max_pool_with_argmax) into the global flattened output.
    b, oh, ow, oc = B, OH, OW, C
    shape_zero = (output_shape * jnp.int32(0)).sum().astype(jnp.int32)
    flat_inputs = jnp.reshape(inputs, (-1,))
    flat_indices = jnp.reshape(indices, (-1,)).astype(jnp.int32)
    per_batch_out = oh * ow * oc
    total_elements = b * per_batch_out
    in_per_batch = flat_indices.shape[0] // b
    batch_offset = jnp.repeat(jnp.arange(b, dtype=jnp.int32) * per_batch_out, in_per_batch)
    flat_indices = flat_indices + batch_offset + shape_zero
    output = jnp.zeros((total_elements,), dtype=inputs.dtype).at[flat_indices].add(flat_inputs)
    return jnp.reshape(output, (b, oh, ow, oc))

if __name__ == "__main__":
    import jax
    _d = setup_inputs()
    print(jax.jit(kernel)(*tuple(_d.values())))

</pallas_src>

<mosaic_0001>
#map = affine_map<(d0, d1) -> (0, 0)>
#map1 = affine_map<(d0, d1) -> (0)>
module attributes {stable_mosaic.version = 14 : i64} {
  func.func @k(%arg0: i32, %arg1: i32, %arg2: memref<110592x128xf32, #tpu.memory_space<hbm>>, %arg3: memref<110592x128xi32, #tpu.memory_space<hbm>>, %arg4: memref<56623104xf32, #tpu.memory_space<hbm>>, %arg5: memref<32x128xi32, #tpu.memory_space<vmem>>, %arg6: memref<32x128xi32, #tpu.memory_space<vmem>>, %arg7: memref<32x128xf32, #tpu.memory_space<vmem>>, %arg8: memref<32x128xf32, #tpu.memory_space<vmem>>, %arg9: memref<3456xf32, #tpu.memory_space<vmem>>, %arg10: memref<1769472xf32, #tpu.memory_space<vmem_shared>>, %arg11: memref<!tpu.dma_semaphore, #tpu.memory_space<semaphore_mem>>, %arg12: memref<!tpu.dma_semaphore, #tpu.memory_space<semaphore_mem>>, %arg13: memref<!tpu.dma_semaphore, #tpu.memory_space<semaphore_mem>>, %arg14: memref<!tpu.dma_semaphore, #tpu.memory_space<semaphore_mem>>, %arg15: memref<!tpu.dma_semaphore, #tpu.memory_space<semaphore_mem>>) attributes {dimension_semantics = [#tpu.dimension_semantics<core_parallel>, #tpu.dimension_semantics<subcore_parallel>], iteration_bounds = array<i64: 2, 16>, scalar_prefetch = 0 : i64, scratch_operands = 11 : i64, tpu.core_type = #tpu.core_type<sc_vector_subcore>, window_params = [{transform_indices = #map}, {transform_indices = #map}, {transform_indices = #map1}]} {
    %broadcast_in_dim3A = arith.constant 0.000000e+00 : f32
    %broadcast_in_dim3A_0 = vector.broadcast %broadcast_in_dim3A : f32 to vector<16xf32>
    %scan3A = arith.constant 0 : i32
    %scan3A_1 = arith.constant 0 : i32
    %scan3A_2 = arith.constant 216 : i32
    %scan3A_3 = arith.addi %scan3A_1, %scan3A_2 : i32
    %scan3A_4 = arith.constant 1 : i32
    scf.for %scan3A_264 = %scan3A_1 to %scan3A_3 step %scan3A_4  : i32 {
      %mul3A_265 = arith.constant 16 : i32
      %mul3A_266 = arith.muli %scan3A_264, %mul3A_265 : i32
      %swap3A = arith.index_cast %mul3A_266 : i32 to index
      %swap3A_267 = tpu.vector_load %arg9[%swap3A] {strides = array<i32>} : memref<3456xf32, #tpu.memory_space<vmem>>, vector<16xf32>,
      %swap3A_268 = vector.shape_cast %swap3A_267 : vector<16xf32> to vector<16xf32>
      %swap3A_269 = vector.shape_cast %broadcast_in_dim3A_0 : vector<16xf32> to vector<16xf32>
      tpu.vector_store %arg9[%swap3A], %swap3A_269 {strides = array<i32>} : memref<3456xf32, #tpu.memory_space<vmem>>, vector<16xf32>,
    }
    %scan3A_5 = arith.constant 216 : i32
    %mul3A = arith.constant 110592 : i32
    %mul3A_6 = arith.muli %arg1, %mul3A : i32
    %add3A = arith.constant 0 : i32
    %add3A_7 = arith.addi %mul3A_6, %add3A : i32
    %dma_start3A = tpu.memref_slice %arg10[%add3A_7] : memref<1769472xf32, #tpu.memory_space<vmem_shared>> -> memref<3456xf32, #tpu.memory_space<vmem_shared>>
    %dma_start3A_8 = tpu.memref_slice %arg10[%add3A_7] : memref<1769472xf32, #tpu.memory_space<vmem_shared>> -> memref<3456xf32, #tpu.memory_space<vmem_shared>>
    tpu.enqueue_dma source(%arg9 : memref<3456xf32, #tpu.memory_space<vmem>>) target(%dma_start3A_8 : memref<3456xf32, #tpu.memory_space<vmem_shared>>) target_semaphore(%arg15 : memref<!tpu.dma_semaphore, #tpu.memory_space<semaphore_mem>>)
    %mul3A_9 = arith.constant 110592 : i32
    %mul3A_10 = arith.muli %arg1, %mul3A_9 : i32
    %add3A_11 = arith.constant 3456 : i32
    %add3A_12 = arith.addi %mul3A_10, %add3A_11 : i32
    %dma_start3A_13 = tpu.memref_slice %arg10[%add3A_12] : memref<1769472xf32, #tpu.memory_space<vmem_shared>> -> memref<3456xf32, #tpu.memory_space<vmem_shared>>
    %dma_start3A_14 = tpu.memref_slice %arg10[%add3A_12] : memref<1769472xf32, #tpu.memory_space<vmem_shared>> -> memref<3456xf32, #tpu.memory_space<vmem_shared>>
    tpu.enqueue_dma source(%arg9 : memref<3456xf32, #tpu.memory_space<vmem>>) target(%dma_start3A_14 : memref<3456xf32, #tpu.memory_space<vmem_shared>>) target_semaphore(%arg15 : memref<!tpu.dma_semaphore, #tpu.memory_space<semaphore_mem>>)
    %mul3A_15 = arith.constant 110592 : i32
    %mul3A_16 = arith.muli %arg1, %mul3A_15 : i32
    %add3A_17 = arith.constant 6912 : i32
    %add3A_18 = arith.addi %mul3A_16, %add3A_17 : i32
    %dma_start3A_19 = tpu.memref_slice %arg10[%add3A_18] : memref<1769472xf32, #tpu.memory_space<vmem_shared>> -> memref<3456xf32, #tpu.memory_space<vmem_shared>>
    %dma_start3A_20 = tpu.memref_slice %arg10[%add3A_18] : memref<1769472xf32, #tpu.memory_space<vmem_shared>> -> memref<3456xf32, #tpu.memory_space<vmem_shared>>
    tpu.enqueue_dma source(%arg9 : memref<3456xf32, #tpu.memory_space<vmem>>) target(%dma_start3A_20 : memref<3456xf32, #tpu.memory_space<vmem_shared>>) target_semaphore(%arg15 : memref<!tpu.dma_semaphore, #tpu.memory_space<semaphore_mem>>)
    %mul3A_21 = arith.constant 110592 : i32
    %mul3A_22 = arith.muli %arg1, %mul3A_21 : i32
    %add3A_23 = arith.constant 10368 : i32
    %add3A_24 = arith.addi %mul3A_22, %add3A_23 : i32
    %dma_start3A_25 = tpu.memref_slice %arg10[%add3A_24] : memref<1769472xf32, #tpu.memory_space<vmem_shared>> -> memref<3456xf32, #tpu.memory_space<vmem_shared>>
    %dma_start3A_26 = tpu.memref_slice %arg10[%add3A_24] : memref<1769472xf32, #tpu.memory_space<vmem_shared>> -> memref<3456xf32, #tpu.memory_space<vmem_shared>>
    tpu.enqueue_dma source(%arg9 : memref<3456xf32, #tpu.memory_space<vmem>>) target(%dma_start3A_26 : memref<3456xf32, #tpu.memory_space<vmem_shared>>) target_semaphore(%arg15 : memref<!tpu.dma_semaphore, #tpu.memory_space<semaphore_mem>>)
    %mul3A_27 = arith.constant 110592 : i32
    %mul3A_28 = arith.muli %arg1, %mul3A_27 : i32
    %add3A_29 = arith.constant 13824 : i32
    %add3A_30 = arith.addi %mul3A_28, %add3A_29 : i32
    %dma_start3A_31 = tpu.memref_slice %arg10[%add3A_30] : memref<1769472xf32, #tpu.memory_space<vmem_shared>> -> memref<3456xf32, #tpu.memory_space<vmem_shared>>
    %dma_start3A_32 = tpu.memref_slice %arg10[%add3A_30] : memref<1769472xf32, #tpu.memory_space<vmem_shared>> -> memref<3456xf32, #tpu.memory_space<vmem_shared>>
    tpu.enqueue_dma source(%arg9 : memref<3456xf32, #tpu.memory_space<vmem>>) target(%dma_start3A_32 : memref<3456xf32, #tpu.memory_space<vmem_shared>>) target_semaphore(%arg15 : memref<!tpu.dma_semaphore, #tpu.memory_space<semaphore_mem>>)
    %mul3A_33 = arith.constant 110592 : i32
    %mul3A_34 = arith.muli %arg1, %mul3A_33 : i32
    %add3A_35 = arith.constant 17280 : i32
    %add3A_36 = arith.addi %mul3A_34, %add3A_35 : i32
    %dma_start3A_37 = tpu.memref_slice %arg10[%add3A_36] : memref<1769472xf32, #tpu.memory_space<vmem_shared>> -> memref<3456xf32, #tpu.memory_space<vmem_shared>>
    %dma_start3A_38 = tpu.memref_slice %arg10[%add3A_36] : memref<1769472xf32, #tpu.memory_space<vmem_shared>> -> memref<3456xf32, #tpu.memory_space<vmem_shared>>
    tpu.enqueue_dma source(%arg9 : memref<3456xf32, #tpu.memory_space<vmem>>) target(%dma_start3A_38 : memref<3456xf32, #tpu.memory_space<vmem_shared>>) target_semaphore(%arg15 : memref<!tpu.dma_semaphore, #tpu.memory_space<semaphore_mem>>)
    %mul3A_39 = arith.constant 110592 : i32
    %mul3A_40 = arith.muli %arg1, %mul3A_39 : i32
    %add3A_41 = arith.constant 20736 : i32
    %add3A_42 = arith.addi %mul3A_40, %add3A_41 : i32
    %dma_start3A_43 = tpu.memref_slice %arg10[%add3A_42] : memref<1769472xf32, #tpu.memory_space<vmem_shared>> -> memref<3456xf32, #tpu.memory_space<vmem_shared>>
    %dma_start3A_44 = tpu.memref_slice %arg10[%add3A_42] : memref<1769472xf32, #tpu.memory_space<vmem_shared>> -> memref<3456xf32, #tpu.memory_space<vmem_shared>>
    tpu.enqueue_dma source(%arg9 : memref<3456xf32, #tpu.memory_space<vmem>>) target(%dma_start3A_44 : memref<3456xf32, #tpu.memory_space<vmem_shared>>) target_semaphore(%arg15 : memref<!tpu.dma_semaphore, #tpu.memory_space<semaphore_mem>>)
    %mul3A_45 = arith.constant 110592 : i32
    %mul3A_46 = arith.muli %arg1, %mul3A_45 : i32
    %add3A_47 = arith.constant 24192 : i32
    %add3A_48 = arith.addi %mul3A_46, %add3A_47 : i32
    %dma_start3A_49 = tpu.memref_slice %arg10[%add3A_48] : memref<1769472xf32, #tpu.memory_space<vmem_shared>> -> memref<3456xf32, #tpu.memory_space<vmem_shared>>
    %dma_start3A_50 = tpu.memref_slice %arg10[%add3A_48] : memref<1769472xf32, #tpu.memory_space<vmem_shared>> -> memref<3456xf32, #tpu.memory_space<vmem_shared>>
    tpu.enqueue_dma source(%arg9 : memref<3456xf32, #tpu.memory_space<vmem>>) target(%dma_start3A_50 : memref<3456xf32, #tpu.memory_space<vmem_shared>>) target_semaphore(%arg15 : memref<!tpu.dma_semaphore, #tpu.memory_space<semaphore_mem>>)
    %mul3A_51 = arith.constant 110592 : i32
    %mul3A_52 = arith.muli %arg1, %mul3A_51 : i32
    %add3A_53 = arith.constant 27648 : i32
    %add3A_54 = arith.addi %mul3A_52, %add3A_53 : i32
    %dma_start3A_55 = tpu.memref_slice %arg10[%add3A_54] : memref<1769472xf32, #tpu.memory_space<vmem_shared>> -> memref<3456xf32, #tpu.memory_space<vmem_shared>>
    %dma_start3A_56 = tpu.memref_slice %arg10[%add3A_54] : memref<1769472xf32, #tpu.memory_space<vmem_shared>> -> memref<3456xf32, #tpu.memory_space<vmem_shared>>
    tpu.enqueue_dma source(%arg9 : memref<3456xf32, #tpu.memory_space<vmem>>) target(%dma_start3A_56 : memref<3456xf32, #tpu.memory_space<vmem_shared>>) target_semaphore(%arg15 : memref<!tpu.dma_semaphore, #tpu.memory_space<semaphore_mem>>)
    %mul3A_57 = arith.constant 110592 : i32
    %mul3A_58 = arith.muli %arg1, %mul3A_57 : i32
    %add3A_59 = arith.constant 31104 : i32
    %add3A_60 = arith.addi %mul3A_58, %add3A_59 : i32
    %dma_start3A_61 = tpu.memref_slice %arg10[%add3A_60] : memref<1769472xf32, #tpu.memory_space<vmem_shared>> -> memref<3456xf32, #tpu.memory_space<vmem_shared>>
    %dma_start3A_62 = tpu.memref_slice %arg10[%add3A_60] : memref<1769472xf32, #tpu.memory_space<vmem_shared>> -> memref<3456xf32, #tpu.memory_space<vmem_shared>>
    tpu.enqueue_dma source(%arg9 : memref<3456xf32, #tpu.memory_space<vmem>>) target(%dma_start3A_62 : memref<3456xf32, #tpu.memory_space<vmem_shared>>) target_semaphore(%arg15 : memref<!tpu.dma_semaphore, #tpu.memory_space<semaphore_mem>>)
    %mul3A_63 = arith.constant 110592 : i32
    %mul3A_64 = arith.muli %arg1, %mul3A_63 : i32
    %add3A_65 = arith.constant 34560 : i32
    %add3A_66 = arith.addi %mul3A_64, %add3A_65 : i32
    %dma_start3A_67 = tpu.memref_slice %arg10[%add3A_66] : memref<1769472xf32, #tpu.memory_space<vmem_shared>> -> memref<3456xf32, #tpu.memory_space<vmem_shared>>
    %dma_start3A_68 = tpu.memref_slice %arg10[%add3A_66] : memref<1769472xf32, #tpu.memory_space<vmem_shared>> -> memref<3456xf32, #tpu.memory_space<vmem_shared>>
    tpu.enqueue_dma source(%arg9 : memref<3456xf32, #tpu.memory_space<vmem>>) target(%dma_start3A_68 : memref<3456xf32, #tpu.memory_space<vmem_shared>>) target_semaphore(%arg15 : memref<!tpu.dma_semaphore, #tpu.memory_space<semaphore_mem>>)
    %mul3A_69 = arith.constant 110592 : i32
    %mul3A_70 = arith.muli %arg1, %mul3A_69 : i32
    %add3A_71 = arith.constant 38016 : i32
    %add3A_72 = arith.addi %mul3A_70, %add3A_71 : i32
    %dma_start3A_73 = tpu.memref_slice %arg10[%add3A_72] : memref<1769472xf32, #tpu.memory_space<vmem_shared>> -> memref<3456xf32, #tpu.memory_space<vmem_shared>>
    %dma_start3A_74 = tpu.memref_slice %arg10[%add3A_72] : memref<1769472xf32, #tpu.memory_space<vmem_shared>> -> memref<3456xf32, #tpu.memory_space<vmem_shared>>
    tpu.enqueue_dma source(%arg9 : memref<3456xf32, #tpu.memory_space<vmem>>) target(%dma_start3A_74 : memref<3456xf32, #tpu.memory_space<vmem_shared>>) target_semaphore(%arg15 : memref<!tpu.dma_semaphore, #tpu.memory_space<semaphore_mem>>)
    %mul3A_75 = arith.constant 110592 : i32
    %mul3A_76 = arith.muli %arg1, %mul3A_75 : i32
    %add3A_77 = arith.constant 41472 : i32
    %add3A_78 = arith.addi %mul3A_76, %add3A_77 : i32
    %dma_start3A_79 = tpu.memref_slice %arg10[%add3A_78] : memref<1769472xf32, #tpu.memory_space<vmem_shared>> -> memref<3456xf32, #tpu.memory_space<vmem_shared>>
    %dma_start3A_80 = tpu.memref_slice %arg10[%add3A_78] : memref<1769472xf32, #tpu.memory_space<vmem_shared>> -> memref<3456xf32, #tpu.memory_space<vmem_shared>>
    tpu.enqueue_dma source(%arg9 : memref<3456xf32, #tpu.memory_space<vmem>>) target(%dma_start3A_80 : memref<3456xf32, #tpu.memory_space<vmem_shared>>) target_semaphore(%arg15 : memref<!tpu.dma_semaphore, #tpu.memory_space<semaphore_mem>>)
    %mul3A_81 = arith.constant 110592 : i32
    %mul3A_82 = arith.muli %arg1, %mul3A_81 : i32
    %add3A_83 = arith.constant 44928 : i32
    %add3A_84 = arith.addi %mul3A_82, %add3A_83 : i32
    %dma_start3A_85 = tpu.memref_slice %arg10[%add3A_84] : memref<1769472xf32, #tpu.memory_space<vmem_shared>> -> memref<3456xf32, #tpu.memory_space<vmem_shared>>
    %dma_start3A_86 = tpu.memref_slice %arg10[%add3A_84] : memref<1769472xf32, #tpu.memory_space<vmem_shared>> -> memref<3456xf32, #tpu.memory_space<vmem_shared>>
    tpu.enqueue_dma source(%arg9 : memref<3456xf32, #tpu.memory_space<vmem>>) target(%dma_start3A_86 : memref<3456xf32, #tpu.memory_space<vmem_shared>>) target_semaphore(%arg15 : memref<!tpu.dma_semaphore, #tpu.memory_space<semaphore_mem>>)
    %mul3A_87 = arith.constant 110592 : i32
    %mul3A_88 = arith.muli %arg1, %mul3A_87 : i32
    %add3A_89 = arith.constant 48384 : i32
    %add3A_90 = arith.addi %mul3A_88, %add3A_89 : i32
    %dma_start3A_91 = tpu.memref_slice %arg10[%add3A_90] : memref<1769472xf32, #tpu.memory_space<vmem_shared>> -> memref<3456xf32, #tpu.memory_space<vmem_shared>>
    %dma_start3A_92 = tpu.memref_slice %arg10[%add3A_90] : memref<1769472xf32, #tpu.memory_space<vmem_shared>> -> memref<3456xf32, #tpu.memory_space<vmem_shared>>
    tpu.enqueue_dma source(%arg9 : memref<3456xf32, #tpu.memory_space<vmem>>) target(%dma_start3A_92 : memref<3456xf32, #tpu.memory_space<vmem_shared>>) target_semaphore(%arg15 : memref<!tpu.dma_semaphore, #tpu.memory_space<semaphore_mem>>)
    %mul3A_93 = arith.constant 110592 : i32
    %mul3A_94 = arith.muli %arg1, %mul3A_93 : i32
    %add3A_95 = arith.constant 51840 : i32
    %add3A_96 = arith.addi %mul3A_94, %add3A_95 : i32
    %dma_start3A_97 = tpu.memref_slice %arg10[%add3A_96] : memref<1769472xf32, #tpu.memory_space<vmem_shared>> -> memref<3456xf32, #tpu.memory_space<vmem_shared>>
    %dma_start3A_98 = tpu.memref_slice %arg10[%add3A_96] : memref<1769472xf32, #tpu.memory_space<vmem_shared>> -> memref<3456xf32, #tpu.memory_space<vmem_shared>>
    tpu.enqueue_dma source(%arg9 : memref<3456xf32, #tpu.memory_space<vmem>>) target(%dma_start3A_98 : memref<3456xf32, #tpu.memory_space<vmem_shared>>) target_semaphore(%arg15 : memref<!tpu.dma_semaphore, #tpu.memory_space<semaphore_mem>>)
    %mul3A_99 = arith.constant 110592 : i32
    %mul3A_100 = arith.muli %arg1, %mul3A_99 : i32
    %add3A_101 = arith.constant 55296 : i32
    %add3A_102 = arith.addi %mul3A_100, %add3A_101 : i32
    %dma_start3A_103 = tpu.memref_slice %arg10[%add3A_102] : memref<1769472xf32, #tpu.memory_space<vmem_shared>> -> memref<3456xf32, #tpu.memory_space<vmem_shared>>
    %dma_start3A_104 = tpu.memref_slice %arg10[%add3A_102] : memref<1769472xf32, #tpu.memory_space<vmem_shared>> -> memref<3456xf32, #tpu.memory_space<vmem_shared>>
    tpu.enqueue_dma source(%arg9 : memref<3456xf32, #tpu.memory_space<vmem>>) target(%dma_start3A_104 : memref<3456xf32, #tpu.memory_space<vmem_shared>>) target_semaphore(%arg15 : memref<!tpu.dma_semaphore, #tpu.memory_space<semaphore_mem>>)
    %mul3A_105 = arith.constant 110592 : i32
    %mul3A_106 = arith.muli %arg1, %mul3A_105 : i32
    %add3A_107 = arith.constant 58752 : i32
    %add3A_108 = arith.addi %mul3A_106, %add3A_107 : i32
    %dma_start3A_109 = tpu.memref_slice %arg10[%add3A_108] : memref<1769472xf32, #tpu.memory_space<vmem_shared>> -> memref<3456xf32, #tpu.memory_space<vmem_shared>>
    %dma_start3A_110 = tpu.memref_slice %arg10[%add3A_108] : memref<1769472xf32, #tpu.memory_space<vmem_shared>> -> memref<3456xf32, #tpu.memory_space<vmem_shared>>
    tpu.enqueue_dma source(%arg9 : memref<3456xf32, #tpu.memory_space<vmem>>) target(%dma_start3A_110 : memref<3456xf32, #tpu.memory_space<vmem_shared>>) target_semaphore(%arg15 : memref<!tpu.dma_semaphore, #tpu.memory_space<semaphore_mem>>)
    %mul3A_111 = arith.constant 110592 : i32
    %mul3A_112 = arith.muli %arg1, %mul3A_111 : i32
    %add3A_113 = arith.constant 62208 : i32
    %add3A_114 = arith.addi %mul3A_112, %add3A_113 : i32
    %dma_start3A_115 = tpu.memref_slice %arg10[%add3A_114] : memref<1769472xf32, #tpu.memory_space<vmem_shared>> -> memref<3456xf32, #tpu.memory_space<vmem_shared>>
    %dma_start3A_116 = tpu.memref_slice %arg10[%add3A_114] : memref<1769472xf32, #tpu.memory_space<vmem_shared>> -> memref<3456xf32, #tpu.memory_space<vmem_shared>>
    tpu.enqueue_dma source(%arg9 : memref<3456xf32, #tpu.memory_space<vmem>>) target(%dma_start3A_116 : memref<3456xf32, #tpu.memory_space<vmem_shared>>) target_semaphore(%arg15 : memref<!tpu.dma_semaphore, #tpu.memory_space<semaphore_mem>>)
    %mul3A_117 = arith.constant 110592 : i32
    %mul3A_118 = arith.muli %arg1, %mul3A_117 : i32
    %add3A_119 = arith.constant 65664 : i32
    %add3A_120 = arith.addi %mul3A_118, %add3A_119 : i32
    %dma_start3A_121 = tpu.memref_slice %arg10[%add3A_120] : memref<1769472xf32, #tpu.memory_space<vmem_shared>> -> memref<3456xf32, #tpu.memory_space<vmem_shared>>
    %dma_start3A_122 = tpu.memref_slice %arg10[%add3A_120] : memref<1769472xf32, #tpu.memory_space<vmem_shared>> -> memref<3456xf32, #tpu.memory_space<vmem_shared>>
    tpu.enqueue_dma source(%arg9 : memref<3456xf32, #tpu.memory_space<vmem>>) target(%dma_start3A_122 : memref<3456xf32, #tpu.memory_space<vmem_shared>>) target_semaphore(%arg15 : memref<!tpu.dma_semaphore, #tpu.memory_space<semaphore_mem>>)
    %mul3A_123 = arith.constant 110592 : i32
    %mul3A_124 = arith.muli %arg1, %mul3A_123 : i32
    %add3A_125 = arith.constant 69120 : i32
    %add3A_126 = arith.addi %mul3A_124, %add3A_125 : i32
    %dma_start3A_127 = tpu.memref_slice %arg10[%add3A_126] : memref<1769472xf32, #tpu.memory_space<vmem_shared>> -> memref<3456xf32, #tpu.memory_space<vmem_shared>>
    %dma_start3A_128 = tpu.memref_slice %arg10[%add3A_126] : memref<1769472xf32, #tpu.memory_space<vmem_shared>> -> memref<3456xf32, #tpu.memory_space<vmem_shared>>
    tpu.enqueue_dma source(%arg9 : memref<3456xf32, #tpu.memory_space<vmem>>) target(%dma_start3A_128 : memref<3456xf32, #tpu.memory_space<vmem_shared>>) target_semaphore(%arg15 : memref<!tpu.dma_semaphore, #tpu.memory_space<semaphore_mem>>)
    %mul3A_129 = arith.constant 110592 : i32
    %mul3A_130 = arith.muli %arg1, %mul3A_129 : i32
    %add3A_131 = arith.constant 72576 : i32
    %add3A_132 = arith.addi %mul3A_130, %add3A_131 : i32
    %dma_start3A_133 = tpu.memref_slice %arg10[%add3A_132] : memref<1769472xf32, #tpu.memory_space<vmem_shared>> -> memref<3456xf32, #tpu.memory_space<vmem_shared>>
    %dma_start3A_134 = tpu.memref_slice %arg10[%add3A_132] : memref<1769472xf32, #tpu.memory_space<vmem_shared>> -> memref<3456xf32, #tpu.memory_space<vmem_shared>>
    tpu.enqueue_dma source(%arg9 : memref<3456xf32, #tpu.memory_space<vmem>>) target(%dma_start3A_134 : memref<3456xf32, #tpu.memory_space<vmem_shared>>) target_semaphore(%arg15 : memref<!tpu.dma_semaphore, #tpu.memory_space<semaphore_mem>>)
    %mul3A_135 = arith.constant 110592 : i32
    %mul3A_136 = arith.muli %arg1, %mul3A_135 : i32
    %add3A_137 = arith.constant 76032 : i32
    %add3A_138 = arith.addi %mul3A_136, %add3A_137 : i32
    %dma_start3A_139 = tpu.memref_slice %arg10[%add3A_138] : memref<1769472xf32, #tpu.memory_space<vmem_shared>> -> memref<3456xf32, #tpu.memory_space<vmem_shared>>
    %dma_start3A_140 = tpu.memref_slice %arg10[%add3A_138] : memref<1769472xf32, #tpu.memory_space<vmem_shared>> -> memref<3456xf32, #tpu.memory_space<vmem_shared>>
    tpu.enqueue_dma source(%arg9 : memref<3456xf32, #tpu.memory_space<vmem>>) target(%dma_start3A_140 : memref<3456xf32, #tpu.memory_space<vmem_shared>>) target_semaphore(%arg15 : memref<!tpu.dma_semaphore, #tpu.memory_space<semaphore_mem>>)
    %mul3A_141 = arith.constant 110592 : i32
    %mul3A_142 = arith.muli %arg1, %mul3A_141 : i32
    %add3A_143 = arith.constant 79488 : i32
    %add3A_144 = arith.addi %mul3A_142, %add3A_143 : i32
    %dma_start3A_145 = tpu.memref_slice %arg10[%add3A_144] : memref<1769472xf32, #tpu.memory_space<vmem_shared>> -> memref<3456xf32, #tpu.memory_space<vmem_shared>>
    %dma_start3A_146 = tpu.memref_slice %arg10[%add3A_144] : memref<1769472xf32, #tpu.memory_space<vmem_shared>> -> memref<3456xf32, #tpu.memory_space<vmem_shared>>
    tpu.enqueue_dma source(%arg9 : memref<3456xf32, #tpu.memory_space<vmem>>) target(%dma_start3A_146 : memref<3456xf32, #tpu.memory_space<vmem_shared>>) target_semaphore(%arg15 : memref<!tpu.dma_semaphore, #tpu.memory_space<semaphore_mem>>)
    %mul3A_147 = arith.constant 110592 : i32
    %mul3A_148 = arith.muli %arg1, %mul3A_147 : i32
    %add3A_149 = arith.constant 82944 : i32
    %add3A_150 = arith.addi %mul3A_148, %add3A_149 : i32
    %dma_start3A_151 = tpu.memref_slice %arg10[%add3A_150] : memref<1769472xf32, #tpu.memory_space<vmem_shared>> -> memref<3456xf32, #tpu.memory_space<vmem_shared>>
    %dma_start3A_152 = tpu.memref_slice %arg10[%add3A_150] : memref<1769472xf32, #tpu.memory_space<vmem_shared>> -> memref<3456xf32, #tpu.memory_space<vmem_shared>>
    tpu.enqueue_dma source(%arg9 : memref<3456xf32, #tpu.memory_space<vmem>>) target(%dma_start3A_152 : memref<3456xf32, #tpu.memory_space<vmem_shared>>) target_semaphore(%arg15 : memref<!tpu.dma_semaphore, #tpu.memory_space<semaphore_mem>>)
    %mul3A_153 = arith.constant 110592 : i32
    %mul3A_154 = arith.muli %arg1, %mul3A_153 : i32
    %add3A_155 = arith.constant 86400 : i32
    %add3A_156 = arith.addi %mul3A_154, %add3A_155 : i32
    %dma_start3A_157 = tpu.memref_slice %arg10[%add3A_156] : memref<1769472xf32, #tpu.memory_space<vmem_shared>> -> memref<3456xf32, #tpu.memory_space<vmem_shared>>
    %dma_start3A_158 = tpu.memref_slice %arg10[%add3A_156] : memref<1769472xf32, #tpu.memory_space<vmem_shared>> -> memref<3456xf32, #tpu.memory_space<vmem_shared>>
    tpu.enqueue_dma source(%arg9 : memref<3456xf32, #tpu.memory_space<vmem>>) target(%dma_start3A_158 : memref<3456xf32, #tpu.memory_space<vmem_shared>>) target_semaphore(%arg15 : memref<!tpu.dma_semaphore, #tpu.memory_space<semaphore_mem>>)
    %mul3A_159 = arith.constant 110592 : i32
    %mul3A_160 = arith.muli %arg1, %mul3A_159 : i32
    %add3A_161 = arith.constant 89856 : i32
    %add3A_162 = arith.addi %mul3A_160, %add3A_161 : i32
    %dma_start3A_163 = tpu.memref_slice %arg10[%add3A_162] : memref<1769472xf32, #tpu.memory_space<vmem_shared>> -> memref<3456xf32, #tpu.memory_space<vmem_shared>>
    %dma_start3A_164 = tpu.memref_slice %arg10[%add3A_162] : memref<1769472xf32, #tpu.memory_space<vmem_shared>> -> memref<3456xf32, #tpu.memory_space<vmem_shared>>
    tpu.enqueue_dma source(%arg9 : memref<3456xf32, #tpu.memory_space<vmem>>) target(%dma_start3A_164 : memref<3456xf32, #tpu.memory_space<vmem_shared>>) target_semaphore(%arg15 : memref<!tpu.dma_semaphore, #tpu.memory_space<semaphore_mem>>)
    %mul3A_165 = arith.constant 110592 : i32
    %mul3A_166 = arith.muli %arg1, %mul3A_165 : i32
    %add3A_167 = arith.constant 93312 : i32
    %add3A_168 = arith.addi %mul3A_166, %add3A_167 : i32
    %dma_start3A_169 = tpu.memref_slice %arg10[%add3A_168] : memref<1769472xf32, #tpu.memory_space<vmem_shared>> -> memref<3456xf32, #tpu.memory_space<vmem_shared>>
    %dma_start3A_170 = tpu.memref_slice %arg10[%add3A_168] : memref<1769472xf32, #tpu.memory_space<vmem_shared>> -> memref<3456xf32, #tpu.memory_space<vmem_shared>>
    tpu.enqueue_dma source(%arg9 : memref<3456xf32, #tpu.memory_space<vmem>>) target(%dma_start3A_170 : memref<3456xf32, #tpu.memory_space<vmem_shared>>) target_semaphore(%arg15 : memref<!tpu.dma_semaphore, #tpu.memory_space<semaphore_mem>>)
    %mul3A_171 = arith.constant 110592 : i32
    %mul3A_172 = arith.muli %arg1, %mul3A_171 : i32
    %add3A_173 = arith.constant 96768 : i32
    %add3A_174 = arith.addi %mul3A_172, %add3A_173 : i32
    %dma_start3A_175 = tpu.memref_slice %arg10[%add3A_174] : memref<1769472xf32, #tpu.memory_space<vmem_shared>> -> memref<3456xf32, #tpu.memory_space<vmem_shared>>
    %dma_start3A_176 = tpu.memref_slice %arg10[%add3A_174] : memref<1769472xf32, #tpu.memory_space<vmem_shared>> -> memref<3456xf32, #tpu.memory_space<vmem_shared>>
    tpu.enqueue_dma source(%arg9 : memref<3456xf32, #tpu.memory_space<vmem>>) target(%dma_start3A_176 : memref<3456xf32, #tpu.memory_space<vmem_shared>>) target_semaphore(%arg15 : memref<!tpu.dma_semaphore, #tpu.memory_space<semaphore_mem>>)
    %mul3A_177 = arith.constant 110592 : i32
    %mul3A_178 = arith.muli %arg1, %mul3A_177 : i32
    %add3A_179 = arith.constant 100224 : i32
    %add3A_180 = arith.addi %mul3A_178, %add3A_179 : i32
    %dma_start3A_181 = tpu.memref_slice %arg10[%add3A_180] : memref<1769472xf32, #tpu.memory_space<vmem_shared>> -> memref<3456xf32, #tpu.memory_space<vmem_shared>>
    %dma_start3A_182 = tpu.memref_slice %arg10[%add3A_180] : memref<1769472xf32, #tpu.memory_space<vmem_shared>> -> memref<3456xf32, #tpu.memory_space<vmem_shared>>
    tpu.enqueue_dma source(%arg9 : memref<3456xf32, #tpu.memory_space<vmem>>) target(%dma_start3A_182 : memref<3456xf32, #tpu.memory_space<vmem_shared>>) target_semaphore(%arg15 : memref<!tpu.dma_semaphore, #tpu.memory_space<semaphore_mem>>)
    %mul3A_183 = arith.constant 110592 : i32
    %mul3A_184 = arith.muli %arg1, %mul3A_183 : i32
    %add3A_185 = arith.constant 103680 : i32
    %add3A_186 = arith.addi %mul3A_184, %add3A_185 : i32
    %dma_start3A_187 = tpu.memref_slice %arg10[%add3A_186] : memref<1769472xf32, #tpu.memory_space<vmem_shared>> -> memref<3456xf32, #tpu.memory_space<vmem_shared>>
    %dma_start3A_188 = tpu.memref_slice %arg10[%add3A_186] : memref<1769472xf32, #tpu.memory_space<vmem_shared>> -> memref<3456xf32, #tpu.memory_space<vmem_shared>>
    tpu.enqueue_dma source(%arg9 : memref<3456xf32, #tpu.memory_space<vmem>>) target(%dma_start3A_188 : memref<3456xf32, #tpu.memory_space<vmem_shared>>) target_semaphore(%arg15 : memref<!tpu.dma_semaphore, #tpu.memory_space<semaphore_mem>>)
    %mul3A_189 = arith.constant 110592 : i32
    %mul3A_190 = arith.muli %arg1, %mul3A_189 : i32
    %add3A_191 = arith.constant 107136 : i32
    %add3A_192 = arith.addi %mul3A_190, %add3A_191 : i32
    %dma_start3A_193 = tpu.memref_slice %arg10[%add3A_192] : memref<1769472xf32, #tpu.memory_space<vmem_shared>> -> memref<3456xf32, #tpu.memory_space<vmem_shared>>
    %dma_start3A_194 = tpu.memref_slice %arg10[%add3A_192] : memref<1769472xf32, #tpu.memory_space<vmem_shared>> -> memref<3456xf32, #tpu.memory_space<vmem_shared>>
    tpu.enqueue_dma source(%arg9 : memref<3456xf32, #tpu.memory_space<vmem>>) target(%dma_start3A_194 : memref<3456xf32, #tpu.memory_space<vmem_shared>>) target_semaphore(%arg15 : memref<!tpu.dma_semaphore, #tpu.memory_space<semaphore_mem>>)
    %dma_wait3A = tpu.memref_slice %arg10[%add3A_7] : memref<1769472xf32, #tpu.memory_space<vmem_shared>> -> memref<3456xf32, #tpu.memory_space<vmem_shared>>
    %dma_wait3A_195 = tpu.memref_slice %arg10[%add3A_7] : memref<1769472xf32, #tpu.memory_space<vmem_shared>> -> memref<3456xf32, #tpu.memory_space<vmem_shared>>
    tpu.wait_dma2 semaphore(%arg15 : memref<!tpu.dma_semaphore, #tpu.memory_space<semaphore_mem>>) src(%arg9 : memref<3456xf32, #tpu.memory_space<vmem>>) dst(%dma_wait3A_195 : memref<3456xf32, #tpu.memory_space<vmem_shared>>)
    %dma_wait3A_196 = tpu.memref_slice %arg10[%add3A_12] : memref<1769472xf32, #tpu.memory_space<vmem_shared>> -> memref<3456xf32, #tpu.memory_space<vmem_shared>>
    %dma_wait3A_197 = tpu.memref_slice %arg10[%add3A_12] : memref<1769472xf32, #tpu.memory_space<vmem_shared>> -> memref<3456xf32, #tpu.memory_space<vmem_shared>>
    tpu.wait_dma2 semaphore(%arg15 : memref<!tpu.dma_semaphore, #tpu.memory_space<semaphore_mem>>) src(%arg9 : memref<3456xf32, #tpu.memory_space<vmem>>) dst(%dma_wait3A_197 : memref<3456xf32, #tpu.memory_space<vmem_shared>>)
    %dma_wait3A_198 = tpu.memref_slice %arg10[%add3A_18] : memref<1769472xf32, #tpu.memory_space<vmem_shared>> -> memref<3456xf32, #tpu.memory_space<vmem_shared>>
    %dma_wait3A_199 = tpu.memref_slice %arg10[%add3A_18] : memref<1769472xf32, #tpu.memory_space<vmem_shared>> -> memref<3456xf32, #tpu.memory_space<vmem_shared>>
    tpu.wait_dma2 semaphore(%arg15 : memref<!tpu.dma_semaphore, #tpu.memory_space<semaphore_mem>>) src(%arg9 : memref<3456xf32, #tpu.memory_space<vmem>>) dst(%dma_wait3A_199 : memref<3456xf32, #tpu.memory_space<vmem_shared>>)
    %dma_wait3A_200 = tpu.memref_slice %arg10[%add3A_24] : memref<1769472xf32, #tpu.memory_space<vmem_shared>> -> memref<3456xf32, #tpu.memory_space<vmem_shared>>
    %dma_wait3A_201 = tpu.memref_slice %arg10[%add3A_24] : memref<1769472xf32, #tpu.memory_space<vmem_shared>> -> memref<3456xf32, #tpu.memory_space<vmem_shared>>
    tpu.wait_dma2 semaphore(%arg15 : memref<!tpu.dma_semaphore, #tpu.memory_space<semaphore_mem>>) src(%arg9 : memref<3456xf32, #tpu.memory_space<vmem>>) dst(%dma_wait3A_201 : memref<3456xf32, #tpu.memory_space<vmem_shared>>)
    %dma_wait3A_202 = tpu.memref_slice %arg10[%add3A_30] : memref<1769472xf32, #tpu.memory_space<vmem_shared>> -> memref<3456xf32, #tpu.memory_space<vmem_shared>>
    %dma_wait3A_203 = tpu.memref_slice %arg10[%add3A_30] : memref<1769472xf32, #tpu.memory_space<vmem_shared>> -> memref<3456xf32, #tpu.memory_space<vmem_shared>>
    tpu.wait_dma2 semaphore(%arg15 : memref<!tpu.dma_semaphore, #tpu.memory_space<semaphore_mem>>) src(%arg9 : memref<3456xf32, #tpu.memory_space<vmem>>) dst(%dma_wait3A_203 : memref<3456xf32, #tpu.memory_space<vmem_shared>>)
    %dma_wait3A_204 = tpu.memref_slice %arg10[%add3A_36] : memref<1769472xf32, #tpu.memory_space<vmem_shared>> -> memref<3456xf32, #tpu.memory_space<vmem_shared>>
    %dma_wait3A_205 = tpu.memref_slice %arg10[%add3A_36] : memref<1769472xf32, #tpu.memory_space<vmem_shared>> -> memref<3456xf32, #tpu.memory_space<vmem_shared>>
    tpu.wait_dma2 semaphore(%arg15 : memref<!tpu.dma_semaphore, #tpu.memory_space<semaphore_mem>>) src(%arg9 : memref<3456xf32, #tpu.memory_space<vmem>>) dst(%dma_wait3A_205 : memref<3456xf32, #tpu.memory_space<vmem_shared>>)
    %dma_wait3A_206 = tpu.memref_slice %arg10[%add3A_42] : memref<1769472xf32, #tpu.memory_space<vmem_shared>> -> memref<3456xf32, #tpu.memory_space<vmem_shared>>
    %dma_wait3A_207 = tpu.memref_slice %arg10[%add3A_42] : memref<1769472xf32, #tpu.memory_space<vmem_shared>> -> memref<3456xf32, #tpu.memory_space<vmem_shared>>
    tpu.wait_dma2 semaphore(%arg15 : memref<!tpu.dma_semaphore, #tpu.memory_space<semaphore_mem>>) src(%arg9 : memref<3456xf32, #tpu.memory_space<vmem>>) dst(%dma_wait3A_207 : memref<3456xf32, #tpu.memory_space<vmem_shared>>)
    %dma_wait3A_208 = tpu.memref_slice %arg10[%add3A_48] : memref<1769472xf32, #tpu.memory_space<vmem_shared>> -> memref<3456xf32, #tpu.memory_space<vmem_shared>>
    %dma_wait3A_209 = tpu.memref_slice %arg10[%add3A_48] : memref<1769472xf32, #tpu.memory_space<vmem_shared>> -> memref<3456xf32, #tpu.memory_space<vmem_shared>>
    tpu.wait_dma2 semaphore(%arg15 : memref<!tpu.dma_semaphore, #tpu.memory_space<semaphore_mem>>) src(%arg9 : memref<3456xf32, #tpu.memory_space<vmem>>) dst(%dma_wait3A_209 : memref<3456xf32, #tpu.memory_space<vmem_shared>>)
    %dma_wait3A_210 = tpu.memref_slice %arg10[%add3A_54] : memref<1769472xf32, #tpu.memory_space<vmem_shared>> -> memref<3456xf32, #tpu.memory_space<vmem_shared>>
    %dma_wait3A_211 = tpu.memref_slice %arg10[%add3A_54] : memref<1769472xf32, #tpu.memory_space<vmem_shared>> -> memref<3456xf32, #tpu.memory_space<vmem_shared>>
    tpu.wait_dma2 semaphore(%arg15 : memref<!tpu.dma_semaphore, #tpu.memory_space<semaphore_mem>>) src(%arg9 : memref<3456xf32, #tpu.memory_space<vmem>>) dst(%dma_wait3A_211 : memref<3456xf32, #tpu.memory_space<vmem_shared>>)
    %dma_wait3A_212 = tpu.memref_slice %arg10[%add3A_60] : memref<1769472xf32, #tpu.memory_space<vmem_shared>> -> memref<3456xf32, #tpu.memory_space<vmem_shared>>
    %dma_wait3A_213 = tpu.memref_slice %arg10[%add3A_60] : memref<1769472xf32, #tpu.memory_space<vmem_shared>> -> memref<3456xf32, #tpu.memory_space<vmem_shared>>
    tpu.wait_dma2 semaphore(%arg15 : memref<!tpu.dma_semaphore, #tpu.memory_space<semaphore_mem>>) src(%arg9 : memref<3456xf32, #tpu.memory_space<vmem>>) dst(%dma_wait3A_213 : memref<3456xf32, #tpu.memory_space<vmem_shared>>)
    %dma_wait3A_214 = tpu.memref_slice %arg10[%add3A_66] : memref<1769472xf32, #tpu.memory_space<vmem_shared>> -> memref<3456xf32, #tpu.memory_space<vmem_shared>>
    %dma_wait3A_215 = tpu.memref_slice %arg10[%add3A_66] : memref<1769472xf32, #tpu.memory_space<vmem_shared>> -> memref<3456xf32, #tpu.memory_space<vmem_shared>>
    tpu.wait_dma2 semaphore(%arg15 : memref<!tpu.dma_semaphore, #tpu.memory_space<semaphore_mem>>) src(%arg9 : memref<3456xf32, #tpu.memory_space<vmem>>) dst(%dma_wait3A_215 : memref<3456xf32, #tpu.memory_space<vmem_shared>>)
    %dma_wait3A_216 = tpu.memref_slice %arg10[%add3A_72] : memref<1769472xf32, #tpu.memory_space<vmem_shared>> -> memref<3456xf32, #tpu.memory_space<vmem_shared>>
    %dma_wait3A_217 = tpu.memref_slice %arg10[%add3A_72] : memref<1769472xf32, #tpu.memory_space<vmem_shared>> -> memref<3456xf32, #tpu.memory_space<vmem_shared>>
    tpu.wait_dma2 semaphore(%arg15 : memref<!tpu.dma_semaphore, #tpu.memory_space<semaphore_mem>>) src(%arg9 : memref<3456xf32, #tpu.memory_space<vmem>>) dst(%dma_wait3A_217 : memref<3456xf32, #tpu.memory_space<vmem_shared>>)
    %dma_wait3A_218 = tpu.memref_slice %arg10[%add3A_78] : memref<1769472xf32, #tpu.memory_space<vmem_shared>> -> memref<3456xf32, #tpu.memory_space<vmem_shared>>
    %dma_wait3A_219 = tpu.memref_slice %arg10[%add3A_78] : memref<1769472xf32, #tpu.memory_space<vmem_shared>> -> memref<3456xf32, #tpu.memory_space<vmem_shared>>
    tpu.wait_dma2 semaphore(%arg15 : memref<!tpu.dma_semaphore, #tpu.memory_space<semaphore_mem>>) src(%arg9 : memref<3456xf32, #tpu.memory_space<vmem>>) dst(%dma_wait3A_219 : memref<3456xf32, #tpu.memory_space<vmem_shared>>)
    %dma_wait3A_220 = tpu.memref_slice %arg10[%add3A_84] : memref<1769472xf32, #tpu.memory_space<vmem_shared>> -> memref<3456xf32, #tpu.memory_space<vmem_shared>>
    %dma_wait3A_221 = tpu.memref_slice %arg10[%add3A_84] : memref<1769472xf32, #tpu.memory_space<vmem_shared>> -> memref<3456xf32, #tpu.memory_space<vmem_shared>>
    tpu.wait_dma2 semaphore(%arg15 : memref<!tpu.dma_semaphore, #tpu.memory_space<semaphore_mem>>) src(%arg9 : memref<3456xf32, #tpu.memory_space<vmem>>) dst(%dma_wait3A_221 : memref<3456xf32, #tpu.memory_space<vmem_shared>>)
    %dma_wait3A_222 = tpu.memref_slice %arg10[%add3A_90] : memref<1769472xf32, #tpu.memory_space<vmem_shared>> -> memref<3456xf32, #tpu.memory_space<vmem_shared>>
    %dma_wait3A_223 = tpu.memref_slice %arg10[%add3A_90] : memref<1769472xf32, #tpu.memory_space<vmem_shared>> -> memref<3456xf32, #tpu.memory_space<vmem_shared>>
    tpu.wait_dma2 semaphore(%arg15 : memref<!tpu.dma_semaphore, #tpu.memory_space<semaphore_mem>>) src(%arg9 : memref<3456xf32, #tpu.memory_space<vmem>>) dst(%dma_wait3A_223 : memref<3456xf32, #tpu.memory_space<vmem_shared>>)
    %dma_wait3A_224 = tpu.memref_slice %arg10[%add3A_96] : memref<1769472xf32, #tpu.memory_space<vmem_shared>> -> memref<3456xf32, #tpu.memory_space<vmem_shared>>
    %dma_wait3A_225 = tpu.memref_slice %arg10[%add3A_96] : memref<1769472xf32, #tpu.memory_space<vmem_shared>> -> memref<3456xf32, #tpu.memory_space<vmem_shared>>
    tpu.wait_dma2 semaphore(%arg15 : memref<!tpu.dma_semaphore, #tpu.memory_space<semaphore_mem>>) src(%arg9 : memref<3456xf32, #tpu.memory_space<vmem>>) dst(%dma_wait3A_225 : memref<3456xf32, #tpu.memory_space<vmem_shared>>)
    %dma_wait3A_226 = tpu.memref_slice %arg10[%add3A_102] : memref<1769472xf32, #tpu.memory_space<vmem_shared>> -> memref<3456xf32, #tpu.memory_space<vmem_shared>>
    %dma_wait3A_227 = tpu.memref_slice %arg10[%add3A_102] : memref<1769472xf32, #tpu.memory_space<vmem_shared>> -> memref<3456xf32, #tpu.memory_space<vmem_shared>>
    tpu.wait_dma2 semaphore(%arg15 : memref<!tpu.dma_semaphore, #tpu.memory_space<semaphore_mem>>) src(%arg9 : memref<3456xf32, #tpu.memory_space<vmem>>) dst(%dma_wait3A_227 : memref<3456xf32, #tpu.memory_space<vmem_shared>>)
    %dma_wait3A_228 = tpu.memref_slice %arg10[%add3A_108] : memref<1769472xf32, #tpu.memory_space<vmem_shared>> -> memref<3456xf32, #tpu.memory_space<vmem_shared>>
    %dma_wait3A_229 = tpu.memref_slice %arg10[%add3A_108] : memref<1769472xf32, #tpu.memory_space<vmem_shared>> -> memref<3456xf32, #tpu.memory_space<vmem_shared>>
    tpu.wait_dma2 semaphore(%arg15 : memref<!tpu.dma_semaphore, #tpu.memory_space<semaphore_mem>>) src(%arg9 : memref<3456xf32, #tpu.memory_space<vmem>>) dst(%dma_wait3A_229 : memref<3456xf32, #tpu.memory_space<vmem_shared>>)
    %dma_wait3A_230 = tpu.memref_slice %arg10[%add3A_114] : memref<1769472xf32, #tpu.memory_space<vmem_shared>> -> memref<3456xf32, #tpu.memory_space<vmem_shared>>
    %dma_wait3A_231 = tpu.memref_slice %arg10[%add3A_114] : memref<1769472xf32, #tpu.memory_space<vmem_shared>> -> memref<3456xf32, #tpu.memory_space<vmem_shared>>
    tpu.wait_dma2 semaphore(%arg15 : memref<!tpu.dma_semaphore, #tpu.memory_space<semaphore_mem>>) src(%arg9 : memref<3456xf32, #tpu.memory_space<vmem>>) dst(%dma_wait3A_231 : memref<3456xf32, #tpu.memory_space<vmem_shared>>)
    %dma_wait3A_232 = tpu.memref_slice %arg10[%add3A_120] : memref<1769472xf32, #tpu.memory_space<vmem_shared>> -> memref<3456xf32, #tpu.memory_space<vmem_shared>>
    %dma_wait3A_233 = tpu.memref_slice %arg10[%add3A_120] : memref<1769472xf32, #tpu.memory_space<vmem_shared>> -> memref<3456xf32, #tpu.memory_space<vmem_shared>>
    tpu.wait_dma2 semaphore(%arg15 : memref<!tpu.dma_semaphore, #tpu.memory_space<semaphore_mem>>) src(%arg9 : memref<3456xf32, #tpu.memory_space<vmem>>) dst(%dma_wait3A_233 : memref<3456xf32, #tpu.memory_space<vmem_shared>>)
    %dma_wait3A_234 = tpu.memref_slice %arg10[%add3A_126] : memref<1769472xf32, #tpu.memory_space<vmem_shared>> -> memref<3456xf32, #tpu.memory_space<vmem_shared>>
    %dma_wait3A_235 = tpu.memref_slice %arg10[%add3A_126] : memref<1769472xf32, #tpu.memory_space<vmem_shared>> -> memref<3456xf32, #tpu.memory_space<vmem_shared>>
    tpu.wait_dma2 semaphore(%arg15 : memref<!tpu.dma_semaphore, #tpu.memory_space<semaphore_mem>>) src(%arg9 : memref<3456xf32, #tpu.memory_space<vmem>>) dst(%dma_wait3A_235 : memref<3456xf32, #tpu.memory_space<vmem_shared>>)
    %dma_wait3A_236 = tpu.memref_slice %arg10[%add3A_132] : memref<1769472xf32, #tpu.memory_space<vmem_shared>> -> memref<3456xf32, #tpu.memory_space<vmem_shared>>
    %dma_wait3A_237 = tpu.memref_slice %arg10[%add3A_132] : memref<1769472xf32, #tpu.memory_space<vmem_shared>> -> memref<3456xf32, #tpu.memory_space<vmem_shared>>
    tpu.wait_dma2 semaphore(%arg15 : memref<!tpu.dma_semaphore, #tpu.memory_space<semaphore_mem>>) src(%arg9 : memref<3456xf32, #tpu.memory_space<vmem>>) dst(%dma_wait3A_237 : memref<3456xf32, #tpu.memory_space<vmem_shared>>)
    %dma_wait3A_238 = tpu.memref_slice %arg10[%add3A_138] : memref<1769472xf32, #tpu.memory_space<vmem_shared>> -> memref<3456xf32, #tpu.memory_space<vmem_shared>>
    %dma_wait3A_239 = tpu.memref_slice %arg10[%add3A_138] : memref<1769472xf32, #tpu.memory_space<vmem_shared>> -> memref<3456xf32, #tpu.memory_space<vmem_shared>>
    tpu.wait_dma2 semaphore(%arg15 : memref<!tpu.dma_semaphore, #tpu.memory_space<semaphore_mem>>) src(%arg9 : memref<3456xf32, #tpu.memory_space<vmem>>) dst(%dma_wait3A_239 : memref<3456xf32, #tpu.memory_space<vmem_shared>>)
    %dma_wait3A_240 = tpu.memref_slice %arg10[%add3A_144] : memref<1769472xf32, #tpu.memory_space<vmem_shared>> -> memref<3456xf32, #tpu.memory_space<vmem_shared>>
    %dma_wait3A_241 = tpu.memref_slice %arg10[%add3A_144] : memref<1769472xf32, #tpu.memory_space<vmem_shared>> -> memref<3456xf32, #tpu.memory_space<vmem_shared>>
    tpu.wait_dma2 semaphore(%arg15 : memref<!tpu.dma_semaphore, #tpu.memory_space<semaphore_mem>>) src(%arg9 : memref<3456xf32, #tpu.memory_space<vmem>>) dst(%dma_wait3A_241 : memref<3456xf32, #tpu.memory_space<vmem_shared>>)
    %dma_wait3A_242 = tpu.memref_slice %arg10[%add3A_150] : memref<1769472xf32, #tpu.memory_space<vmem_shared>> -> memref<3456xf32, #tpu.memory_space<vmem_shared>>
    %dma_wait3A_243 = tpu.memref_slice %arg10[%add3A_150] : memref<1769472xf32, #tpu.memory_space<vmem_shared>> -> memref<3456xf32, #tpu.memory_space<vmem_shared>>
    tpu.wait_dma2 semaphore(%arg15 : memref<!tpu.dma_semaphore, #tpu.memory_space<semaphore_mem>>) src(%arg9 : memref<3456xf32, #tpu.memory_space<vmem>>) dst(%dma_wait3A_243 : memref<3456xf32, #tpu.memory_space<vmem_shared>>)
    %dma_wait3A_244 = tpu.memref_slice %arg10[%add3A_156] : memref<1769472xf32, #tpu.memory_space<vmem_shared>> -> memref<3456xf32, #tpu.memory_space<vmem_shared>>
    %dma_wait3A_245 = tpu.memref_slice %arg10[%add3A_156] : memref<1769472xf32, #tpu.memory_space<vmem_shared>> -> memref<3456xf32, #tpu.memory_space<vmem_shared>>
    tpu.wait_dma2 semaphore(%arg15 : memref<!tpu.dma_semaphore, #tpu.memory_space<semaphore_mem>>) src(%arg9 : memref<3456xf32, #tpu.memory_space<vmem>>) dst(%dma_wait3A_245 : memref<3456xf32, #tpu.memory_space<vmem_shared>>)
    %dma_wait3A_246 = tpu.memref_slice %arg10[%add3A_162] : memref<1769472xf32, #tpu.memory_space<vmem_shared>> -> memref<3456xf32, #tpu.memory_space<vmem_shared>>
    %dma_wait3A_247 = tpu.memref_slice %arg10[%add3A_162] : memref<1769472xf32, #tpu.memory_space<vmem_shared>> -> memref<3456xf32, #tpu.memory_space<vmem_shared>>
    tpu.wait_dma2 semaphore(%arg15 : memref<!tpu.dma_semaphore, #tpu.memory_space<semaphore_mem>>) src(%arg9 : memref<3456xf32, #tpu.memory_space<vmem>>) dst(%dma_wait3A_247 : memref<3456xf32, #tpu.memory_space<vmem_shared>>)
    %dma_wait3A_248 = tpu.memref_slice %arg10[%add3A_168] : memref<1769472xf32, #tpu.memory_space<vmem_shared>> -> memref<3456xf32, #tpu.memory_space<vmem_shared>>
    %dma_wait3A_249 = tpu.memref_slice %arg10[%add3A_168] : memref<1769472xf32, #tpu.memory_space<vmem_shared>> -> memref<3456xf32, #tpu.memory_space<vmem_shared>>
    tpu.wait_dma2 semaphore(%arg15 : memref<!tpu.dma_semaphore, #tpu.memory_space<semaphore_mem>>) src(%arg9 : memref<3456xf32, #tpu.memory_space<vmem>>) dst(%dma_wait3A_249 : memref<3456xf32, #tpu.memory_space<vmem_shared>>)
    %dma_wait3A_250 = tpu.memref_slice %arg10[%add3A_174] : memref<1769472xf32, #tpu.memory_space<vmem_shared>> -> memref<3456xf32, #tpu.memory_space<vmem_shared>>
    %dma_wait3A_251 = tpu.memref_slice %arg10[%add3A_174] : memref<1769472xf32, #tpu.memory_space<vmem_shared>> -> memref<3456xf32, #tpu.memory_space<vmem_shared>>
    tpu.wait_dma2 semaphore(%arg15 : memref<!tpu.dma_semaphore, #tpu.memory_space<semaphore_mem>>) src(%arg9 : memref<3456xf32, #tpu.memory_space<vmem>>) dst(%dma_wait3A_251 : memref<3456xf32, #tpu.memory_space<vmem_shared>>)
    %dma_wait3A_252 = tpu.memref_slice %arg10[%add3A_180] : memref<1769472xf32, #tpu.memory_space<vmem_shared>> -> memref<3456xf32, #tpu.memory_space<vmem_shared>>
    %dma_wait3A_253 = tpu.memref_slice %arg10[%add3A_180] : memref<1769472xf32, #tpu.memory_space<vmem_shared>> -> memref<3456xf32, #tpu.memory_space<vmem_shared>>
    tpu.wait_dma2 semaphore(%arg15 : memref<!tpu.dma_semaphore, #tpu.memory_space<semaphore_mem>>) src(%arg9 : memref<3456xf32, #tpu.memory_space<vmem>>) dst(%dma_wait3A_253 : memref<3456xf32, #tpu.memory_space<vmem_shared>>)
    %dma_wait3A_254 = tpu.memref_slice %arg10[%add3A_186] : memref<1769472xf32, #tpu.memory_space<vmem_shared>> -> memref<3456xf32, #tpu.memory_space<vmem_shared>>
    %dma_wait3A_255 = tpu.memref_slice %arg10[%add3A_186] : memref<1769472xf32, #tpu.memory_space<vmem_shared>> -> memref<3456xf32, #tpu.memory_space<vmem_shared>>
    tpu.wait_dma2 semaphore(%arg15 : memref<!tpu.dma_semaphore, #tpu.memory_space<semaphore_mem>>) src(%arg9 : memref<3456xf32, #tpu.memory_space<vmem>>) dst(%dma_wait3A_255 : memref<3456xf32, #tpu.memory_space<vmem_shared>>)
    %dma_wait3A_256 = tpu.memref_slice %arg10[%add3A_192] : memref<1769472xf32, #tpu.memory_space<vmem_shared>> -> memref<3456xf32, #tpu.memory_space<vmem_shared>>
    %dma_wait3A_257 = tpu.memref_slice %arg10[%add3A_192] : memref<1769472xf32, #tpu.memory_space<vmem_shared>> -> memref<3456xf32, #tpu.memory_space<vmem_shared>>
    tpu.wait_dma2 semaphore(%arg15 : memref<!tpu.dma_semaphore, #tpu.memory_space<semaphore_mem>>) src(%arg9 : memref<3456xf32, #tpu.memory_space<vmem>>) dst(%dma_wait3A_257 : memref<3456xf32, #tpu.memory_space<vmem_shared>>)
    %barrier3A = arith.constant 0 : index
    tpu.barrier barrier_id(%barrier3A)
    %scan3A_258 = arith.constant 0 : i32
    %scan3A_259 = arith.constant 0 : i32
    %scan3A_260 = arith.constant 16 : i32
    %scan3A_261 = arith.addi %scan3A_259, %scan3A_260 : i32
    %scan3A_262 = arith.constant 1 : i32
    scf.for %scan3A_264 = %scan3A_259 to %scan3A_261 step %scan3A_262  : i32 {
      %mul3A_265 = arith.constant 2 : i32
      %mul3A_266 = arith.muli %arg0, %mul3A_265 : i32
      %jit3A = arith.constant 8 : i32
      %div3A = arith.divsi %scan3A_264, %jit3A : i32
      %sign3A = arith.constant 0 : i32
      %sign3A_267 = arith.cmpi sgt, %scan3A_264, %sign3A : i32
      %sign3A_268 = arith.extui %sign3A_267 : i1 to i32
      %sign3A_269 = arith.constant 0 : i32
      %sign3A_270 = arith.cmpi slt, %scan3A_264, %sign3A_269 : i32
      %sign3A_271 = arith.extui %sign3A_270 : i1 to i32
      %sign3A_272 = arith.subi %sign3A_268, %sign3A_271 : i32
      %sign3A_273 = arith.constant 0 : i32
      %sign3A_274 = arith.cmpi sgt, %jit3A, %sign3A_273 : i32
      %sign3A_275 = arith.extui %sign3A_274 : i1 to i32
      %sign3A_276 = arith.constant 0 : i32
      %sign3A_277 = arith.cmpi slt, %jit3A, %sign3A_276 : i32
      %sign3A_278 = arith.extui %sign3A_277 : i1 to i32
      %sign3A_279 = arith.subi %sign3A_275, %sign3A_278 : i32
      %ne3A = arith.cmpi ne, %sign3A_272, %sign3A_279 : i32
      %rem3A = arith.remsi %scan3A_264, %jit3A : i32
      %ne3A_280 = arith.constant 0 : i32
      %ne3A_281 = arith.cmpi ne, %rem3A, %ne3A_280 : i32
      %and3A = arith.andi %ne3A, %ne3A_281 : i1
      %sub3A = arith.constant 1 : i32
      %sub3A_282 = arith.subi %div3A, %sub3A : i32
      %select_n3A = arith.select %and3A, %sub3A_282, %div3A : i32
      %add3A_283 = arith.addi %mul3A_266, %select_n3A : i32
      %jit3A_284 = arith.constant 8 : i32
      %eq3A = arith.constant 0 : i32
      %eq3A_285 = arith.cmpi eq, %jit3A_284, %eq3A : i32
      %jit3A_286 = arith.constant 1 : i32
      %select_n3A_287 = arith.select %eq3A_285, %jit3A_286, %jit3A_284 : i32
      %rem3A_288 = arith.remsi %scan3A_264, %select_n3A_287 : i32
      %ne3A_289 = arith.constant 0 : i32
      %ne3A_290 = arith.cmpi ne, %rem3A_288, %ne3A_289 : i32
      %lt3A = arith.constant 0 : i32
      %lt3A_291 = arith.cmpi slt, %rem3A_288, %lt3A : i32
      %lt3A_292 = arith.constant 0 : i32
      %lt3A_293 = arith.cmpi slt, %select_n3A_287, %lt3A_292 : i32
      %ne3A_294 = arith.xori %lt3A_291, %lt3A_293 : i1
      %and3A_295 = arith.andi %ne3A_294, %ne3A_290 : i1
      %add3A_296 = arith.addi %rem3A_288, %select_n3A_287 : i32
      %select_n3A_297 = arith.select %and3A_295, %add3A_296, %rem3A_288 : i32
      %mul3A_298 = arith.constant 1769472 : i32
      %mul3A_299 = arith.muli %select_n3A_297, %mul3A_298 : i32
      %mul3A_300 = arith.constant 27648 : i32
      %mul3A_301 = arith.muli %add3A_283, %mul3A_300 : i32
      %mul3A_302 = arith.constant 1728 : i32
      %mul3A_303 = arith.muli %arg1, %mul3A_302 : i32
      %add3A_304 = arith.addi %mul3A_301, %mul3A_303 : i32
      %add3A_305 = arith.constant 0 : i32
      %add3A_306 = arith.addi %add3A_304, %add3A_305 : i32
      %dma_start3A_307 = arith.constant 0 : i32
      %dma_start3A_308 = tpu.memref_slice %arg3[%add3A_306, %dma_start3A_307] : memref<110592x128xi32, #tpu.memory_space<hbm>> -> memref<32x128xi32, #tpu.memory_space<hbm>>
      %dma_start3A_309 = arith.constant 0 : i32
      %dma_start3A_310 = tpu.memref_slice %arg3[%add3A_306, %dma_start3A_309] : memref<110592x128xi32, #tpu.memory_space<hbm>> -> memref<32x128xi32, #tpu.memory_space<hbm>>
      tpu.enqueue_dma source(%dma_start3A_310 : memref<32x128xi32, #tpu.memory_space<hbm>>) target(%arg5 : memref<32x128xi32, #tpu.memory_space<vmem>>) target_semaphore(%arg11 : memref<!tpu.dma_semaphore, #tpu.memory_space<semaphore_mem>>)
      %dma_start3A_311 = arith.constant 0 : i32
      %dma_start3A_312 = tpu.memref_slice %arg2[%add3A_306, %dma_start3A_311] : memref<110592x128xf32, #tpu.memory_space<hbm>> -> memref<32x128xf32, #tpu.memory_space<hbm>>
      %dma_start3A_313 = arith.constant 0 : i32
      %dma_start3A_314 = tpu.memref_slice %arg2[%add3A_306, %dma_start3A_313] : memref<110592x128xf32, #tpu.memory_space<hbm>> -> memref<32x128xf32, #tpu.memory_space<hbm>>
      tpu.enqueue_dma source(%dma_start3A_314 : memref<32x128xf32, #tpu.memory_space<hbm>>) target(%arg7 : memref<32x128xf32, #tpu.memory_space<vmem>>) target_semaphore(%arg11 : memref<!tpu.dma_semaphore, #tpu.memory_space<semaphore_mem>>)
      %add3A_315 = arith.constant 32 : i32
      %add3A_316 = arith.addi %add3A_304, %add3A_315 : i32
      %dma_start3A_317 = arith.constant 0 : i32
      %dma_start3A_318 = tpu.memref_slice %arg3[%add3A_316, %dma_start3A_317] : memref<110592x128xi32, #tpu.memory_space<hbm>> -> memref<32x128xi32, #tpu.memory_space<hbm>>
      %dma_start3A_319 = arith.constant 0 : i32
      %dma_start3A_320 = tpu.memref_slice %arg3[%add3A_316, %dma_start3A_319] : memref<110592x128xi32, #tpu.memory_space<hbm>> -> memref<32x128xi32, #tpu.memory_space<hbm>>
      tpu.enqueue_dma source(%dma_start3A_320 : memref<32x128xi32, #tpu.memory_space<hbm>>) target(%arg6 : memref<32x128xi32, #tpu.memory_space<vmem>>) target_semaphore(%arg12 : memref<!tpu.dma_semaphore, #tpu.memory_space<semaphore_mem>>)
      %dma_start3A_321 = arith.constant 0 : i32
      %dma_start3A_322 = tpu.memref_slice %arg2[%add3A_316, %dma_start3A_321] : memref<110592x128xf32, #tpu.memory_space<hbm>> -> memref<32x128xf32, #tpu.memory_space<hbm>>
      %dma_start3A_323 = arith.constant 0 : i32
      %dma_start3A_324 = tpu.memref_slice %arg2[%add3A_316, %dma_start3A_323] : memref<110592x128xf32, #tpu.memory_space<hbm>> -> memref<32x128xf32, #tpu.memory_space<hbm>>
      tpu.enqueue_dma source(%dma_start3A_324 : memref<32x128xf32, #tpu.memory_space<hbm>>) target(%arg8 : memref<32x128xf32, #tpu.memory_space<vmem>>) target_semaphore(%arg12 : memref<!tpu.dma_semaphore, #tpu.memory_space<semaphore_mem>>)
      %scan3A_325 = arith.constant 0 : i32
      %scan3A_326 = arith.constant 0 : i32
      %scan3A_327 = arith.constant 27 : i32
      %scan3A_328 = arith.addi %scan3A_326, %scan3A_327 : i32
      %scan3A_329 = arith.constant 1 : i32
      scf.for %scan3A_597 = %scan3A_326 to %scan3A_328 step %scan3A_329  : i32 {
        %mul3A_598 = arith.constant 2 : i32
        %mul3A_599 = arith.muli %scan3A_597, %mul3A_598 : i32
        %add3A_600 = arith.constant 0 : i32
        %add3A_601 = arith.addi %mul3A_599, %add3A_600 : i32
        %dma_wait3A_602 = arith.constant 0 : i32
        %dma_wait3A_603 = arith.constant 0 : i32
        %dma_wait3A_604 = tpu.memref_slice %arg3[%dma_wait3A_602, %dma_wait3A_603] : memref<110592x128xi32, #tpu.memory_space<hbm>> -> memref<32x128xi32, #tpu.memory_space<hbm>>
        %dma_wait3A_605 = arith.constant 0 : i32
        %dma_wait3A_606 = arith.constant 0 : i32
        %dma_wait3A_607 = tpu.memref_slice %arg3[%dma_wait3A_605, %dma_wait3A_606] : memref<110592x128xi32, #tpu.memory_space<hbm>> -> memref<32x128xi32, #tpu.memory_space<hbm>>
        tpu.wait_dma2 semaphore(%arg11 : memref<!tpu.dma_semaphore, #tpu.memory_space<semaphore_mem>>) src(%dma_wait3A_607 : memref<32x128xi32, #tpu.memory_space<hbm>>) dst(%arg5 : memref<32x128xi32, #tpu.memory_space<vmem>>)
        %dma_wait3A_608 = arith.constant 0 : i32
        %dma_wait3A_609 = arith.constant 0 : i32
        %dma_wait3A_610 = tpu.memref_slice %arg2[%dma_wait3A_608, %dma_wait3A_609] : memref<110592x128xf32, #tpu.memory_space<hbm>> -> memref<32x128xf32, #tpu.memory_space<hbm>>
        %dma_wait3A_611 = arith.constant 0 : i32
        %dma_wait3A_612 = arith.constant 0 : i32
        %dma_wait3A_613 = tpu.memref_slice %arg2[%dma_wait3A_611, %dma_wait3A_612] : memref<110592x128xf32, #tpu.memory_space<hbm>> -> memref<32x128xf32, #tpu.memory_space<hbm>>
        tpu.wait_dma2 semaphore(%arg11 : memref<!tpu.dma_semaphore, #tpu.memory_space<semaphore_mem>>) src(%dma_wait3A_613 : memref<32x128xf32, #tpu.memory_space<hbm>>) dst(%arg7 : memref<32x128xf32, #tpu.memory_space<vmem>>)
        %scan3A_614 = arith.constant 0 : i32
        %scan3A_615 = arith.constant 0 : i32
        %scan3A_616 = arith.constant 32 : i32
        %scan3A_617 = arith.addi %scan3A_615, %scan3A_616 : i32
        %scan3A_618 = arith.constant 1 : i32
        scf.for %scan3A_666 = %scan3A_615 to %scan3A_617 step %scan3A_618  : i32 {
          %get3A = arith.index_cast %scan3A_666 : i32 to index
          %get3A_667 = arith.constant 0 : index
          %get3A_668 = tpu.vector_load %arg5[%get3A, %get3A_667] {strides = array<i32>} : memref<32x128xi32, #tpu.memory_space<vmem>>, vector<1x16xi32>,
          %get3A_669 = vector.shape_cast %get3A_668 : vector<1x16xi32> to vector<16xi32>
          %sub3A_670 = vector.broadcast %mul3A_299 : i32 to vector<16xi32>
          %sub3A_671 = arith.subi %get3A_669, %sub3A_670 : vector<16xi32>
          %bitcast3A = vector.bitcast %sub3A_671 : vector<16xi32> to vector<16xi32>
          %lt3A_672 = arith.constant 1769472 : i32
          %lt3A_673 = vector.broadcast %lt3A_672 : i32 to vector<16xi32>
          %lt3A_674 = arith.cmpi ult, %bitcast3A, %lt3A_673 : vector<16xi32>
          %jit3A_675 = arith.constant -1 : i32
          %broadcast_in_dim3A_676 = vector.broadcast %jit3A_675 : i32 to vector<16xi32>
          %select_n3A_677 = arith.select %lt3A_674, %sub3A_671, %broadcast_in_dim3A_676 : vector<16xi1>, vector<16xi32>
          %swap3A = arith.index_cast %scan3A_666 : i32 to index
          %swap3A_678 = arith.constant 0 : index
          %swap3A_679 = tpu.vector_load %arg5[%swap3A, %swap3A_678] {strides = array<i32>} : memref<32x128xi32, #tpu.memory_space<vmem>>, vector<1x16xi32>,
          %swap3A_680 = vector.shape_cast %swap3A_679 : vector<1x16xi32> to vector<16xi32>
          %swap3A_681 = vector.shape_cast %select_n3A_677 : vector<16xi32> to vector<1x16xi32>
          tpu.vector_store %arg5[%swap3A, %swap3A_678], %swap3A_681 {strides = array<i32>} : memref<32x128xi32, #tpu.memory_space<vmem>>, vector<1x16xi32>,
          %get3A_682 = arith.index_cast %scan3A_666 : i32 to index
          %get3A_683 = arith.constant 16 : index
          %get3A_684 = tpu.vector_load %arg5[%get3A_682, %get3A_683] {strides = array<i32>} : memref<32x128xi32, #tpu.memory_space<vmem>>, vector<1x16xi32>,
          %get3A_685 = vector.shape_cast %get3A_684 : vector<1x16xi32> to vector<16xi32>
          %sub3A_686 = vector.broadcast %mul3A_299 : i32 to vector<16xi32>
          %sub3A_687 = arith.subi %get3A_685, %sub3A_686 : vector<16xi32>
          %bitcast3A_688 = vector.bitcast %sub3A_687 : vector<16xi32> to vector<16xi32>
          %lt3A_689 = arith.constant 1769472 : i32
          %lt3A_690 = vector.broadcast %lt3A_689 : i32 to vector<16xi32>
          %lt3A_691 = arith.cmpi ult, %bitcast3A_688, %lt3A_690 : vector<16xi32>
          %jit3A_692 = arith.constant -1 : i32
          %broadcast_in_dim3A_693 = vector.broadcast %jit3A_692 : i32 to vector<16xi32>
          %select_n3A_694 = arith.select %lt3A_691, %sub3A_687, %broadcast_in_dim3A_693 : vector<16xi1>, vector<16xi32>
          %swap3A_695 = arith.index_cast %scan3A_666 : i32 to index
          %swap3A_696 = arith.constant 16 : index
          %swap3A_697 = tpu.vector_load %arg5[%swap3A_695, %swap3A_696] {strides = array<i32>} : memref<32x128xi32, #tpu.memory_space<vmem>>, vector<1x16xi32>,
          %swap3A_698 = vector.shape_cast %swap3A_697 : vector<1x16xi32> to vector<16xi32>
          %swap3A_699 = vector.shape_cast %select_n3A_694 : vector<16xi32> to vector<1x16xi32>
          tpu.vector_store %arg5[%swap3A_695, %swap3A_696], %swap3A_699 {strides = array<i32>} : memref<32x128xi32, #tpu.memory_space<vmem>>, vector<1x16xi32>,
          %get3A_700 = arith.index_cast %scan3A_666 : i32 to index
          %get3A_701 = arith.constant 32 : index
          %get3A_702 = tpu.vector_load %arg5[%get3A_700, %get3A_701] {strides = array<i32>} : memref<32x128xi32, #tpu.memory_space<vmem>>, vector<1x16xi32>,
          %get3A_703 = vector.shape_cast %get3A_702 : vector<1x16xi32> to vector<16xi32>
          %sub3A_704 = vector.broadcast %mul3A_299 : i32 to vector<16xi32>
          %sub3A_705 = arith.subi %get3A_703, %sub3A_704 : vector<16xi32>
          %bitcast3A_706 = vector.bitcast %sub3A_705 : vector<16xi32> to vector<16xi32>
          %lt3A_707 = arith.constant 1769472 : i32
          %lt3A_708 = vector.broadcast %lt3A_707 : i32 to vector<16xi32>
          %lt3A_709 = arith.cmpi ult, %bitcast3A_706, %lt3A_708 : vector<16xi32>
          %jit3A_710 = arith.constant -1 : i32
          %broadcast_in_dim3A_711 = vector.broadcast %jit3A_710 : i32 to vector<16xi32>
          %select_n3A_712 = arith.select %lt3A_709, %sub3A_705, %broadcast_in_dim3A_711 : vector<16xi1>, vector<16xi32>
          %swap3A_713 = arith.index_cast %scan3A_666 : i32 to index
          %swap3A_714 = arith.constant 32 : index
          %swap3A_715 = tpu.vector_load %arg5[%swap3A_713, %swap3A_714] {strides = array<i32>} : memref<32x128xi32, #tpu.memory_space<vmem>>, vector<1x16xi32>,
          %swap3A_716 = vector.shape_cast %swap3A_715 : vector<1x16xi32> to vector<16xi32>
          %swap3A_717 = vector.shape_cast %select_n3A_712 : vector<16xi32> to vector<1x16xi32>
          tpu.vector_store %arg5[%swap3A_713, %swap3A_714], %swap3A_717 {strides = array<i32>} : memref<32x128xi32, #tpu.memory_space<vmem>>, vector<1x16xi32>,
          %get3A_718 = arith.index_cast %scan3A_666 : i32 to index
          %get3A_719 = arith.constant 48 : index
          %get3A_720 = tpu.vector_load %arg5[%get3A_718, %get3A_719] {strides = array<i32>} : memref<32x128xi32, #tpu.memory_space<vmem>>, vector<1x16xi32>,
          %get3A_721 = vector.shape_cast %get3A_720 : vector<1x16xi32> to vector<16xi32>
          %sub3A_722 = vector.broadcast %mul3A_299 : i32 to vector<16xi32>
          %sub3A_723 = arith.subi %get3A_721, %sub3A_722 : vector<16xi32>
          %bitcast3A_724 = vector.bitcast %sub3A_723 : vector<16xi32> to vector<16xi32>
          %lt3A_725 = arith.constant 1769472 : i32
          %lt3A_726 = vector.broadcast %lt3A_725 : i32 to vector<16xi32>
          %lt3A_727 = arith.cmpi ult, %bitcast3A_724, %lt3A_726 : vector<16xi32>
          %jit3A_728 = arith.constant -1 : i32
          %broadcast_in_dim3A_729 = vector.broadcast %jit3A_728 : i32 to vector<16xi32>
          %select_n3A_730 = arith.select %lt3A_727, %sub3A_723, %broadcast_in_dim3A_729 : vector<16xi1>, vector<16xi32>
          %swap3A_731 = arith.index_cast %scan3A_666 : i32 to index
          %swap3A_732 = arith.constant 48 : index
          %swap3A_733 = tpu.vector_load %arg5[%swap3A_731, %swap3A_732] {strides = array<i32>} : memref<32x128xi32, #tpu.memory_space<vmem>>, vector<1x16xi32>,
          %swap3A_734 = vector.shape_cast %swap3A_733 : vector<1x16xi32> to vector<16xi32>
          %swap3A_735 = vector.shape_cast %select_n3A_730 : vector<16xi32> to vector<1x16xi32>
          tpu.vector_store %arg5[%swap3A_731, %swap3A_732], %swap3A_735 {strides = array<i32>} : memref<32x128xi32, #tpu.memory_space<vmem>>, vector<1x16xi32>,
          %get3A_736 = arith.index_cast %scan3A_666 : i32 to index
          %get3A_737 = arith.constant 64 : index
          %get3A_738 = tpu.vector_load %arg5[%get3A_736, %get3A_737] {strides = array<i32>} : memref<32x128xi32, #tpu.memory_space<vmem>>, vector<1x16xi32>,
          %get3A_739 = vector.shape_cast %get3A_738 : vector<1x16xi32> to vector<16xi32>
          %sub3A_740 = vector.broadcast %mul3A_299 : i32 to vector<16xi32>
          %sub3A_741 = arith.subi %get3A_739, %sub3A_740 : vector<16xi32>
          %bitcast3A_742 = vector.bitcast %sub3A_741 : vector<16xi32> to vector<16xi32>
          %lt3A_743 = arith.constant 1769472 : i32
          %lt3A_744 = vector.broadcast %lt3A_743 : i32 to vector<16xi32>
          %lt3A_745 = arith.cmpi ult, %bitcast3A_742, %lt3A_744 : vector<16xi32>
          %jit3A_746 = arith.constant -1 : i32
          %broadcast_in_dim3A_747 = vector.broadcast %jit3A_746 : i32 to vector<16xi32>
          %select_n3A_748 = arith.select %lt3A_745, %sub3A_741, %broadcast_in_dim3A_747 : vector<16xi1>, vector<16xi32>
          %swap3A_749 = arith.index_cast %scan3A_666 : i32 to index
          %swap3A_750 = arith.constant 64 : index
          %swap3A_751 = tpu.vector_load %arg5[%swap3A_749, %swap3A_750] {strides = array<i32>} : memref<32x128xi32, #tpu.memory_space<vmem>>, vector<1x16xi32>,
          %swap3A_752 = vector.shape_cast %swap3A_751 : vector<1x16xi32> to vector<16xi32>
          %swap3A_753 = vector.shape_cast %select_n3A_748 : vector<16xi32> to vector<1x16xi32>
          tpu.vector_store %arg5[%swap3A_749, %swap3A_750], %swap3A_753 {strides = array<i32>} : memref<32x128xi32, #tpu.memory_space<vmem>>, vector<1x16xi32>,
          %get3A_754 = arith.index_cast %scan3A_666 : i32 to index
          %get3A_755 = arith.constant 80 : index
          %get3A_756 = tpu.vector_load %arg5[%get3A_754, %get3A_755] {strides = array<i32>} : memref<32x128xi32, #tpu.memory_space<vmem>>, vector<1x16xi32>,
          %get3A_757 = vector.shape_cast %get3A_756 : vector<1x16xi32> to vector<16xi32>
          %sub3A_758 = vector.broadcast %mul3A_299 : i32 to vector<16xi32>
          %sub3A_759 = arith.subi %get3A_757, %sub3A_758 : vector<16xi32>
          %bitcast3A_760 = vector.bitcast %sub3A_759 : vector<16xi32> to vector<16xi32>
          %lt3A_761 = arith.constant 1769472 : i32
          %lt3A_762 = vector.broadcast %lt3A_761 : i32 to vector<16xi32>
          %lt3A_763 = arith.cmpi ult, %bitcast3A_760, %lt3A_762 : vector<16xi32>
          %jit3A_764 = arith.constant -1 : i32
          %broadcast_in_dim3A_765 = vector.broadcast %jit3A_764 : i32 to vector<16xi32>
          %select_n3A_766 = arith.select %lt3A_763, %sub3A_759, %broadcast_in_dim3A_765 : vector<16xi1>, vector<16xi32>
          %swap3A_767 = arith.index_cast %scan3A_666 : i32 to index
          %swap3A_768 = arith.constant 80 : index
          %swap3A_769 = tpu.vector_load %arg5[%swap3A_767, %swap3A_768] {strides = array<i32>} : memref<32x128xi32, #tpu.memory_space<vmem>>, vector<1x16xi32>,
          %swap3A_770 = vector.shape_cast %swap3A_769 : vector<1x16xi32> to vector<16xi32>
          %swap3A_771 = vector.shape_cast %select_n3A_766 : vector<16xi32> to vector<1x16xi32>
          tpu.vector_store %arg5[%swap3A_767, %swap3A_768], %swap3A_771 {strides = array<i32>} : memref<32x128xi32, #tpu.memory_space<vmem>>, vector<1x16xi32>,
          %get3A_772 = arith.index_cast %scan3A_666 : i32 to index
          %get3A_773 = arith.constant 96 : index
          %get3A_774 = tpu.vector_load %arg5[%get3A_772, %get3A_773] {strides = array<i32>} : memref<32x128xi32, #tpu.memory_space<vmem>>, vector<1x16xi32>,
          %get3A_775 = vector.shape_cast %get3A_774 : vector<1x16xi32> to vector<16xi32>
          %sub3A_776 = vector.broadcast %mul3A_299 : i32 to vector<16xi32>
          %sub3A_777 = arith.subi %get3A_775, %sub3A_776 : vector<16xi32>
          %bitcast3A_778 = vector.bitcast %sub3A_777 : vector<16xi32> to vector<16xi32>
          %lt3A_779 = arith.constant 1769472 : i32
          %lt3A_780 = vector.broadcast %lt3A_779 : i32 to vector<16xi32>
          %lt3A_781 = arith.cmpi ult, %bitcast3A_778, %lt3A_780 : vector<16xi32>
          %jit3A_782 = arith.constant -1 : i32
          %broadcast_in_dim3A_783 = vector.broadcast %jit3A_782 : i32 to vector<16xi32>
          %select_n3A_784 = arith.select %lt3A_781, %sub3A_777, %broadcast_in_dim3A_783 : vector<16xi1>, vector<16xi32>
          %swap3A_785 = arith.index_cast %scan3A_666 : i32 to index
          %swap3A_786 = arith.constant 96 : index
          %swap3A_787 = tpu.vector_load %arg5[%swap3A_785, %swap3A_786] {strides = array<i32>} : memref<32x128xi32, #tpu.memory_space<vmem>>, vector<1x16xi32>,
          %swap3A_788 = vector.shape_cast %swap3A_787 : vector<1x16xi32> to vector<16xi32>
          %swap3A_789 = vector.shape_cast %select_n3A_784 : vector<16xi32> to vector<1x16xi32>
          tpu.vector_store %arg5[%swap3A_785, %swap3A_786], %swap3A_789 {strides = array<i32>} : memref<32x128xi32, #tpu.memory_space<vmem>>, vector<1x16xi32>,
          %get3A_790 = arith.index_cast %scan3A_666 : i32 to index
          %get3A_791 = arith.constant 112 : index
          %get3A_792 = tpu.vector_load %arg5[%get3A_790, %get3A_791] {strides = array<i32>} : memref<32x128xi32, #tpu.memory_space<vmem>>, vector<1x16xi32>,
          %get3A_793 = vector.shape_cast %get3A_792 : vector<1x16xi32> to vector<16xi32>
          %sub3A_794 = vector.broadcast %mul3A_299 : i32 to vector<16xi32>
          %sub3A_795 = arith.subi %get3A_793, %sub3A_794 : vector<16xi32>
          %bitcast3A_796 = vector.bitcast %sub3A_795 : vector<16xi32> to vector<16xi32>
          %lt3A_797 = arith.constant 1769472 : i32
          %lt3A_798 = vector.broadcast %lt3A_797 : i32 to vector<16xi32>
          %lt3A_799 = arith.cmpi ult, %bitcast3A_796, %lt3A_798 : vector<16xi32>
          %jit3A_800 = arith.constant -1 : i32
          %broadcast_in_dim3A_801 = vector.broadcast %jit3A_800 : i32 to vector<16xi32>
          %select_n3A_802 = arith.select %lt3A_799, %sub3A_795, %broadcast_in_dim3A_801 : vector<16xi1>, vector<16xi32>
          %swap3A_803 = arith.index_cast %scan3A_666 : i32 to index
          %swap3A_804 = arith.constant 112 : index
          %swap3A_805 = tpu.vector_load %arg5[%swap3A_803, %swap3A_804] {strides = array<i32>} : memref<32x128xi32, #tpu.memory_space<vmem>>, vector<1x16xi32>,
          %swap3A_806 = vector.shape_cast %swap3A_805 : vector<1x16xi32> to vector<16xi32>
          %swap3A_807 = vector.shape_cast %select_n3A_802 : vector<16xi32> to vector<1x16xi32>
          tpu.vector_store %arg5[%swap3A_803, %swap3A_804], %swap3A_807 {strides = array<i32>} : memref<32x128xi32, #tpu.memory_space<vmem>>, vector<1x16xi32>,
          %dma_start3A_808 = arith.constant 0 : i32
          %dma_start3A_809 = tpu.memref_slice %arg7[%scan3A_666, %dma_start3A_808] : memref<32x128xf32, #tpu.memory_space<vmem>> -> memref<1x128xf32, #tpu.memory_space<vmem>>
          %dma_start3A_810 = tpu.memref_squeeze %dma_start3A_809 : memref<1x128xf32, #tpu.memory_space<vmem>> -> memref<128xf32, #tpu.memory_space<vmem>>
          %dma_start3A_811 = arith.constant 0 : i32
          %dma_start3A_812 = tpu.memref_slice %arg5[%scan3A_666, %dma_start3A_811] : memref<32x128xi32, #tpu.memory_space<vmem>> -> memref<1x128xi32, #tpu.memory_space<vmem>>
          %dma_start3A_813 = tpu.memref_squeeze %dma_start3A_812 : memref<1x128xi32, #tpu.memory_space<vmem>> -> memref<128xi32, #tpu.memory_space<vmem>>
          %dma_start3A_814 = arith.constant 0 : i32
          %dma_start3A_815 = tpu.memref_slice %arg10[%dma_start3A_814] : memref<1769472xf32, #tpu.memory_space<vmem_shared>> -> memref<1769472xf32, #tpu.memory_space<vmem_shared>>
          %dma_start3A_816 = arith.constant -1 : i32
          tpu.enqueue_indirect_dma source(%dma_start3A_810 : memref<128xf32, #tpu.memory_space<vmem>>) target(%dma_start3A_815 : memref<1769472xf32, #tpu.memory_space<vmem_shared>>) offsets(%dma_start3A_813 : memref<128xi32, #tpu.memory_space<vmem>>) offset_filter(%dma_start3A_816) semaphore(%arg13 : memref<!tpu.dma_semaphore, #tpu.memory_space<semaphore_mem>>) {add = true}
        }
        %scan3A_619 = arith.constant 32 : i32
        %scan3A_620 = arith.constant 0 : i32
        %scan3A_621 = arith.constant 0 : i32
        %scan3A_622 = arith.constant 32 : i32
        %scan3A_623 = arith.addi %scan3A_621, %scan3A_622 : i32
        %scan3A_624 = arith.constant 1 : i32
        scf.for %scan3A_666 = %scan3A_621 to %scan3A_623 step %scan3A_624  : i32 {
          %dma_wait3A_667 = arith.constant 0 : i32
          %dma_wait3A_668 = tpu.memref_slice %arg7[%scan3A_666, %dma_wait3A_667] : memref<32x128xf32, #tpu.memory_space<vmem>> -> memref<1x128xf32, #tpu.memory_space<vmem>>
          %dma_wait3A_669 = tpu.memref_squeeze %dma_wait3A_668 : memref<1x128xf32, #tpu.memory_space<vmem>> -> memref<128xf32, #tpu.memory_space<vmem>>
          %dma_wait3A_670 = arith.constant 0 : i32
          %dma_wait3A_671 = tpu.memref_slice %arg5[%scan3A_666, %dma_wait3A_670] : memref<32x128xi32, #tpu.memory_space<vmem>> -> memref<1x128xi32, #tpu.memory_space<vmem>>
          %dma_wait3A_672 = tpu.memref_squeeze %dma_wait3A_671 : memref<1x128xi32, #tpu.memory_space<vmem>> -> memref<128xi32, #tpu.memory_space<vmem>>
          %dma_wait3A_673 = arith.constant 0 : i32
          %dma_wait3A_674 = tpu.memref_slice %arg10[%dma_wait3A_673] : memref<1769472xf32, #tpu.memory_space<vmem_shared>> -> memref<1769472xf32, #tpu.memory_space<vmem_shared>>
          tpu.wait_indirect_dma semaphore(%arg13 : memref<!tpu.dma_semaphore, #tpu.memory_space<semaphore_mem>>) src(%dma_wait3A_669 : memref<128xf32, #tpu.memory_space<vmem>>) dst(%dma_wait3A_674 : memref<1769472xf32, #tpu.memory_space<vmem_shared>>)
        }
        %scan3A_625 = arith.constant 32 : i32
        %add3A_626 = arith.constant 2 : i32
        %add3A_627 = arith.addi %add3A_601, %add3A_626 : i32
        %lt3A_628 = arith.constant 54 : i32
        %lt3A_629 = arith.cmpi slt, %add3A_627, %lt3A_628 : i32
        %convert_element_type3A = arith.extui %lt3A_629 : i1 to i32
        %cond3A = arith.constant 0 : i32
        %cond3A_630 = arith.cmpi ne, %convert_element_type3A, %cond3A : i32
        scf.if %cond3A_630 {
          %add3A_666 = arith.constant 2 : i32
          %add3A_667 = arith.addi %add3A_601, %add3A_666 : i32
          %mul3A_668 = arith.constant 32 : i32
          %mul3A_669 = arith.muli %add3A_667, %mul3A_668 : i32
          %add3A_670 = arith.addi %add3A_304, %mul3A_669 : i32
          %dma_start3A_671 = arith.constant 0 : i32
          %dma_start3A_672 = tpu.memref_slice %arg3[%add3A_670, %dma_start3A_671] : memref<110592x128xi32, #tpu.memory_space<hbm>> -> memref<32x128xi32, #tpu.memory_space<hbm>>
          %dma_start3A_673 = arith.constant 0 : i32
          %dma_start3A_674 = tpu.memref_slice %arg3[%add3A_670, %dma_start3A_673] : memref<110592x128xi32, #tpu.memory_space<hbm>> -> memref<32x128xi32, #tpu.memory_space<hbm>>
          tpu.enqueue_dma source(%dma_start3A_674 : memref<32x128xi32, #tpu.memory_space<hbm>>) target(%arg5 : memref<32x128xi32, #tpu.memory_space<vmem>>) target_semaphore(%arg11 : memref<!tpu.dma_semaphore, #tpu.memory_space<semaphore_mem>>)
          %dma_start3A_675 = arith.constant 0 : i32
          %dma_start3A_676 = tpu.memref_slice %arg2[%add3A_670, %dma_start3A_675] : memref<110592x128xf32, #tpu.memory_space<hbm>> -> memref<32x128xf32, #tpu.memory_space<hbm>>
          %dma_start3A_677 = arith.constant 0 : i32
          %dma_start3A_678 = tpu.memref_slice %arg2[%add3A_670, %dma_start3A_677] : memref<110592x128xf32, #tpu.memory_space<hbm>> -> memref<32x128xf32, #tpu.memory_space<hbm>>
          tpu.enqueue_dma source(%dma_start3A_678 : memref<32x128xf32, #tpu.memory_space<hbm>>) target(%arg7 : memref<32x128xf32, #tpu.memory_space<vmem>>) target_semaphore(%arg11 : memref<!tpu.dma_semaphore, #tpu.memory_space<semaphore_mem>>)
        } else {
        }
        %mul3A_631 = arith.constant 2 : i32
        %mul3A_632 = arith.muli %scan3A_597, %mul3A_631 : i32
        %add3A_633 = arith.constant 1 : i32
        %add3A_634 = arith.addi %mul3A_632, %add3A_633 : i32
        %dma_wait3A_635 = arith.constant 0 : i32
        %dma_wait3A_636 = arith.constant 0 : i32
        %dma_wait3A_637 = tpu.memref_slice %arg3[%dma_wait3A_635, %dma_wait3A_636] : memref<110592x128xi32, #tpu.memory_space<hbm>> -> memref<32x128xi32, #tpu.memory_space<hbm>>
        %dma_wait3A_638 = arith.constant 0 : i32
        %dma_wait3A_639 = arith.constant 0 : i32
        %dma_wait3A_640 = tpu.memref_slice %arg3[%dma_wait3A_638, %dma_wait3A_639] : memref<110592x128xi32, #tpu.memory_space<hbm>> -> memref<32x128xi32, #tpu.memory_space<hbm>>
        tpu.wait_dma2 semaphore(%arg12 : memref<!tpu.dma_semaphore, #tpu.memory_space<semaphore_mem>>) src(%dma_wait3A_640 : memref<32x128xi32, #tpu.memory_space<hbm>>) dst(%arg6 : memref<32x128xi32, #tpu.memory_space<vmem>>)
        %dma_wait3A_641 = arith.constant 0 : i32
        %dma_wait3A_642 = arith.constant 0 : i32
        %dma_wait3A_643 = tpu.memref_slice %arg2[%dma_wait3A_641, %dma_wait3A_642] : memref<110592x128xf32, #tpu.memory_space<hbm>> -> memref<32x128xf32, #tpu.memory_space<hbm>>
        %dma_wait3A_644 = arith.constant 0 : i32
        %dma_wait3A_645 = arith.constant 0 : i32
        %dma_wait3A_646 = tpu.memref_slice %arg2[%dma_wait3A_644, %dma_wait3A_645] : memref<110592x128xf32, #tpu.memory_space<hbm>> -> memref<32x128xf32, #tpu.memory_space<hbm>>
        tpu.wait_dma2 semaphore(%arg12 : memref<!tpu.dma_semaphore, #tpu.memory_space<semaphore_mem>>) src(%dma_wait3A_646 : memref<32x128xf32, #tpu.memory_space<hbm>>) dst(%arg8 : memref<32x128xf32, #tpu.memory_space<vmem>>)
        %scan3A_647 = arith.constant 0 : i32
        %scan3A_648 = arith.constant 0 : i32
        %scan3A_649 = arith.constant 32 : i32
        %scan3A_650 = arith.addi %scan3A_648, %scan3A_649 : i32
        %scan3A_651 = arith.constant 1 : i32
        scf.for %scan3A_666 = %scan3A_648 to %scan3A_650 step %scan3A_651  : i32 {
          %get3A = arith.index_cast %scan3A_666 : i32 to index
          %get3A_667 = arith.constant 0 : index
          %get3A_668 = tpu.vector_load %arg6[%get3A, %get3A_667] {strides = array<i32>} : memref<32x128xi32, #tpu.memory_space<vmem>>, vector<1x16xi32>,
          %get3A_669 = vector.shape_cast %get3A_668 : vector<1x16xi32> to vector<16xi32>
          %sub3A_670 = vector.broadcast %mul3A_299 : i32 to vector<16xi32>
          %sub3A_671 = arith.subi %get3A_669, %sub3A_670 : vector<16xi32>
          %bitcast3A = vector.bitcast %sub3A_671 : vector<16xi32> to vector<16xi32>
          %lt3A_672 = arith.constant 1769472 : i32
          %lt3A_673 = vector.broadcast %lt3A_672 : i32 to vector<16xi32>
          %lt3A_674 = arith.cmpi ult, %bitcast3A, %lt3A_673 : vector<16xi32>
          %jit3A_675 = arith.constant -1 : i32
          %broadcast_in_dim3A_676 = vector.broadcast %jit3A_675 : i32 to vector<16xi32>
          %select_n3A_677 = arith.select %lt3A_674, %sub3A_671, %broadcast_in_dim3A_676 : vector<16xi1>, vector<16xi32>
          %swap3A = arith.index_cast %scan3A_666 : i32 to index
          %swap3A_678 = arith.constant 0 : index
          %swap3A_679 = tpu.vector_load %arg6[%swap3A, %swap3A_678] {strides = array<i32>} : memref<32x128xi32, #tpu.memory_space<vmem>>, vector<1x16xi32>,
          %swap3A_680 = vector.shape_cast %swap3A_679 : vector<1x16xi32> to vector<16xi32>
          %swap3A_681 = vector.shape_cast %select_n3A_677 : vector<16xi32> to vector<1x16xi32>
          tpu.vector_store %arg6[%swap3A, %swap3A_678], %swap3A_681 {strides = array<i32>} : memref<32x128xi32, #tpu.memory_space<vmem>>, vector<1x16xi32>,
          %get3A_682 = arith.index_cast %scan3A_666 : i32 to index
          %get3A_683 = arith.constant 16 : index
          %get3A_684 = tpu.vector_load %arg6[%get3A_682, %get3A_683] {strides = array<i32>} : memref<32x128xi32, #tpu.memory_space<vmem>>, vector<1x16xi32>,
          %get3A_685 = vector.shape_cast %get3A_684 : vector<1x16xi32> to vector<16xi32>
          %sub3A_686 = vector.broadcast %mul3A_299 : i32 to vector<16xi32>
          %sub3A_687 = arith.subi %get3A_685, %sub3A_686 : vector<16xi32>
          %bitcast3A_688 = vector.bitcast %sub3A_687 : vector<16xi32> to vector<16xi32>
          %lt3A_689 = arith.constant 1769472 : i32
          %lt3A_690 = vector.broadcast %lt3A_689 : i32 to vector<16xi32>
          %lt3A_691 = arith.cmpi ult, %bitcast3A_688, %lt3A_690 : vector<16xi32>
          %jit3A_692 = arith.constant -1 : i32
          %broadcast_in_dim3A_693 = vector.broadcast %jit3A_692 : i32 to vector<16xi32>
          %select_n3A_694 = arith.select %lt3A_691, %sub3A_687, %broadcast_in_dim3A_693 : vector<16xi1>, vector<16xi32>
          %swap3A_695 = arith.index_cast %scan3A_666 : i32 to index
          %swap3A_696 = arith.constant 16 : index
          %swap3A_697 = tpu.vector_load %arg6[%swap3A_695, %swap3A_696] {strides = array<i32>} : memref<32x128xi32, #tpu.memory_space<vmem>>, vector<1x16xi32>,
          %swap3A_698 = vector.shape_cast %swap3A_697 : vector<1x16xi32> to vector<16xi32>
          %swap3A_699 = vector.shape_cast %select_n3A_694 : vector<16xi32> to vector<1x16xi32>
          tpu.vector_store %arg6[%swap3A_695, %swap3A_696], %swap3A_699 {strides = array<i32>} : memref<32x128xi32, #tpu.memory_space<vmem>>, vector<1x16xi32>,
          %get3A_700 = arith.index_cast %scan3A_666 : i32 to index
          %get3A_701 = arith.constant 32 : index
          %get3A_702 = tpu.vector_load %arg6[%get3A_700, %get3A_701] {strides = array<i32>} : memref<32x128xi32, #tpu.memory_space<vmem>>, vector<1x16xi32>,
          %get3A_703 = vector.shape_cast %get3A_702 : vector<1x16xi32> to vector<16xi32>
          %sub3A_704 = vector.broadcast %mul3A_299 : i32 to vector<16xi32>
          %sub3A_705 = arith.subi %get3A_703, %sub3A_704 : vector<16xi32>
          %bitcast3A_706 = vector.bitcast %sub3A_705 : vector<16xi32> to vector<16xi32>
          %lt3A_707 = arith.constant 1769472 : i32
          %lt3A_708 = vector.broadcast %lt3A_707 : i32 to vector<16xi32>
          %lt3A_709 = arith.cmpi ult, %bitcast3A_706, %lt3A_708 : vector<16xi32>
          %jit3A_710 = arith.constant -1 : i32
          %broadcast_in_dim3A_711 = vector.broadcast %jit3A_710 : i32 to vector<16xi32>
          %select_n3A_712 = arith.select %lt3A_709, %sub3A_705, %broadcast_in_dim3A_711 : vector<16xi1>, vector<16xi32>
          %swap3A_713 = arith.index_cast %scan3A_666 : i32 to index
          %swap3A_714 = arith.constant 32 : index
          %swap3A_715 = tpu.vector_load %arg6[%swap3A_713, %swap3A_714] {strides = array<i32>} : memref<32x128xi32, #tpu.memory_space<vmem>>, vector<1x16xi32>,
          %swap3A_716 = vector.shape_cast %swap3A_715 : vector<1x16xi32> to vector<16xi32>
          %swap3A_717 = vector.shape_cast %select_n3A_712 : vector<16xi32> to vector<1x16xi32>
          tpu.vector_store %arg6[%swap3A_713, %swap3A_714], %swap3A_717 {strides = array<i32>} : memref<32x128xi32, #tpu.memory_space<vmem>>, vector<1x16xi32>,
          %get3A_718 = arith.index_cast %scan3A_666 : i32 to index
          %get3A_719 = arith.constant 48 : index
          %get3A_720 = tpu.vector_load %arg6[%get3A_718, %get3A_719] {strides = array<i32>} : memref<32x128xi32, #tpu.memory_space<vmem>>, vector<1x16xi32>,
          %get3A_721 = vector.shape_cast %get3A_720 : vector<1x16xi32> to vector<16xi32>
          %sub3A_722 = vector.broadcast %mul3A_299 : i32 to vector<16xi32>
          %sub3A_723 = arith.subi %get3A_721, %sub3A_722 : vector<16xi32>
          %bitcast3A_724 = vector.bitcast %sub3A_723 : vector<16xi32> to vector<16xi32>
          %lt3A_725 = arith.constant 1769472 : i32
          %lt3A_726 = vector.broadcast %lt3A_725 : i32 to vector<16xi32>
          %lt3A_727 = arith.cmpi ult, %bitcast3A_724, %lt3A_726 : vector<16xi32>
          %jit3A_728 = arith.constant -1 : i32
          %broadcast_in_dim3A_729 = vector.broadcast %jit3A_728 : i32 to vector<16xi32>
          %select_n3A_730 = arith.select %lt3A_727, %sub3A_723, %broadcast_in_dim3A_729 : vector<16xi1>, vector<16xi32>
          %swap3A_731 = arith.index_cast %scan3A_666 : i32 to index
          %swap3A_732 = arith.constant 48 : index
          %swap3A_733 = tpu.vector_load %arg6[%swap3A_731, %swap3A_732] {strides = array<i32>} : memref<32x128xi32, #tpu.memory_space<vmem>>, vector<1x16xi32>,
          %swap3A_734 = vector.shape_cast %swap3A_733 : vector<1x16xi32> to vector<16xi32>
          %swap3A_735 = vector.shape_cast %select_n3A_730 : vector<16xi32> to vector<1x16xi32>
          tpu.vector_store %arg6[%swap3A_731, %swap3A_732], %swap3A_735 {strides = array<i32>} : memref<32x128xi32, #tpu.memory_space<vmem>>, vector<1x16xi32>,
          %get3A_736 = arith.index_cast %scan3A_666 : i32 to index
          %get3A_737 = arith.constant 64 : index
          %get3A_738 = tpu.vector_load %arg6[%get3A_736, %get3A_737] {strides = array<i32>} : memref<32x128xi32, #tpu.memory_space<vmem>>, vector<1x16xi32>,
          %get3A_739 = vector.shape_cast %get3A_738 : vector<1x16xi32> to vector<16xi32>
          %sub3A_740 = vector.broadcast %mul3A_299 : i32 to vector<16xi32>
          %sub3A_741 = arith.subi %get3A_739, %sub3A_740 : vector<16xi32>
          %bitcast3A_742 = vector.bitcast %sub3A_741 : vector<16xi32> to vector<16xi32>
          %lt3A_743 = arith.constant 1769472 : i32
          %lt3A_744 = vector.broadcast %lt3A_743 : i32 to vector<16xi32>
          %lt3A_745 = arith.cmpi ult, %bitcast3A_742, %lt3A_744 : vector<16xi32>
          %jit3A_746 = arith.constant -1 : i32
          %broadcast_in_dim3A_747 = vector.broadcast %jit3A_746 : i32 to vector<16xi32>
          %select_n3A_748 = arith.select %lt3A_745, %sub3A_741, %broadcast_in_dim3A_747 : vector<16xi1>, vector<16xi32>
          %swap3A_749 = arith.index_cast %scan3A_666 : i32 to index
          %swap3A_750 = arith.constant 64 : index
          %swap3A_751 = tpu.vector_load %arg6[%swap3A_749, %swap3A_750] {strides = array<i32>} : memref<32x128xi32, #tpu.memory_space<vmem>>, vector<1x16xi32>,
          %swap3A_752 = vector.shape_cast %swap3A_751 : vector<1x16xi32> to vector<16xi32>
          %swap3A_753 = vector.shape_cast %select_n3A_748 : vector<16xi32> to vector<1x16xi32>
          tpu.vector_store %arg6[%swap3A_749, %swap3A_750], %swap3A_753 {strides = array<i32>} : memref<32x128xi32, #tpu.memory_space<vmem>>, vector<1x16xi32>,
          %get3A_754 = arith.index_cast %scan3A_666 : i32 to index
          %get3A_755 = arith.constant 80 : index
          %get3A_756 = tpu.vector_load %arg6[%get3A_754, %get3A_755] {strides = array<i32>} : memref<32x128xi32, #tpu.memory_space<vmem>>, vector<1x16xi32>,
          %get3A_757 = vector.shape_cast %get3A_756 : vector<1x16xi32> to vector<16xi32>
          %sub3A_758 = vector.broadcast %mul3A_299 : i32 to vector<16xi32>
          %sub3A_759 = arith.subi %get3A_757, %sub3A_758 : vector<16xi32>
          %bitcast3A_760 = vector.bitcast %sub3A_759 : vector<16xi32> to vector<16xi32>
          %lt3A_761 = arith.constant 1769472 : i32
          %lt3A_762 = vector.broadcast %lt3A_761 : i32 to vector<16xi32>
          %lt3A_763 = arith.cmpi ult, %bitcast3A_760, %lt3A_762 : vector<16xi32>
          %jit3A_764 = arith.constant -1 : i32
          %broadcast_in_dim3A_765 = vector.broadcast %jit3A_764 : i32 to vector<16xi32>
          %select_n3A_766 = arith.select %lt3A_763, %sub3A_759, %broadcast_in_dim3A_765 : vector<16xi1>, vector<16xi32>
          %swap3A_767 = arith.index_cast %scan3A_666 : i32 to index
          %swap3A_768 = arith.constant 80 : index
          %swap3A_769 = tpu.vector_load %arg6[%swap3A_767, %swap3A_768] {strides = array<i32>} : memref<32x128xi32, #tpu.memory_space<vmem>>, vector<1x16xi32>,
          %swap3A_770 = vector.shape_cast %swap3A_769 : vector<1x16xi32> to vector<16xi32>
          %swap3A_771 = vector.shape_cast %select_n3A_766 : vector<16xi32> to vector<1x16xi32>
          tpu.vector_store %arg6[%swap3A_767, %swap3A_768], %swap3A_771 {strides = array<i32>} : memref<32x128xi32, #tpu.memory_space<vmem>>, vector<1x16xi32>,
          %get3A_772 = arith.index_cast %scan3A_666 : i32 to index
          %get3A_773 = arith.constant 96 : index
          %get3A_774 = tpu.vector_load %arg6[%get3A_772, %get3A_773] {strides = array<i32>} : memref<32x128xi32, #tpu.memory_space<vmem>>, vector<1x16xi32>,
          %get3A_775 = vector.shape_cast %get3A_774 : vector<1x16xi32> to vector<16xi32>
          %sub3A_776 = vector.broadcast %mul3A_299 : i32 to vector<16xi32>
          %sub3A_777 = arith.subi %get3A_775, %sub3A_776 : vector<16xi32>
          %bitcast3A_778 = vector.bitcast %sub3A_777 : vector<16xi32> to vector<16xi32>
          %lt3A_779 = arith.constant 1769472 : i32
          %lt3A_780 = vector.broadcast %lt3A_779 : i32 to vector<16xi32>
          %lt3A_781 = arith.cmpi ult, %bitcast3A_778, %lt3A_780 : vector<16xi32>
          %jit3A_782 = arith.constant -1 : i32
          %broadcast_in_dim3A_783 = vector.broadcast %jit3A_782 : i32 to vector<16xi32>
          %select_n3A_784 = arith.select %lt3A_781, %sub3A_777, %broadcast_in_dim3A_783 : vector<16xi1>, vector<16xi32>
          %swap3A_785 = arith.index_cast %scan3A_666 : i32 to index
          %swap3A_786 = arith.constant 96 : index
          %swap3A_787 = tpu.vector_load %arg6[%swap3A_785, %swap3A_786] {strides = array<i32>} : memref<32x128xi32, #tpu.memory_space<vmem>>, vector<1x16xi32>,
          %swap3A_788 = vector.shape_cast %swap3A_787 : vector<1x16xi32> to vector<16xi32>
          %swap3A_789 = vector.shape_cast %select_n3A_784 : vector<16xi32> to vector<1x16xi32>
          tpu.vector_store %arg6[%swap3A_785, %swap3A_786], %swap3A_789 {strides = array<i32>} : memref<32x128xi32, #tpu.memory_space<vmem>>, vector<1x16xi32>,
          %get3A_790 = arith.index_cast %scan3A_666 : i32 to index
          %get3A_791 = arith.constant 112 : index
          %get3A_792 = tpu.vector_load %arg6[%get3A_790, %get3A_791] {strides = array<i32>} : memref<32x128xi32, #tpu.memory_space<vmem>>, vector<1x16xi32>,
          %get3A_793 = vector.shape_cast %get3A_792 : vector<1x16xi32> to vector<16xi32>
          %sub3A_794 = vector.broadcast %mul3A_299 : i32 to vector<16xi32>
          %sub3A_795 = arith.subi %get3A_793, %sub3A_794 : vector<16xi32>
          %bitcast3A_796 = vector.bitcast %sub3A_795 : vector<16xi32> to vector<16xi32>
          %lt3A_797 = arith.constant 1769472 : i32
          %lt3A_798 = vector.broadcast %lt3A_797 : i32 to vector<16xi32>
          %lt3A_799 = arith.cmpi ult, %bitcast3A_796, %lt3A_798 : vector<16xi32>
          %jit3A_800 = arith.constant -1 : i32
          %broadcast_in_dim3A_801 = vector.broadcast %jit3A_800 : i32 to vector<16xi32>
          %select_n3A_802 = arith.select %lt3A_799, %sub3A_795, %broadcast_in_dim3A_801 : vector<16xi1>, vector<16xi32>
          %swap3A_803 = arith.index_cast %scan3A_666 : i32 to index
          %swap3A_804 = arith.constant 112 : index
          %swap3A_805 = tpu.vector_load %arg6[%swap3A_803, %swap3A_804] {strides = array<i32>} : memref<32x128xi32, #tpu.memory_space<vmem>>, vector<1x16xi32>,
          %swap3A_806 = vector.shape_cast %swap3A_805 : vector<1x16xi32> to vector<16xi32>
          %swap3A_807 = vector.shape_cast %select_n3A_802 : vector<16xi32> to vector<1x16xi32>
          tpu.vector_store %arg6[%swap3A_803, %swap3A_804], %swap3A_807 {strides = array<i32>} : memref<32x128xi32, #tpu.memory_space<vmem>>, vector<1x16xi32>,
          %dma_start3A_808 = arith.constant 0 : i32
          %dma_start3A_809 = tpu.memref_slice %arg8[%scan3A_666, %dma_start3A_808] : memref<32x128xf32, #tpu.memory_space<vmem>> -> memref<1x128xf32, #tpu.memory_space<vmem>>
          %dma_start3A_810 = tpu.memref_squeeze %dma_start3A_809 : memref<1x128xf32, #tpu.memory_space<vmem>> -> memref<128xf32, #tpu.memory_space<vmem>>
          %dma_start3A_811 = arith.constant 0 : i32
          %dma_start3A_812 = tpu.memref_slice %arg6[%scan3A_666, %dma_start3A_811] : memref<32x128xi32, #tpu.memory_space<vmem>> -> memref<1x128xi32, #tpu.memory_space<vmem>>
          %dma_start3A_813 = tpu.memref_squeeze %dma_start3A_812 : memref<1x128xi32, #tpu.memory_space<vmem>> -> memref<128xi32, #tpu.memory_space<vmem>>
          %dma_start3A_814 = arith.constant 0 : i32
          %dma_start3A_815 = tpu.memref_slice %arg10[%dma_start3A_814] : memref<1769472xf32, #tpu.memory_space<vmem_shared>> -> memref<1769472xf32, #tpu.memory_space<vmem_shared>>
          %dma_start3A_816 = arith.constant -1 : i32
          tpu.enqueue_indirect_dma source(%dma_start3A_810 : memref<128xf32, #tpu.memory_space<vmem>>) target(%dma_start3A_815 : memref<1769472xf32, #tpu.memory_space<vmem_shared>>) offsets(%dma_start3A_813 : memref<128xi32, #tpu.memory_space<vmem>>) offset_filter(%dma_start3A_816) semaphore(%arg14 : memref<!tpu.dma_semaphore, #tpu.memory_space<semaphore_mem>>) {add = true}
        }
        %scan3A_652 = arith.constant 32 : i32
        %scan3A_653 = arith.constant 0 : i32
        %scan3A_654 = arith.constant 0 : i32
        %scan3A_655 = arith.constant 32 : i32
        %scan3A_656 = arith.addi %scan3A_654, %scan3A_655 : i32
        %scan3A_657 = arith.constant 1 : i32
        scf.for %scan3A_666 = %scan3A_654 to %scan3A_656 step %scan3A_657  : i32 {
          %dma_wait3A_667 = arith.constant 0 : i32
          %dma_wait3A_668 = tpu.memref_slice %arg8[%scan3A_666, %dma_wait3A_667] : memref<32x128xf32, #tpu.memory_space<vmem>> -> memref<1x128xf32, #tpu.memory_space<vmem>>
          %dma_wait3A_669 = tpu.memref_squeeze %dma_wait3A_668 : memref<1x128xf32, #tpu.memory_space<vmem>> -> memref<128xf32, #tpu.memory_space<vmem>>
          %dma_wait3A_670 = arith.constant 0 : i32
          %dma_wait3A_671 = tpu.memref_slice %arg6[%scan3A_666, %dma_wait3A_670] : memref<32x128xi32, #tpu.memory_space<vmem>> -> memref<1x128xi32, #tpu.memory_space<vmem>>
          %dma_wait3A_672 = tpu.memref_squeeze %dma_wait3A_671 : memref<1x128xi32, #tpu.memory_space<vmem>> -> memref<128xi32, #tpu.memory_space<vmem>>
          %dma_wait3A_673 = arith.constant 0 : i32
          %dma_wait3A_674 = tpu.memref_slice %arg10[%dma_wait3A_673] : memref<1769472xf32, #tpu.memory_space<vmem_shared>> -> memref<1769472xf32, #tpu.memory_space<vmem_shared>>
          tpu.wait_indirect_dma semaphore(%arg14 : memref<!tpu.dma_semaphore, #tpu.memory_space<semaphore_mem>>) src(%dma_wait3A_669 : memref<128xf32, #tpu.memory_space<vmem>>) dst(%dma_wait3A_674 : memref<1769472xf32, #tpu.memory_space<vmem_shared>>)
        }
        %scan3A_658 = arith.constant 32 : i32
        %add3A_659 = arith.constant 2 : i32
        %add3A_660 = arith.addi %add3A_634, %add3A_659 : i32
        %lt3A_661 = arith.constant 54 : i32
        %lt3A_662 = arith.cmpi slt, %add3A_660, %lt3A_661 : i32
        %convert_element_type3A_663 = arith.extui %lt3A_662 : i1 to i32
        %cond3A_664 = arith.constant 0 : i32
        %cond3A_665 = arith.cmpi ne, %convert_element_type3A_663, %cond3A_664 : i32
        scf.if %cond3A_665 {
          %add3A_666 = arith.constant 2 : i32
          %add3A_667 = arith.addi %add3A_634, %add3A_666 : i32
          %mul3A_668 = arith.constant 32 : i32
          %mul3A_669 = arith.muli %add3A_667, %mul3A_668 : i32
          %add3A_670 = arith.addi %add3A_304, %mul3A_669 : i32
          %dma_start3A_671 = arith.constant 0 : i32
          %dma_start3A_672 = tpu.memref_slice %arg3[%add3A_670, %dma_start3A_671] : memref<110592x128xi32, #tpu.memory_space<hbm>> -> memref<32x128xi32, #tpu.memory_space<hbm>>
          %dma_start3A_673 = arith.constant 0 : i32
          %dma_start3A_674 = tpu.memref_slice %arg3[%add3A_670, %dma_start3A_673] : memref<110592x128xi32, #tpu.memory_space<hbm>> -> memref<32x128xi32, #tpu.memory_space<hbm>>
          tpu.enqueue_dma source(%dma_start3A_674 : memref<32x128xi32, #tpu.memory_space<hbm>>) target(%arg6 : memref<32x128xi32, #tpu.memory_space<vmem>>) target_semaphore(%arg12 : memref<!tpu.dma_semaphore, #tpu.memory_space<semaphore_mem>>)
          %dma_start3A_675 = arith.constant 0 : i32
          %dma_start3A_676 = tpu.memref_slice %arg2[%add3A_670, %dma_start3A_675] : memref<110592x128xf32, #tpu.memory_space<hbm>> -> memref<32x128xf32, #tpu.memory_space<hbm>>
          %dma_start3A_677 = arith.constant 0 : i32
          %dma_start3A_678 = tpu.memref_slice %arg2[%add3A_670, %dma_start3A_677] : memref<110592x128xf32, #tpu.memory_space<hbm>> -> memref<32x128xf32, #tpu.memory_space<hbm>>
          tpu.enqueue_dma source(%dma_start3A_678 : memref<32x128xf32, #tpu.memory_space<hbm>>) target(%arg8 : memref<32x128xf32, #tpu.memory_space<vmem>>) target_semaphore(%arg12 : memref<!tpu.dma_semaphore, #tpu.memory_space<semaphore_mem>>)
        } else {
        }
      }
      %scan3A_330 = arith.constant 27 : i32
      %barrier3A_331 = arith.constant 0 : index
      tpu.barrier barrier_id(%barrier3A_331)
      %mul3A_332 = arith.constant 110592 : i32
      %mul3A_333 = arith.muli %arg1, %mul3A_332 : i32
      %mul3A_334 = arith.constant 14155776 : i32
      %mul3A_335 = arith.muli %add3A_283, %mul3A_334 : i32
      %add3A_336 = arith.addi %mul3A_335, %mul3A_299 : i32
      %mul3A_337 = arith.constant 110592 : i32
      %mul3A_338 = arith.muli %arg1, %mul3A_337 : i32
      %add3A_339 = arith.addi %add3A_336, %mul3A_338 : i32
      "tpu.region"() ({
        %run_scoped3A = tpu.sem_alloc : memref<!tpu.dma_semaphore, #tpu.memory_space<semaphore_mem>>
        %dma_start3A_597 = tpu.memref_slice %arg4[%add3A_339] : memref<56623104xf32, #tpu.memory_space<hbm>> -> memref<110592xf32, #tpu.memory_space<hbm>>
        %dma_start3A_598 = tpu.memref_slice %arg10[%mul3A_333] : memref<1769472xf32, #tpu.memory_space<vmem_shared>> -> memref<110592xf32, #tpu.memory_space<vmem_shared>>
        tpu.enqueue_dma source(%dma_start3A_598 : memref<110592xf32, #tpu.memory_space<vmem_shared>>) target(%dma_start3A_597 : memref<110592xf32, #tpu.memory_space<hbm>>) target_semaphore(%run_scoped3A : memref<!tpu.dma_semaphore, #tpu.memory_space<semaphore_mem>>)
        %dma_wait3A_599 = tpu.memref_slice %arg4[%add3A_339] : memref<56623104xf32, #tpu.memory_space<hbm>> -> memref<110592xf32, #tpu.memory_space<hbm>>
        %dma_wait3A_600 = tpu.memref_slice %arg10[%mul3A_333] : memref<1769472xf32, #tpu.memory_space<vmem_shared>> -> memref<110592xf32, #tpu.memory_space<vmem_shared>>
        tpu.wait_dma2 semaphore(%run_scoped3A : memref<!tpu.dma_semaphore, #tpu.memory_space<semaphore_mem>>) src(%dma_wait3A_600 : memref<110592xf32, #tpu.memory_space<vmem_shared>>) dst(%dma_wait3A_599 : memref<110592xf32, #tpu.memory_space<hbm>>)
        tpu.yield
      }) : () -> ()
      %mul3A_340 = arith.constant 110592 : i32
      %mul3A_341 = arith.muli %arg1, %mul3A_340 : i32
      %add3A_342 = arith.constant 0 : i32
      %add3A_343 = arith.addi %mul3A_341, %add3A_342 : i32
      %dma_start3A_344 = tpu.memref_slice %arg10[%add3A_343] : memref<1769472xf32, #tpu.memory_space<vmem_shared>> -> memref<3456xf32, #tpu.memory_space<vmem_shared>>
      %dma_start3A_345 = tpu.memref_slice %arg10[%add3A_343] : memref<1769472xf32, #tpu.memory_space<vmem_shared>> -> memref<3456xf32, #tpu.memory_space<vmem_shared>>
      tpu.enqueue_dma source(%arg9 : memref<3456xf32, #tpu.memory_space<vmem>>) target(%dma_start3A_345 : memref<3456xf32, #tpu.memory_space<vmem_shared>>) target_semaphore(%arg15 : memref<!tpu.dma_semaphore, #tpu.memory_space<semaphore_mem>>)
      %mul3A_346 = arith.constant 110592 : i32
      %mul3A_347 = arith.muli %arg1, %mul3A_346 : i32
      %add3A_348 = arith.constant 3456 : i32
      %add3A_349 = arith.addi %mul3A_347, %add3A_348 : i32
      %dma_start3A_350 = tpu.memref_slice %arg10[%add3A_349] : memref<1769472xf32, #tpu.memory_space<vmem_shared>> -> memref<3456xf32, #tpu.memory_space<vmem_shared>>
      %dma_start3A_351 = tpu.memref_slice %arg10[%add3A_349] : memref<1769472xf32, #tpu.memory_space<vmem_shared>> -> memref<3456xf32, #tpu.memory_space<vmem_shared>>
      tpu.enqueue_dma source(%arg9 : memref<3456xf32, #tpu.memory_space<vmem>>) target(%dma_start3A_351 : memref<3456xf32, #tpu.memory_space<vmem_shared>>) target_semaphore(%arg15 : memref<!tpu.dma_semaphore, #tpu.memory_space<semaphore_mem>>)
      %mul3A_352 = arith.constant 110592 : i32
      %mul3A_353 = arith.muli %arg1, %mul3A_352 : i32
      %add3A_354 = arith.constant 6912 : i32
      %add3A_355 = arith.addi %mul3A_353, %add3A_354 : i32
      %dma_start3A_356 = tpu.memref_slice %arg10[%add3A_355] : memref<1769472xf32, #tpu.memory_space<vmem_shared>> -> memref<3456xf32, #tpu.memory_space<vmem_shared>>
      %dma_start3A_357 = tpu.memref_slice %arg10[%add3A_355] : memref<1769472xf32, #tpu.memory_space<vmem_shared>> -> memref<3456xf32, #tpu.memory_space<vmem_shared>>
      tpu.enqueue_dma source(%arg9 : memref<3456xf32, #tpu.memory_space<vmem>>) target(%dma_start3A_357 : memref<3456xf32, #tpu.memory_space<vmem_shared>>) target_semaphore(%arg15 : memref<!tpu.dma_semaphore, #tpu.memory_space<semaphore_mem>>)
      %mul3A_358 = arith.constant 110592 : i32
      %mul3A_359 = arith.muli %arg1, %mul3A_358 : i32
      %add3A_360 = arith.constant 10368 : i32
      %add3A_361 = arith.addi %mul3A_359, %add3A_360 : i32
      %dma_start3A_362 = tpu.memref_slice %arg10[%add3A_361] : memref<1769472xf32, #tpu.memory_space<vmem_shared>> -> memref<3456xf32, #tpu.memory_space<vmem_shared>>
      %dma_start3A_363 = tpu.memref_slice %arg10[%add3A_361] : memref<1769472xf32, #tpu.memory_space<vmem_shared>> -> memref<3456xf32, #tpu.memory_space<vmem_shared>>
      tpu.enqueue_dma source(%arg9 : memref<3456xf32, #tpu.memory_space<vmem>>) target(%dma_start3A_363 : memref<3456xf32, #tpu.memory_space<vmem_shared>>) target_semaphore(%arg15 : memref<!tpu.dma_semaphore, #tpu.memory_space<semaphore_mem>>)
      %mul3A_364 = arith.constant 110592 : i32
      %mul3A_365 = arith.muli %arg1, %mul3A_364 : i32
      %add3A_366 = arith.constant 13824 : i32
      %add3A_367 = arith.addi %mul3A_365, %add3A_366 : i32
      %dma_start3A_368 = tpu.memref_slice %arg10[%add3A_367] : memref<1769472xf32, #tpu.memory_space<vmem_shared>> -> memref<3456xf32, #tpu.memory_space<vmem_shared>>
      %dma_start3A_369 = tpu.memref_slice %arg10[%add3A_367] : memref<1769472xf32, #tpu.memory_space<vmem_shared>> -> memref<3456xf32, #tpu.memory_space<vmem_shared>>
      tpu.enqueue_dma source(%arg9 : memref<3456xf32, #tpu.memory_space<vmem>>) target(%dma_start3A_369 : memref<3456xf32, #tpu.memory_space<vmem_shared>>) target_semaphore(%arg15 : memref<!tpu.dma_semaphore, #tpu.memory_space<semaphore_mem>>)
      %mul3A_370 = arith.constant 110592 : i32
      %mul3A_371 = arith.muli %arg1, %mul3A_370 : i32
      %add3A_372 = arith.constant 17280 : i32
      %add3A_373 = arith.addi %mul3A_371, %add3A_372 : i32
      %dma_start3A_374 = tpu.memref_slice %arg10[%add3A_373] : memref<1769472xf32, #tpu.memory_space<vmem_shared>> -> memref<3456xf32, #tpu.memory_space<vmem_shared>>
      %dma_start3A_375 = tpu.memref_slice %arg10[%add3A_373] : memref<1769472xf32, #tpu.memory_space<vmem_shared>> -> memref<3456xf32, #tpu.memory_space<vmem_shared>>
      tpu.enqueue_dma source(%arg9 : memref<3456xf32, #tpu.memory_space<vmem>>) target(%dma_start3A_375 : memref<3456xf32, #tpu.memory_space<vmem_shared>>) target_semaphore(%arg15 : memref<!tpu.dma_semaphore, #tpu.memory_space<semaphore_mem>>)
      %mul3A_376 = arith.constant 110592 : i32
      %mul3A_377 = arith.muli %arg1, %mul3A_376 : i32
      %add3A_378 = arith.constant 20736 : i32
      %add3A_379 = arith.addi %mul3A_377, %add3A_378 : i32
      %dma_start3A_380 = tpu.memref_slice %arg10[%add3A_379] : memref<1769472xf32, #tpu.memory_space<vmem_shared>> -> memref<3456xf32, #tpu.memory_space<vmem_shared>>
      %dma_start3A_381 = tpu.memref_slice %arg10[%add3A_379] : memref<1769472xf32, #tpu.memory_space<vmem_shared>> -> memref<3456xf32, #tpu.memory_space<vmem_shared>>
      tpu.enqueue_dma source(%arg9 : memref<3456xf32, #tpu.memory_space<vmem>>) target(%dma_start3A_381 : memref<3456xf32, #tpu.memory_space<vmem_shared>>) target_semaphore(%arg15 : memref<!tpu.dma_semaphore, #tpu.memory_space<semaphore_mem>>)
      %mul3A_382 = arith.constant 110592 : i32
      %mul3A_383 = arith.muli %arg1, %mul3A_382 : i32
      %add3A_384 = arith.constant 24192 : i32
      %add3A_385 = arith.addi %mul3A_383, %add3A_384 : i32
      %dma_start3A_386 = tpu.memref_slice %arg10[%add3A_385] : memref<1769472xf32, #tpu.memory_space<vmem_shared>> -> memref<3456xf32, #tpu.memory_space<vmem_shared>>
      %dma_start3A_387 = tpu.memref_slice %arg10[%add3A_385] : memref<1769472xf32, #tpu.memory_space<vmem_shared>> -> memref<3456xf32, #tpu.memory_space<vmem_shared>>
      tpu.enqueue_dma source(%arg9 : memref<3456xf32, #tpu.memory_space<vmem>>) target(%dma_start3A_387 : memref<3456xf32, #tpu.memory_space<vmem_shared>>) target_semaphore(%arg15 : memref<!tpu.dma_semaphore, #tpu.memory_space<semaphore_mem>>)
      %mul3A_388 = arith.constant 110592 : i32
      %mul3A_389 = arith.muli %arg1, %mul3A_388 : i32
      %add3A_390 = arith.constant 27648 : i32
      %add3A_391 = arith.addi %mul3A_389, %add3A_390 : i32
      %dma_start3A_392 = tpu.memref_slice %arg10[%add3A_391] : memref<1769472xf32, #tpu.memory_space<vmem_shared>> -> memref<3456xf32, #tpu.memory_space<vmem_shared>>
      %dma_start3A_393 = tpu.memref_slice %arg10[%add3A_391] : memref<1769472xf32, #tpu.memory_space<vmem_shared>> -> memref<3456xf32, #tpu.memory_space<vmem_shared>>
      tpu.enqueue_dma source(%arg9 : memref<3456xf32, #tpu.memory_space<vmem>>) target(%dma_start3A_393 : memref<3456xf32, #tpu.memory_space<vmem_shared>>) target_semaphore(%arg15 : memref<!tpu.dma_semaphore, #tpu.memory_space<semaphore_mem>>)
      %mul3A_394 = arith.constant 110592 : i32
      %mul3A_395 = arith.muli %arg1, %mul3A_394 : i32
      %add3A_396 = arith.constant 31104 : i32
      %add3A_397 = arith.addi %mul3A_395, %add3A_396 : i32
      %dma_start3A_398 = tpu.memref_slice %arg10[%add3A_397] : memref<1769472xf32, #tpu.memory_space<vmem_shared>> -> memref<3456xf32, #tpu.memory_space<vmem_shared>>
      %dma_start3A_399 = tpu.memref_slice %arg10[%add3A_397] : memref<1769472xf32, #tpu.memory_space<vmem_shared>> -> memref<3456xf32, #tpu.memory_space<vmem_shared>>
      tpu.enqueue_dma source(%arg9 : memref<3456xf32, #tpu.memory_space<vmem>>) target(%dma_start3A_399 : memref<3456xf32, #tpu.memory_space<vmem_shared>>) target_semaphore(%arg15 : memref<!tpu.dma_semaphore, #tpu.memory_space<semaphore_mem>>)
      %mul3A_400 = arith.constant 110592 : i32
      %mul3A_401 = arith.muli %arg1, %mul3A_400 : i32
      %add3A_402 = arith.constant 34560 : i32
      %add3A_403 = arith.addi %mul3A_401, %add3A_402 : i32
      %dma_start3A_404 = tpu.memref_slice %arg10[%add3A_403] : memref<1769472xf32, #tpu.memory_space<vmem_shared>> -> memref<3456xf32, #tpu.memory_space<vmem_shared>>
      %dma_start3A_405 = tpu.memref_slice %arg10[%add3A_403] : memref<1769472xf32, #tpu.memory_space<vmem_shared>> -> memref<3456xf32, #tpu.memory_space<vmem_shared>>
      tpu.enqueue_dma source(%arg9 : memref<3456xf32, #tpu.memory_space<vmem>>) target(%dma_start3A_405 : memref<3456xf32, #tpu.memory_space<vmem_shared>>) target_semaphore(%arg15 : memref<!tpu.dma_semaphore, #tpu.memory_space<semaphore_mem>>)
      %mul3A_406 = arith.constant 110592 : i32
      %mul3A_407 = arith.muli %arg1, %mul3A_406 : i32
      %add3A_408 = arith.constant 38016 : i32
      %add3A_409 = arith.addi %mul3A_407, %add3A_408 : i32
      %dma_start3A_410 = tpu.memref_slice %arg10[%add3A_409] : memref<1769472xf32, #tpu.memory_space<vmem_shared>> -> memref<3456xf32, #tpu.memory_space<vmem_shared>>
      %dma_start3A_411 = tpu.memref_slice %arg10[%add3A_409] : memref<1769472xf32, #tpu.memory_space<vmem_shared>> -> memref<3456xf32, #tpu.memory_space<vmem_shared>>
      tpu.enqueue_dma source(%arg9 : memref<3456xf32, #tpu.memory_space<vmem>>) target(%dma_start3A_411 : memref<3456xf32, #tpu.memory_space<vmem_shared>>) target_semaphore(%arg15 : memref<!tpu.dma_semaphore, #tpu.memory_space<semaphore_mem>>)
      %mul3A_412 = arith.constant 110592 : i32
      %mul3A_413 = arith.muli %arg1, %mul3A_412 : i32
      %add3A_414 = arith.constant 41472 : i32
      %add3A_415 = arith.addi %mul3A_413, %add3A_414 : i32
      %dma_start3A_416 = tpu.memref_slice %arg10[%add3A_415] : memref<1769472xf32, #tpu.memory_space<vmem_shared>> -> memref<3456xf32, #tpu.memory_space<vmem_shared>>
      %dma_start3A_417 = tpu.memref_slice %arg10[%add3A_415] : memref<1769472xf32, #tpu.memory_space<vmem_shared>> -> memref<3456xf32, #tpu.memory_space<vmem_shared>>
      tpu.enqueue_dma source(%arg9 : memref<3456xf32, #tpu.memory_space<vmem>>) target(%dma_start3A_417 : memref<3456xf32, #tpu.memory_space<vmem_shared>>) target_semaphore(%arg15 : memref<!tpu.dma_semaphore, #tpu.memory_space<semaphore_mem>>)
      %mul3A_418 = arith.constant 110592 : i32
      %mul3A_419 = arith.muli %arg1, %mul3A_418 : i32
      %add3A_420 = arith.constant 44928 : i32
      %add3A_421 = arith.addi %mul3A_419, %add3A_420 : i32
      %dma_start3A_422 = tpu.memref_slice %arg10[%add3A_421] : memref<1769472xf32, #tpu.memory_space<vmem_shared>> -> memref<3456xf32, #tpu.memory_space<vmem_shared>>
      %dma_start3A_423 = tpu.memref_slice %arg10[%add3A_421] : memref<1769472xf32, #tpu.memory_space<vmem_shared>> -> memref<3456xf32, #tpu.memory_space<vmem_shared>>
      tpu.enqueue_dma source(%arg9 : memref<3456xf32, #tpu.memory_space<vmem>>) target(%dma_start3A_423 : memref<3456xf32, #tpu.memory_space<vmem_shared>>) target_semaphore(%arg15 : memref<!tpu.dma_semaphore, #tpu.memory_space<semaphore_mem>>)
      %mul3A_424 = arith.constant 110592 : i32
      %mul3A_425 = arith.muli %arg1, %mul3A_424 : i32
      %add3A_426 = arith.constant 48384 : i32
      %add3A_427 = arith.addi %mul3A_425, %add3A_426 : i32
      %dma_start3A_428 = tpu.memref_slice %arg10[%add3A_427] : memref<1769472xf32, #tpu.memory_space<vmem_shared>> -> memref<3456xf32, #tpu.memory_space<vmem_shared>>
      %dma_start3A_429 = tpu.memref_slice %arg10[%add3A_427] : memref<1769472xf32, #tpu.memory_space<vmem_shared>> -> memref<3456xf32, #tpu.memory_space<vmem_shared>>
      tpu.enqueue_dma source(%arg9 : memref<3456xf32, #tpu.memory_space<vmem>>) target(%dma_start3A_429 : memref<3456xf32, #tpu.memory_space<vmem_shared>>) target_semaphore(%arg15 : memref<!tpu.dma_semaphore, #tpu.memory_space<semaphore_mem>>)
      %mul3A_430 = arith.constant 110592 : i32
      %mul3A_431 = arith.muli %arg1, %mul3A_430 : i32
      %add3A_432 = arith.constant 51840 : i32
      %add3A_433 = arith.addi %mul3A_431, %add3A_432 : i32
      %dma_start3A_434 = tpu.memref_slice %arg10[%add3A_433] : memref<1769472xf32, #tpu.memory_space<vmem_shared>> -> memref<3456xf32, #tpu.memory_space<vmem_shared>>
      %dma_start3A_435 = tpu.memref_slice %arg10[%add3A_433] : memref<1769472xf32, #tpu.memory_space<vmem_shared>> -> memref<3456xf32, #tpu.memory_space<vmem_shared>>
      tpu.enqueue_dma source(%arg9 : memref<3456xf32, #tpu.memory_space<vmem>>) target(%dma_start3A_435 : memref<3456xf32, #tpu.memory_space<vmem_shared>>) target_semaphore(%arg15 : memref<!tpu.dma_semaphore, #tpu.memory_space<semaphore_mem>>)
      %mul3A_436 = arith.constant 110592 : i32
      %mul3A_437 = arith.muli %arg1, %mul3A_436 : i32
      %add3A_438 = arith.constant 55296 : i32
      %add3A_439 = arith.addi %mul3A_437, %add3A_438 : i32
      %dma_start3A_440 = tpu.memref_slice %arg10[%add3A_439] : memref<1769472xf32, #tpu.memory_space<vmem_shared>> -> memref<3456xf32, #tpu.memory_space<vmem_shared>>
      %dma_start3A_441 = tpu.memref_slice %arg10[%add3A_439] : memref<1769472xf32, #tpu.memory_space<vmem_shared>> -> memref<3456xf32, #tpu.memory_space<vmem_shared>>
      tpu.enqueue_dma source(%arg9 : memref<3456xf32, #tpu.memory_space<vmem>>) target(%dma_start3A_441 : memref<3456xf32, #tpu.memory_space<vmem_shared>>) target_semaphore(%arg15 : memref<!tpu.dma_semaphore, #tpu.memory_space<semaphore_mem>>)
      %mul3A_442 = arith.constant 110592 : i32
      %mul3A_443 = arith.muli %arg1, %mul3A_442 : i32
      %add3A_444 = arith.constant 58752 : i32
      %add3A_445 = arith.addi %mul3A_443, %add3A_444 : i32
      %dma_start3A_446 = tpu.memref_slice %arg10[%add3A_445] : memref<1769472xf32, #tpu.memory_space<vmem_shared>> -> memref<3456xf32, #tpu.memory_space<vmem_shared>>
      %dma_start3A_447 = tpu.memref_slice %arg10[%add3A_445] : memref<1769472xf32, #tpu.memory_space<vmem_shared>> -> memref<3456xf32, #tpu.memory_space<vmem_shared>>
      tpu.enqueue_dma source(%arg9 : memref<3456xf32, #tpu.memory_space<vmem>>) target(%dma_start3A_447 : memref<3456xf32, #tpu.memory_space<vmem_shared>>) target_semaphore(%arg15 : memref<!tpu.dma_semaphore, #tpu.memory_space<semaphore_mem>>)
      %mul3A_448 = arith.constant 110592 : i32
      %mul3A_449 = arith.muli %arg1, %mul3A_448 : i32
      %add3A_450 = arith.constant 62208 : i32
      %add3A_451 = arith.addi %mul3A_449, %add3A_450 : i32
      %dma_start3A_452 = tpu.memref_slice %arg10[%add3A_451] : memref<1769472xf32, #tpu.memory_space<vmem_shared>> -> memref<3456xf32, #tpu.memory_space<vmem_shared>>
      %dma_start3A_453 = tpu.memref_slice %arg10[%add3A_451] : memref<1769472xf32, #tpu.memory_space<vmem_shared>> -> memref<3456xf32, #tpu.memory_space<vmem_shared>>
      tpu.enqueue_dma source(%arg9 : memref<3456xf32, #tpu.memory_space<vmem>>) target(%dma_start3A_453 : memref<3456xf32, #tpu.memory_space<vmem_shared>>) target_semaphore(%arg15 : memref<!tpu.dma_semaphore, #tpu.memory_space<semaphore_mem>>)
      %mul3A_454 = arith.constant 110592 : i32
      %mul3A_455 = arith.muli %arg1, %mul3A_454 : i32
      %add3A_456 = arith.constant 65664 : i32
      %add3A_457 = arith.addi %mul3A_455, %add3A_456 : i32
      %dma_start3A_458 = tpu.memref_slice %arg10[%add3A_457] : memref<1769472xf32, #tpu.memory_space<vmem_shared>> -> memref<3456xf32, #tpu.memory_space<vmem_shared>>
      %dma_start3A_459 = tpu.memref_slice %arg10[%add3A_457] : memref<1769472xf32, #tpu.memory_space<vmem_shared>> -> memref<3456xf32, #tpu.memory_space<vmem_shared>>
      tpu.enqueue_dma source(%arg9 : memref<3456xf32, #tpu.memory_space<vmem>>) target(%dma_start3A_459 : memref<3456xf32, #tpu.memory_space<vmem_shared>>) target_semaphore(%arg15 : memref<!tpu.dma_semaphore, #tpu.memory_space<semaphore_mem>>)
      %mul3A_460 = arith.constant 110592 : i32
      %mul3A_461 = arith.muli %arg1, %mul3A_460 : i32
      %add3A_462 = arith.constant 69120 : i32
      %add3A_463 = arith.addi %mul3A_461, %add3A_462 : i32
      %dma_start3A_464 = tpu.memref_slice %arg10[%add3A_463] : memref<1769472xf32, #tpu.memory_space<vmem_shared>> -> memref<3456xf32, #tpu.memory_space<vmem_shared>>
      %dma_start3A_465 = tpu.memref_slice %arg10[%add3A_463] : memref<1769472xf32, #tpu.memory_space<vmem_shared>> -> memref<3456xf32, #tpu.memory_space<vmem_shared>>
      tpu.enqueue_dma source(%arg9 : memref<3456xf32, #tpu.memory_space<vmem>>) target(%dma_start3A_465 : memref<3456xf32, #tpu.memory_space<vmem_shared>>) target_semaphore(%arg15 : memref<!tpu.dma_semaphore, #tpu.memory_space<semaphore_mem>>)
      %mul3A_466 = arith.constant 110592 : i32
      %mul3A_467 = arith.muli %arg1, %mul3A_466 : i32
      %add3A_468 = arith.constant 72576 : i32
      %add3A_469 = arith.addi %mul3A_467, %add3A_468 : i32
      %dma_start3A_470 = tpu.memref_slice %arg10[%add3A_469] : memref<1769472xf32, #tpu.memory_space<vmem_shared>> -> memref<3456xf32, #tpu.memory_space<vmem_shared>>
      %dma_start3A_471 = tpu.memref_slice %arg10[%add3A_469] : memref<1769472xf32, #tpu.memory_space<vmem_shared>> -> memref<3456xf32, #tpu.memory_space<vmem_shared>>
      tpu.enqueue_dma source(%arg9 : memref<3456xf32, #tpu.memory_space<vmem>>) target(%dma_start3A_471 : memref<3456xf32, #tpu.memory_space<vmem_shared>>) target_semaphore(%arg15 : memref<!tpu.dma_semaphore, #tpu.memory_space<semaphore_mem>>)
      %mul3A_472 = arith.constant 110592 : i32
      %mul3A_473 = arith.muli %arg1, %mul3A_472 : i32
      %add3A_474 = arith.constant 76032 : i32
      %add3A_475 = arith.addi %mul3A_473, %add3A_474 : i32
      %dma_start3A_476 = tpu.memref_slice %arg10[%add3A_475] : memref<1769472xf32, #tpu.memory_space<vmem_shared>> -> memref<3456xf32, #tpu.memory_space<vmem_shared>>
      %dma_start3A_477 = tpu.memref_slice %arg10[%add3A_475] : memref<1769472xf32, #tpu.memory_space<vmem_shared>> -> memref<3456xf32, #tpu.memory_space<vmem_shared>>
      tpu.enqueue_dma source(%arg9 : memref<3456xf32, #tpu.memory_space<vmem>>) target(%dma_start3A_477 : memref<3456xf32, #tpu.memory_space<vmem_shared>>) target_semaphore(%arg15 : memref<!tpu.dma_semaphore, #tpu.memory_space<semaphore_mem>>)
      %mul3A_478 = arith.constant 110592 : i32
      %mul3A_479 = arith.muli %arg1, %mul3A_478 : i32
      %add3A_480 = arith.constant 79488 : i32
      %add3A_481 = arith.addi %mul3A_479, %add3A_480 : i32
      %dma_start3A_482 = tpu.memref_slice %arg10[%add3A_481] : memref<1769472xf32, #tpu.memory_space<vmem_shared>> -> memref<3456xf32, #tpu.memory_space<vmem_shared>>
      %dma_start3A_483 = tpu.memref_slice %arg10[%add3A_481] : memref<1769472xf32, #tpu.memory_space<vmem_shared>> -> memref<3456xf32, #tpu.memory_space<vmem_shared>>
      tpu.enqueue_dma source(%arg9 : memref<3456xf32, #tpu.memory_space<vmem>>) target(%dma_start3A_483 : memref<3456xf32, #tpu.memory_space<vmem_shared>>) target_semaphore(%arg15 : memref<!tpu.dma_semaphore, #tpu.memory_space<semaphore_mem>>)
      %mul3A_484 = arith.constant 110592 : i32
      %mul3A_485 = arith.muli %arg1, %mul3A_484 : i32
      %add3A_486 = arith.constant 82944 : i32
      %add3A_487 = arith.addi %mul3A_485, %add3A_486 : i32
      %dma_start3A_488 = tpu.memref_slice %arg10[%add3A_487] : memref<1769472xf32, #tpu.memory_space<vmem_shared>> -> memref<3456xf32, #tpu.memory_space<vmem_shared>>
      %dma_start3A_489 = tpu.memref_slice %arg10[%add3A_487] : memref<1769472xf32, #tpu.memory_space<vmem_shared>> -> memref<3456xf32, #tpu.memory_space<vmem_shared>>
      tpu.enqueue_dma source(%arg9 : memref<3456xf32, #tpu.memory_space<vmem>>) target(%dma_start3A_489 : memref<3456xf32, #tpu.memory_space<vmem_shared>>) target_semaphore(%arg15 : memref<!tpu.dma_semaphore, #tpu.memory_space<semaphore_mem>>)
      %mul3A_490 = arith.constant 110592 : i32
      %mul3A_491 = arith.muli %arg1, %mul3A_490 : i32
      %add3A_492 = arith.constant 86400 : i32
      %add3A_493 = arith.addi %mul3A_491, %add3A_492 : i32
      %dma_start3A_494 = tpu.memref_slice %arg10[%add3A_493] : memref<1769472xf32, #tpu.memory_space<vmem_shared>> -> memref<3456xf32, #tpu.memory_space<vmem_shared>>
      %dma_start3A_495 = tpu.memref_slice %arg10[%add3A_493] : memref<1769472xf32, #tpu.memory_space<vmem_shared>> -> memref<3456xf32, #tpu.memory_space<vmem_shared>>
      tpu.enqueue_dma source(%arg9 : memref<3456xf32, #tpu.memory_space<vmem>>) target(%dma_start3A_495 : memref<3456xf32, #tpu.memory_space<vmem_shared>>) target_semaphore(%arg15 : memref<!tpu.dma_semaphore, #tpu.memory_space<semaphore_mem>>)
      %mul3A_496 = arith.constant 110592 : i32
      %mul3A_497 = arith.muli %arg1, %mul3A_496 : i32
      %add3A_498 = arith.constant 89856 : i32
      %add3A_499 = arith.addi %mul3A_497, %add3A_498 : i32
      %dma_start3A_500 = tpu.memref_slice %arg10[%add3A_499] : memref<1769472xf32, #tpu.memory_space<vmem_shared>> -> memref<3456xf32, #tpu.memory_space<vmem_shared>>
      %dma_start3A_501 = tpu.memref_slice %arg10[%add3A_499] : memref<1769472xf32, #tpu.memory_space<vmem_shared>> -> memref<3456xf32, #tpu.memory_space<vmem_shared>>
      tpu.enqueue_dma source(%arg9 : memref<3456xf32, #tpu.memory_space<vmem>>) target(%dma_start3A_501 : memref<3456xf32, #tpu.memory_space<vmem_shared>>) target_semaphore(%arg15 : memref<!tpu.dma_semaphore, #tpu.memory_space<semaphore_mem>>)
      %mul3A_502 = arith.constant 110592 : i32
      %mul3A_503 = arith.muli %arg1, %mul3A_502 : i32
      %add3A_504 = arith.constant 93312 : i32
      %add3A_505 = arith.addi %mul3A_503, %add3A_504 : i32
      %dma_start3A_506 = tpu.memref_slice %arg10[%add3A_505] : memref<1769472xf32, #tpu.memory_space<vmem_shared>> -> memref<3456xf32, #tpu.memory_space<vmem_shared>>
      %dma_start3A_507 = tpu.memref_slice %arg10[%add3A_505] : memref<1769472xf32, #tpu.memory_space<vmem_shared>> -> memref<3456xf32, #tpu.memory_space<vmem_shared>>
      tpu.enqueue_dma source(%arg9 : memref<3456xf32, #tpu.memory_space<vmem>>) target(%dma_start3A_507 : memref<3456xf32, #tpu.memory_space<vmem_shared>>) target_semaphore(%arg15 : memref<!tpu.dma_semaphore, #tpu.memory_space<semaphore_mem>>)
      %mul3A_508 = arith.constant 110592 : i32
      %mul3A_509 = arith.muli %arg1, %mul3A_508 : i32
      %add3A_510 = arith.constant 96768 : i32
      %add3A_511 = arith.addi %mul3A_509, %add3A_510 : i32
      %dma_start3A_512 = tpu.memref_slice %arg10[%add3A_511] : memref<1769472xf32, #tpu.memory_space<vmem_shared>> -> memref<3456xf32, #tpu.memory_space<vmem_shared>>
      %dma_start3A_513 = tpu.memref_slice %arg10[%add3A_511] : memref<1769472xf32, #tpu.memory_space<vmem_shared>> -> memref<3456xf32, #tpu.memory_space<vmem_shared>>
      tpu.enqueue_dma source(%arg9 : memref<3456xf32, #tpu.memory_space<vmem>>) target(%dma_start3A_513 : memref<3456xf32, #tpu.memory_space<vmem_shared>>) target_semaphore(%arg15 : memref<!tpu.dma_semaphore, #tpu.memory_space<semaphore_mem>>)
      %mul3A_514 = arith.constant 110592 : i32
      %mul3A_515 = arith.muli %arg1, %mul3A_514 : i32
      %add3A_516 = arith.constant 100224 : i32
      %add3A_517 = arith.addi %mul3A_515, %add3A_516 : i32
      %dma_start3A_518 = tpu.memref_slice %arg10[%add3A_517] : memref<1769472xf32, #tpu.memory_space<vmem_shared>> -> memref<3456xf32, #tpu.memory_space<vmem_shared>>
      %dma_start3A_519 = tpu.memref_slice %arg10[%add3A_517] : memref<1769472xf32, #tpu.memory_space<vmem_shared>> -> memref<3456xf32, #tpu.memory_space<vmem_shared>>
      tpu.enqueue_dma source(%arg9 : memref<3456xf32, #tpu.memory_space<vmem>>) target(%dma_start3A_519 : memref<3456xf32, #tpu.memory_space<vmem_shared>>) target_semaphore(%arg15 : memref<!tpu.dma_semaphore, #tpu.memory_space<semaphore_mem>>)
      %mul3A_520 = arith.constant 110592 : i32
      %mul3A_521 = arith.muli %arg1, %mul3A_520 : i32
      %add3A_522 = arith.constant 103680 : i32
      %add3A_523 = arith.addi %mul3A_521, %add3A_522 : i32
      %dma_start3A_524 = tpu.memref_slice %arg10[%add3A_523] : memref<1769472xf32, #tpu.memory_space<vmem_shared>> -> memref<3456xf32, #tpu.memory_space<vmem_shared>>
      %dma_start3A_525 = tpu.memref_slice %arg10[%add3A_523] : memref<1769472xf32, #tpu.memory_space<vmem_shared>> -> memref<3456xf32, #tpu.memory_space<vmem_shared>>
      tpu.enqueue_dma source(%arg9 : memref<3456xf32, #tpu.memory_space<vmem>>) target(%dma_start3A_525 : memref<3456xf32, #tpu.memory_space<vmem_shared>>) target_semaphore(%arg15 : memref<!tpu.dma_semaphore, #tpu.memory_space<semaphore_mem>>)
      %mul3A_526 = arith.constant 110592 : i32
      %mul3A_527 = arith.muli %arg1, %mul3A_526 : i32
      %add3A_528 = arith.constant 107136 : i32
      %add3A_529 = arith.addi %mul3A_527, %add3A_528 : i32
      %dma_start3A_530 = tpu.memref_slice %arg10[%add3A_529] : memref<1769472xf32, #tpu.memory_space<vmem_shared>> -> memref<3456xf32, #tpu.memory_space<vmem_shared>>
      %dma_start3A_531 = tpu.memref_slice %arg10[%add3A_529] : memref<1769472xf32, #tpu.memory_space<vmem_shared>> -> memref<3456xf32, #tpu.memory_space<vmem_shared>>
      tpu.enqueue_dma source(%arg9 : memref<3456xf32, #tpu.memory_space<vmem>>) target(%dma_start3A_531 : memref<3456xf32, #tpu.memory_space<vmem_shared>>) target_semaphore(%arg15 : memref<!tpu.dma_semaphore, #tpu.memory_space<semaphore_mem>>)
      %dma_wait3A_532 = tpu.memref_slice %arg10[%add3A_343] : memref<1769472xf32, #tpu.memory_space<vmem_shared>> -> memref<3456xf32, #tpu.memory_space<vmem_shared>>
      %dma_wait3A_533 = tpu.memref_slice %arg10[%add3A_343] : memref<1769472xf32, #tpu.memory_space<vmem_shared>> -> memref<3456xf32, #tpu.memory_space<vmem_shared>>
      tpu.wait_dma2 semaphore(%arg15 : memref<!tpu.dma_semaphore, #tpu.memory_space<semaphore_mem>>) src(%arg9 : memref<3456xf32, #tpu.memory_space<vmem>>) dst(%dma_wait3A_533 : memref<3456xf32, #tpu.memory_space<vmem_shared>>)
      %dma_wait3A_534 = tpu.memref_slice %arg10[%add3A_349] : memref<1769472xf32, #tpu.memory_space<vmem_shared>> -> memref<3456xf32, #tpu.memory_space<vmem_shared>>
      %dma_wait3A_535 = tpu.memref_slice %arg10[%add3A_349] : memref<1769472xf32, #tpu.memory_space<vmem_shared>> -> memref<3456xf32, #tpu.memory_space<vmem_shared>>
      tpu.wait_dma2 semaphore(%arg15 : memref<!tpu.dma_semaphore, #tpu.memory_space<semaphore_mem>>) src(%arg9 : memref<3456xf32, #tpu.memory_space<vmem>>) dst(%dma_wait3A_535 : memref<3456xf32, #tpu.memory_space<vmem_shared>>)
      %dma_wait3A_536 = tpu.memref_slice %arg10[%add3A_355] : memref<1769472xf32, #tpu.memory_space<vmem_shared>> -> memref<3456xf32, #tpu.memory_space<vmem_shared>>
      %dma_wait3A_537 = tpu.memref_slice %arg10[%add3A_355] : memref<1769472xf32, #tpu.memory_space<vmem_shared>> -> memref<3456xf32, #tpu.memory_space<vmem_shared>>
      tpu.wait_dma2 semaphore(%arg15 : memref<!tpu.dma_semaphore, #tpu.memory_space<semaphore_mem>>) src(%arg9 : memref<3456xf32, #tpu.memory_space<vmem>>) dst(%dma_wait3A_537 : memref<3456xf32, #tpu.memory_space<vmem_shared>>)
      %dma_wait3A_538 = tpu.memref_slice %arg10[%add3A_361] : memref<1769472xf32, #tpu.memory_space<vmem_shared>> -> memref<3456xf32, #tpu.memory_space<vmem_shared>>
      %dma_wait3A_539 = tpu.memref_slice %arg10[%add3A_361] : memref<1769472xf32, #tpu.memory_space<vmem_shared>> -> memref<3456xf32, #tpu.memory_space<vmem_shared>>
      tpu.wait_dma2 semaphore(%arg15 : memref<!tpu.dma_semaphore, #tpu.memory_space<semaphore_mem>>) src(%arg9 : memref<3456xf32, #tpu.memory_space<vmem>>) dst(%dma_wait3A_539 : memref<3456xf32, #tpu.memory_space<vmem_shared>>)
      %dma_wait3A_540 = tpu.memref_slice %arg10[%add3A_367] : memref<1769472xf32, #tpu.memory_space<vmem_shared>> -> memref<3456xf32, #tpu.memory_space<vmem_shared>>
      %dma_wait3A_541 = tpu.memref_slice %arg10[%add3A_367] : memref<1769472xf32, #tpu.memory_space<vmem_shared>> -> memref<3456xf32, #tpu.memory_space<vmem_shared>>
      tpu.wait_dma2 semaphore(%arg15 : memref<!tpu.dma_semaphore, #tpu.memory_space<semaphore_mem>>) src(%arg9 : memref<3456xf32, #tpu.memory_space<vmem>>) dst(%dma_wait3A_541 : memref<3456xf32, #tpu.memory_space<vmem_shared>>)
      %dma_wait3A_542 = tpu.memref_slice %arg10[%add3A_373] : memref<1769472xf32, #tpu.memory_space<vmem_shared>> -> memref<3456xf32, #tpu.memory_space<vmem_shared>>
      %dma_wait3A_543 = tpu.memref_slice %arg10[%add3A_373] : memref<1769472xf32, #tpu.memory_space<vmem_shared>> -> memref<3456xf32, #tpu.memory_space<vmem_shared>>
      tpu.wait_dma2 semaphore(%arg15 : memref<!tpu.dma_semaphore, #tpu.memory_space<semaphore_mem>>) src(%arg9 : memref<3456xf32, #tpu.memory_space<vmem>>) dst(%dma_wait3A_543 : memref<3456xf32, #tpu.memory_space<vmem_shared>>)
      %dma_wait3A_544 = tpu.memref_slice %arg10[%add3A_379] : memref<1769472xf32, #tpu.memory_space<vmem_shared>> -> memref<3456xf32, #tpu.memory_space<vmem_shared>>
      %dma_wait3A_545 = tpu.memref_slice %arg10[%add3A_379] : memref<1769472xf32, #tpu.memory_space<vmem_shared>> -> memref<3456xf32, #tpu.memory_space<vmem_shared>>
      tpu.wait_dma2 semaphore(%arg15 : memref<!tpu.dma_semaphore, #tpu.memory_space<semaphore_mem>>) src(%arg9 : memref<3456xf32, #tpu.memory_space<vmem>>) dst(%dma_wait3A_545 : memref<3456xf32, #tpu.memory_space<vmem_shared>>)
      %dma_wait3A_546 = tpu.memref_slice %arg10[%add3A_385] : memref<1769472xf32, #tpu.memory_space<vmem_shared>> -> memref<3456xf32, #tpu.memory_space<vmem_shared>>
      %dma_wait3A_547 = tpu.memref_slice %arg10[%add3A_385] : memref<1769472xf32, #tpu.memory_space<vmem_shared>> -> memref<3456xf32, #tpu.memory_space<vmem_shared>>
      tpu.wait_dma2 semaphore(%arg15 : memref<!tpu.dma_semaphore, #tpu.memory_space<semaphore_mem>>) src(%arg9 : memref<3456xf32, #tpu.memory_space<vmem>>) dst(%dma_wait3A_547 : memref<3456xf32, #tpu.memory_space<vmem_shared>>)
      %dma_wait3A_548 = tpu.memref_slice %arg10[%add3A_391] : memref<1769472xf32, #tpu.memory_space<vmem_shared>> -> memref<3456xf32, #tpu.memory_space<vmem_shared>>
      %dma_wait3A_549 = tpu.memref_slice %arg10[%add3A_391] : memref<1769472xf32, #tpu.memory_space<vmem_shared>> -> memref<3456xf32, #tpu.memory_space<vmem_shared>>
      tpu.wait_dma2 semaphore(%arg15 : memref<!tpu.dma_semaphore, #tpu.memory_space<semaphore_mem>>) src(%arg9 : memref<3456xf32, #tpu.memory_space<vmem>>) dst(%dma_wait3A_549 : memref<3456xf32, #tpu.memory_space<vmem_shared>>)
      %dma_wait3A_550 = tpu.memref_slice %arg10[%add3A_397] : memref<1769472xf32, #tpu.memory_space<vmem_shared>> -> memref<3456xf32, #tpu.memory_space<vmem_shared>>
      %dma_wait3A_551 = tpu.memref_slice %arg10[%add3A_397] : memref<1769472xf32, #tpu.memory_space<vmem_shared>> -> memref<3456xf32, #tpu.memory_space<vmem_shared>>
      tpu.wait_dma2 semaphore(%arg15 : memref<!tpu.dma_semaphore, #tpu.memory_space<semaphore_mem>>) src(%arg9 : memref<3456xf32, #tpu.memory_space<vmem>>) dst(%dma_wait3A_551 : memref<3456xf32, #tpu.memory_space<vmem_shared>>)
      %dma_wait3A_552 = tpu.memref_slice %arg10[%add3A_403] : memref<1769472xf32, #tpu.memory_space<vmem_shared>> -> memref<3456xf32, #tpu.memory_space<vmem_shared>>
      %dma_wait3A_553 = tpu.memref_slice %arg10[%add3A_403] : memref<1769472xf32, #tpu.memory_space<vmem_shared>> -> memref<3456xf32, #tpu.memory_space<vmem_shared>>
      tpu.wait_dma2 semaphore(%arg15 : memref<!tpu.dma_semaphore, #tpu.memory_space<semaphore_mem>>) src(%arg9 : memref<3456xf32, #tpu.memory_space<vmem>>) dst(%dma_wait3A_553 : memref<3456xf32, #tpu.memory_space<vmem_shared>>)
      %dma_wait3A_554 = tpu.memref_slice %arg10[%add3A_409] : memref<1769472xf32, #tpu.memory_space<vmem_shared>> -> memref<3456xf32, #tpu.memory_space<vmem_shared>>
      %dma_wait3A_555 = tpu.memref_slice %arg10[%add3A_409] : memref<1769472xf32, #tpu.memory_space<vmem_shared>> -> memref<3456xf32, #tpu.memory_space<vmem_shared>>
      tpu.wait_dma2 semaphore(%arg15 : memref<!tpu.dma_semaphore, #tpu.memory_space<semaphore_mem>>) src(%arg9 : memref<3456xf32, #tpu.memory_space<vmem>>) dst(%dma_wait3A_555 : memref<3456xf32, #tpu.memory_space<vmem_shared>>)
      %dma_wait3A_556 = tpu.memref_slice %arg10[%add3A_415] : memref<1769472xf32, #tpu.memory_space<vmem_shared>> -> memref<3456xf32, #tpu.memory_space<vmem_shared>>
      %dma_wait3A_557 = tpu.memref_slice %arg10[%add3A_415] : memref<1769472xf32, #tpu.memory_space<vmem_shared>> -> memref<3456xf32, #tpu.memory_space<vmem_shared>>
      tpu.wait_dma2 semaphore(%arg15 : memref<!tpu.dma_semaphore, #tpu.memory_space<semaphore_mem>>) src(%arg9 : memref<3456xf32, #tpu.memory_space<vmem>>) dst(%dma_wait3A_557 : memref<3456xf32, #tpu.memory_space<vmem_shared>>)
      %dma_wait3A_558 = tpu.memref_slice %arg10[%add3A_421] : memref<1769472xf32, #tpu.memory_space<vmem_shared>> -> memref<3456xf32, #tpu.memory_space<vmem_shared>>
      %dma_wait3A_559 = tpu.memref_slice %arg10[%add3A_421] : memref<1769472xf32, #tpu.memory_space<vmem_shared>> -> memref<3456xf32, #tpu.memory_space<vmem_shared>>
      tpu.wait_dma2 semaphore(%arg15 : memref<!tpu.dma_semaphore, #tpu.memory_space<semaphore_mem>>) src(%arg9 : memref<3456xf32, #tpu.memory_space<vmem>>) dst(%dma_wait3A_559 : memref<3456xf32, #tpu.memory_space<vmem_shared>>)
      %dma_wait3A_560 = tpu.memref_slice %arg10[%add3A_427] : memref<1769472xf32, #tpu.memory_space<vmem_shared>> -> memref<3456xf32, #tpu.memory_space<vmem_shared>>
      %dma_wait3A_561 = tpu.memref_slice %arg10[%add3A_427] : memref<1769472xf32, #tpu.memory_space<vmem_shared>> -> memref<3456xf32, #tpu.memory_space<vmem_shared>>
      tpu.wait_dma2 semaphore(%arg15 : memref<!tpu.dma_semaphore, #tpu.memory_space<semaphore_mem>>) src(%arg9 : memref<3456xf32, #tpu.memory_space<vmem>>) dst(%dma_wait3A_561 : memref<3456xf32, #tpu.memory_space<vmem_shared>>)
      %dma_wait3A_562 = tpu.memref_slice %arg10[%add3A_433] : memref<1769472xf32, #tpu.memory_space<vmem_shared>> -> memref<3456xf32, #tpu.memory_space<vmem_shared>>
      %dma_wait3A_563 = tpu.memref_slice %arg10[%add3A_433] : memref<1769472xf32, #tpu.memory_space<vmem_shared>> -> memref<3456xf32, #tpu.memory_space<vmem_shared>>
      tpu.wait_dma2 semaphore(%arg15 : memref<!tpu.dma_semaphore, #tpu.memory_space<semaphore_mem>>) src(%arg9 : memref<3456xf32, #tpu.memory_space<vmem>>) dst(%dma_wait3A_563 : memref<3456xf32, #tpu.memory_space<vmem_shared>>)
      %dma_wait3A_564 = tpu.memref_slice %arg10[%add3A_439] : memref<1769472xf32, #tpu.memory_space<vmem_shared>> -> memref<3456xf32, #tpu.memory_space<vmem_shared>>
      %dma_wait3A_565 = tpu.memref_slice %arg10[%add3A_439] : memref<1769472xf32, #tpu.memory_space<vmem_shared>> -> memref<3456xf32, #tpu.memory_space<vmem_shared>>
      tpu.wait_dma2 semaphore(%arg15 : memref<!tpu.dma_semaphore, #tpu.memory_space<semaphore_mem>>) src(%arg9 : memref<3456xf32, #tpu.memory_space<vmem>>) dst(%dma_wait3A_565 : memref<3456xf32, #tpu.memory_space<vmem_shared>>)
      %dma_wait3A_566 = tpu.memref_slice %arg10[%add3A_445] : memref<1769472xf32, #tpu.memory_space<vmem_shared>> -> memref<3456xf32, #tpu.memory_space<vmem_shared>>
      %dma_wait3A_567 = tpu.memref_slice %arg10[%add3A_445] : memref<1769472xf32, #tpu.memory_space<vmem_shared>> -> memref<3456xf32, #tpu.memory_space<vmem_shared>>
      tpu.wait_dma2 semaphore(%arg15 : memref<!tpu.dma_semaphore, #tpu.memory_space<semaphore_mem>>) src(%arg9 : memref<3456xf32, #tpu.memory_space<vmem>>) dst(%dma_wait3A_567 : memref<3456xf32, #tpu.memory_space<vmem_shared>>)
      %dma_wait3A_568 = tpu.memref_slice %arg10[%add3A_451] : memref<1769472xf32, #tpu.memory_space<vmem_shared>> -> memref<3456xf32, #tpu.memory_space<vmem_shared>>
      %dma_wait3A_569 = tpu.memref_slice %arg10[%add3A_451] : memref<1769472xf32, #tpu.memory_space<vmem_shared>> -> memref<3456xf32, #tpu.memory_space<vmem_shared>>
      tpu.wait_dma2 semaphore(%arg15 : memref<!tpu.dma_semaphore, #tpu.memory_space<semaphore_mem>>) src(%arg9 : memref<3456xf32, #tpu.memory_space<vmem>>) dst(%dma_wait3A_569 : memref<3456xf32, #tpu.memory_space<vmem_shared>>)
      %dma_wait3A_570 = tpu.memref_slice %arg10[%add3A_457] : memref<1769472xf32, #tpu.memory_space<vmem_shared>> -> memref<3456xf32, #tpu.memory_space<vmem_shared>>
      %dma_wait3A_571 = tpu.memref_slice %arg10[%add3A_457] : memref<1769472xf32, #tpu.memory_space<vmem_shared>> -> memref<3456xf32, #tpu.memory_space<vmem_shared>>
      tpu.wait_dma2 semaphore(%arg15 : memref<!tpu.dma_semaphore, #tpu.memory_space<semaphore_mem>>) src(%arg9 : memref<3456xf32, #tpu.memory_space<vmem>>) dst(%dma_wait3A_571 : memref<3456xf32, #tpu.memory_space<vmem_shared>>)
      %dma_wait3A_572 = tpu.memref_slice %arg10[%add3A_463] : memref<1769472xf32, #tpu.memory_space<vmem_shared>> -> memref<3456xf32, #tpu.memory_space<vmem_shared>>
      %dma_wait3A_573 = tpu.memref_slice %arg10[%add3A_463] : memref<1769472xf32, #tpu.memory_space<vmem_shared>> -> memref<3456xf32, #tpu.memory_space<vmem_shared>>
      tpu.wait_dma2 semaphore(%arg15 : memref<!tpu.dma_semaphore, #tpu.memory_space<semaphore_mem>>) src(%arg9 : memref<3456xf32, #tpu.memory_space<vmem>>) dst(%dma_wait3A_573 : memref<3456xf32, #tpu.memory_space<vmem_shared>>)
      %dma_wait3A_574 = tpu.memref_slice %arg10[%add3A_469] : memref<1769472xf32, #tpu.memory_space<vmem_shared>> -> memref<3456xf32, #tpu.memory_space<vmem_shared>>
      %dma_wait3A_575 = tpu.memref_slice %arg10[%add3A_469] : memref<1769472xf32, #tpu.memory_space<vmem_shared>> -> memref<3456xf32, #tpu.memory_space<vmem_shared>>
      tpu.wait_dma2 semaphore(%arg15 : memref<!tpu.dma_semaphore, #tpu.memory_space<semaphore_mem>>) src(%arg9 : memref<3456xf32, #tpu.memory_space<vmem>>) dst(%dma_wait3A_575 : memref<3456xf32, #tpu.memory_space<vmem_shared>>)
      %dma_wait3A_576 = tpu.memref_slice %arg10[%add3A_475] : memref<1769472xf32, #tpu.memory_space<vmem_shared>> -> memref<3456xf32, #tpu.memory_space<vmem_shared>>
      %dma_wait3A_577 = tpu.memref_slice %arg10[%add3A_475] : memref<1769472xf32, #tpu.memory_space<vmem_shared>> -> memref<3456xf32, #tpu.memory_space<vmem_shared>>
      tpu.wait_dma2 semaphore(%arg15 : memref<!tpu.dma_semaphore, #tpu.memory_space<semaphore_mem>>) src(%arg9 : memref<3456xf32, #tpu.memory_space<vmem>>) dst(%dma_wait3A_577 : memref<3456xf32, #tpu.memory_space<vmem_shared>>)
      %dma_wait3A_578 = tpu.memref_slice %arg10[%add3A_481] : memref<1769472xf32, #tpu.memory_space<vmem_shared>> -> memref<3456xf32, #tpu.memory_space<vmem_shared>>
      %dma_wait3A_579 = tpu.memref_slice %arg10[%add3A_481] : memref<1769472xf32, #tpu.memory_space<vmem_shared>> -> memref<3456xf32, #tpu.memory_space<vmem_shared>>
      tpu.wait_dma2 semaphore(%arg15 : memref<!tpu.dma_semaphore, #tpu.memory_space<semaphore_mem>>) src(%arg9 : memref<3456xf32, #tpu.memory_space<vmem>>) dst(%dma_wait3A_579 : memref<3456xf32, #tpu.memory_space<vmem_shared>>)
      %dma_wait3A_580 = tpu.memref_slice %arg10[%add3A_487] : memref<1769472xf32, #tpu.memory_space<vmem_shared>> -> memref<3456xf32, #tpu.memory_space<vmem_shared>>
      %dma_wait3A_581 = tpu.memref_slice %arg10[%add3A_487] : memref<1769472xf32, #tpu.memory_space<vmem_shared>> -> memref<3456xf32, #tpu.memory_space<vmem_shared>>
      tpu.wait_dma2 semaphore(%arg15 : memref<!tpu.dma_semaphore, #tpu.memory_space<semaphore_mem>>) src(%arg9 : memref<3456xf32, #tpu.memory_space<vmem>>) dst(%dma_wait3A_581 : memref<3456xf32, #tpu.memory_space<vmem_shared>>)
      %dma_wait3A_582 = tpu.memref_slice %arg10[%add3A_493] : memref<1769472xf32, #tpu.memory_space<vmem_shared>> -> memref<3456xf32, #tpu.memory_space<vmem_shared>>
      %dma_wait3A_583 = tpu.memref_slice %arg10[%add3A_493] : memref<1769472xf32, #tpu.memory_space<vmem_shared>> -> memref<3456xf32, #tpu.memory_space<vmem_shared>>
      tpu.wait_dma2 semaphore(%arg15 : memref<!tpu.dma_semaphore, #tpu.memory_space<semaphore_mem>>) src(%arg9 : memref<3456xf32, #tpu.memory_space<vmem>>) dst(%dma_wait3A_583 : memref<3456xf32, #tpu.memory_space<vmem_shared>>)
      %dma_wait3A_584 = tpu.memref_slice %arg10[%add3A_499] : memref<1769472xf32, #tpu.memory_space<vmem_shared>> -> memref<3456xf32, #tpu.memory_space<vmem_shared>>
      %dma_wait3A_585 = tpu.memref_slice %arg10[%add3A_499] : memref<1769472xf32, #tpu.memory_space<vmem_shared>> -> memref<3456xf32, #tpu.memory_space<vmem_shared>>
      tpu.wait_dma2 semaphore(%arg15 : memref<!tpu.dma_semaphore, #tpu.memory_space<semaphore_mem>>) src(%arg9 : memref<3456xf32, #tpu.memory_space<vmem>>) dst(%dma_wait3A_585 : memref<3456xf32, #tpu.memory_space<vmem_shared>>)
      %dma_wait3A_586 = tpu.memref_slice %arg10[%add3A_505] : memref<1769472xf32, #tpu.memory_space<vmem_shared>> -> memref<3456xf32, #tpu.memory_space<vmem_shared>>
      %dma_wait3A_587 = tpu.memref_slice %arg10[%add3A_505] : memref<1769472xf32, #tpu.memory_space<vmem_shared>> -> memref<3456xf32, #tpu.memory_space<vmem_shared>>
      tpu.wait_dma2 semaphore(%arg15 : memref<!tpu.dma_semaphore, #tpu.memory_space<semaphore_mem>>) src(%arg9 : memref<3456xf32, #tpu.memory_space<vmem>>) dst(%dma_wait3A_587 : memref<3456xf32, #tpu.memory_space<vmem_shared>>)
      %dma_wait3A_588 = tpu.memref_slice %arg10[%add3A_511] : memref<1769472xf32, #tpu.memory_space<vmem_shared>> -> memref<3456xf32, #tpu.memory_space<vmem_shared>>
      %dma_wait3A_589 = tpu.memref_slice %arg10[%add3A_511] : memref<1769472xf32, #tpu.memory_space<vmem_shared>> -> memref<3456xf32, #tpu.memory_space<vmem_shared>>
      tpu.wait_dma2 semaphore(%arg15 : memref<!tpu.dma_semaphore, #tpu.memory_space<semaphore_mem>>) src(%arg9 : memref<3456xf32, #tpu.memory_space<vmem>>) dst(%dma_wait3A_589 : memref<3456xf32, #tpu.memory_space<vmem_shared>>)
      %dma_wait3A_590 = tpu.memref_slice %arg10[%add3A_517] : memref<1769472xf32, #tpu.memory_space<vmem_shared>> -> memref<3456xf32, #tpu.memory_space<vmem_shared>>
      %dma_wait3A_591 = tpu.memref_slice %arg10[%add3A_517] : memref<1769472xf32, #tpu.memory_space<vmem_shared>> -> memref<3456xf32, #tpu.memory_space<vmem_shared>>
      tpu.wait_dma2 semaphore(%arg15 : memref<!tpu.dma_semaphore, #tpu.memory_space<semaphore_mem>>) src(%arg9 : memref<3456xf32, #tpu.memory_space<vmem>>) dst(%dma_wait3A_591 : memref<3456xf32, #tpu.memory_space<vmem_shared>>)
      %dma_wait3A_592 = tpu.memref_slice %arg10[%add3A_523] : memref<1769472xf32, #tpu.memory_space<vmem_shared>> -> memref<3456xf32, #tpu.memory_space<vmem_shared>>
      %dma_wait3A_593 = tpu.memref_slice %arg10[%add3A_523] : memref<1769472xf32, #tpu.memory_space<vmem_shared>> -> memref<3456xf32, #tpu.memory_space<vmem_shared>>
      tpu.wait_dma2 semaphore(%arg15 : memref<!tpu.dma_semaphore, #tpu.memory_space<semaphore_mem>>) src(%arg9 : memref<3456xf32, #tpu.memory_space<vmem>>) dst(%dma_wait3A_593 : memref<3456xf32, #tpu.memory_space<vmem_shared>>)
      %dma_wait3A_594 = tpu.memref_slice %arg10[%add3A_529] : memref<1769472xf32, #tpu.memory_space<vmem_shared>> -> memref<3456xf32, #tpu.memory_space<vmem_shared>>
      %dma_wait3A_595 = tpu.memref_slice %arg10[%add3A_529] : memref<1769472xf32, #tpu.memory_space<vmem_shared>> -> memref<3456xf32, #tpu.memory_space<vmem_shared>>
      tpu.wait_dma2 semaphore(%arg15 : memref<!tpu.dma_semaphore, #tpu.memory_space<semaphore_mem>>) src(%arg9 : memref<3456xf32, #tpu.memory_space<vmem>>) dst(%dma_wait3A_595 : memref<3456xf32, #tpu.memory_space<vmem_shared>>)
      %barrier3A_596 = arith.constant 0 : index
      tpu.barrier barrier_id(%barrier3A_596)
    }
    %scan3A_263 = arith.constant 16 : i32
    return
  }
}

</mosaic_0001>

<sc_bundles>
// kernel: kernel.3.cloned.1.call-start
scs
__scs_entry_jumppad:
0x0: {  	(pc) =	sbr.rel $0x88, $3  }
0x1: {  	(tag) =	ssettag $0x0;
	lr =	simm.s32 $0x1  }
0x2: {  	[smem:$0x3F9F] =	sst lr;
	_ =	strace $0xD0000000  }
0x3: {  	_ = 	snop  }
0x4: {  	_ = 	snop  }
0x5: {  	_ = 	snop  }
0x6: {  	_ = 	snop  }
0x7: {  	_ = 	snop  }
__scs_overlays_trampoline_lowered:
0x8: {  	[smem:$0x3FAE] =	sst s0  }
0x9: {  	[smem:$0x3FAF] =	sst s1  }
0xa: {  	[smem:$0x3FB0] =	sst s2  }
0xb: {  	[smem:$0x3FB1] =	sst s3  }
0xc: {  	[smem:$0x3FB2] =	sst s4  }
0xd: {  	[smem:$0x3FB3] =	sst s5  }
0xe: {  	[smem:$0x3FB4] =	sst s6  }
0xf: {  	[smem:$0x3FB5] =	sst s7  }
0x10: {  	[smem:$0x3FB6] =	sst s8  }
0x11: {  	[smem:$0x3FB7] =	sst s9;
	s0 =	simm.s32 @!p0 $0x0  }
0x12: {  	s1 =	sld [smem:$0x3F9D];
	s0 =	simm.s32 @p0 $0x1  }
0x13: {  	[smem:$0x3FB8] =	sst s0;
	s0 =	simm.s32 @!p1 $0x0  }
0x14: {  	s2 =	sld [smem:$0x3F9C];
	s0 =	simm.s32 @p1 $0x1  }
0x15: {  	[smem:$0x3FB9] =	sst s0;
	s0 =	simm.s32 @!p2 $0x0  }
0x16: {  	s3 =	sld [smem:$0x3FDB];
	s0 =	simm.s32 @p2 $0x1  }
0x17: {  	s4 =	simm.s32 $0x1BF5;
	[smem:$0x3FBB] =	sst s0  }
0x18: {  	s0 =	sld [smem:$0x3F9E];
	_ =	swait.ge [sflag:s4], $0x0  }
0x19: {  	s7 =	sld [smem:$0x3F9F]  }
0x1a: {  	s8 =	sadd.s32 $0xFFFFE003, lr  }
0x1b: {  	s9 =	sadd.s32 $0xFFFFFEF7, lr;
	s5 =	simm.s32 $0xFFFFFFFF;
	p2 =	slt.u32 s8, $0xFFFFF086  }
0x1c: {  	p1 =	slt.u32 s9, $0xF7A;
	s5 =	simm.s32 @!p2 $0x0  }
0x1d: {  	s5 =	simm.s32 @p1 $0x1;
	p0 =	seq.s32 s7, s2  }
0x1e: {  	s7 =	smul.u32 @!p0 $0xF7A, s2;
	p2 =	seq.s32 @!p0 s5, $0x0  }
0x1f: {  	s9 =	smul.u32 $0xF7A, s1;
	s8 =	simm.s32 @!p0 $0x1BF5;
	p2 =	por !p2, p0  }
0x20: {  	[sflag:s8] =	ssyncset.s32 @!p0 $0xFFFFF086;
	s6 =	sadd.s32 @!p0 s3, s7;
	s7 =	simm.s32 @!p0 $0x108  }
0x21: {  	s3 =	sadd.s32 s3, s9;
	s6 =	sadd.s32 @!p0 $0x88, s6;
	s7 =	simm.s32 @p2 $0x1082  }
0x22: {  	[simem:s7], [sflag:s8] =	dma.local @!p0 [hbm:s6], $0xF7A  }
0x23: {  	s9 =	sor.u32 $0xD0000000, s2;
	s6 =	simm.s32 $0x108;
	_ =	swait.ge @!p0 [sflag:s8], $0x0  }
0x24: {  	s3 =	sadd.s32 $0x88, s3;
	s6 =	simm.s32 @!p1 $0x1082;
	[sflag:s4] =	ssyncset.s32 $0xFFFFF086  }
0x25: {  	[simem:s6], [sflag:s4] =	dma.local [hbm:s3], $0xF7A  }
0x26: {  	[smem:$0x3F9F] =	sst s1;
	(tag) =	ssettag s2;
	_ =	strace s9  }
0x27: {  	s1 =	sld [smem:$0x3FAF]  }
0x28: {  	s2 =	sld [smem:$0x3FB0]  }
0x29: {  	s4 =	sld [smem:$0x3FB2]  }
0x2a: {  	p0 =	seq.s32 s5, $0x0;
	s5 =	sld [smem:$0x3FB3]  }
0x2b: {  	s6 =	sld [smem:$0x3FB4]  }
0x2c: {  	s7 =	sld [smem:$0x3FB5]  }
0x2d: {  	s3 =	simm.s32 $0x108;
	s8 =	sld [smem:$0x3FB6]  }
0x2e: {  	s3 =	simm.s32 @!p0 $0x1082;
	s9 =	sld [smem:$0x3FB7]  }
0x2f: {  	lr =	sadd.s32 s0, s3;
	s0 =	sld [smem:$0x3FAE]  }
0x30: {  	s3 =	sld [smem:$0x3FB1]  }
0x31: {  	[smem:$0x3FBA] =	sst s10  }
0x32: {  	s10 =	sld [smem:$0x3FB8];
	_ =	sdelay $0x3  }
0x33: {  	p0 =	seq.s32 s10, $0x1;
	s10 =	sld [smem:$0x3FBA];
	_ =	sdelay $0x3  }
0x34: {  	[smem:$0x3FBA] =	sst s10  }
0x35: {  	s10 =	sld [smem:$0x3FB9];
	_ =	sdelay $0x3  }
0x36: {  	p1 =	seq.s32 s10, $0x1;
	s10 =	sld [smem:$0x3FBA];
	_ =	sdelay $0x3  }
0x37: {  	[smem:$0x3FBA] =	sst s10  }
0x38: {  	s10 =	sld [smem:$0x3FBB]  }
0x39: {  	_ = 	snop;
	(pc) =	sbr.ind lr, $3  }
0x3a: {  	_ = 	snop  }
0x3b: {  	_ = 	snop  }
0x3c: {  	p2 =	seq.s32 s10, $0x1;
	s10 =	sld [smem:$0x3FBA]  }
0x3d: {  	_ =	shalt  }
0x3e: {  	_ =	shalt  }
0x3f: {  	_ =	shalt  }
0x40: {  	_ =	shalt  }
0x41: {  	_ =	shalt  }
0x42: {  	_ =	shalt  }
0x43: {  	_ =	shalt  }
0x44: {  	_ =	shalt  }
0x45: {  	_ =	shalt  }
0x46: {  	_ =	shalt  }
0x47: {  	_ =	shalt  }
0x48: {  	_ =	shalt  }
0x49: {  	_ =	shalt  }
0x4a: {  	_ =	shalt  }
0x4b: {  	_ =	shalt  }
0x4c: {  	_ =	shalt  }
0x4d: {  	_ =	shalt  }
0x4e: {  	_ =	shalt  }
0x4f: {  	_ =	shalt  }
0x50: {  	_ =	shalt  }
0x51: {  	_ =	shalt  }
0x52: {  	_ =	shalt  }
0x53: {  	_ =	shalt  }
0x54: {  	_ =	shalt  }
0x55: {  	_ =	shalt  }
0x56: {  	_ =	shalt  }
0x57: {  	_ =	shalt  }
0x58: {  	_ =	shalt  }
0x59: {  	_ =	shalt  }
0x5a: {  	_ =	shalt  }
0x5b: {  	_ =	shalt  }
0x5c: {  	_ =	shalt  }
0x5d: {  	_ =	shalt  }
0x5e: {  	_ =	shalt  }
0x5f: {  	_ =	shalt  }
0x60: {  	_ =	shalt  }
0x61: {  	_ =	shalt  }
0x62: {  	_ =	shalt  }
0x63: {  	_ =	shalt  }
0x64: {  	_ =	shalt  }
0x65: {  	_ =	shalt  }
0x66: {  	_ =	shalt  }
0x67: {  	_ =	shalt  }
0x68: {  	_ =	shalt  }
0x69: {  	_ =	shalt  }
0x6a: {  	_ =	shalt  }
0x6b: {  	_ =	shalt  }
0x6c: {  	_ =	shalt  }
0x6d: {  	_ =	shalt  }
0x6e: {  	_ =	shalt  }
0x6f: {  	_ =	shalt  }
0x70: {  	_ =	shalt  }
0x71: {  	_ =	shalt  }
0x72: {  	_ =	shalt  }
0x73: {  	_ =	shalt  }
0x74: {  	_ =	shalt  }
0x75: {  	_ =	shalt  }
0x76: {  	_ =	shalt  }
0x77: {  	_ =	shalt  }
0x78: {  	_ =	shalt  }
0x79: {  	_ =	shalt  }
0x7a: {  	_ =	shalt  }
0x7b: {  	_ =	shalt  }
0x7c: {  	_ =	shalt  }
0x7d: {  	_ =	shalt  }
0x7e: {  	_ =	shalt  }
0x7f: {  	_ =	shalt  }
0x80: {  	_ =	shalt  }
0x81: {  	_ =	shalt  }
0x82: {  	_ =	shalt  }
0x83: {  	_ =	shalt  }
0x84: {  	_ =	shalt  }
0x85: {  	_ =	shalt  }
0x86: {  	_ =	shalt  }
0x87: {  	_ =	shalt  }
.Lfunc_end0:
.L_simem_size_0:
called_computation.1_lowered:
.L_overlay_start_0:
0x88: {  	s2 =	sld [smem:$0x3FD9]  }
0x89: {  	s3 =	sld [smem:$0x3FFE];
	_ =	sdelay $0x1  }
0x8a: {  	s1 =	srdreg.scid  }
0x8b: {  	s0 =	sand.u32 $0x1, s1  }
0x8c: {  	s17 =	sshll.u32 s0, $0xA;
	s2 =	sadd.s32 s3, s2  }
0x8d: {  	s2 =	sadd.s32 s2, s17  }
0x8e: {  	[smem:$0x3FC6] =	sst s2  }
0x8f: {  	_ = 	snop  }
0x90: {  	s2 =	sld [smem:$0x3FD0];
	(tm) =	ssettm $0x1  }
0x91: {  	s18 =	sld [smem:$0x3FFB];
	_ =	sdelay $0x3  }
0x92: {  	_ =	strace s18  }
0x93: {  	s3 =	sld [smem:$0x3FFC];
	_ =	sdelay $0x3  }
0x94: {  	_ =	strace s3  }
0x95: {  	s3 =	sld [smem:$0x3FFD];
	_ =	sdelay $0x3  }
0x96: {  	_ =	strace s3  }
0x97: {  	_ =	strace $0x8FFFFFFF  }
0x98: {  	s19 =	sld [smem:$0x3FDB];
	_ =	sdelay $0x1  }
0x99: {  	s4 =	simm.s32 $_scs_section_size  }
0x9a: {  	s5 =	simm.s32 $_size__tile_overlayer_lowered;
	s6 =	simm.s32 $_tile_overlayer_lowered  }
0x9b: {  	s22 =	simm.s32 $0x1BFF;
	s21 =	sshll.u32 s6, $0x1;
	s3 =	sadd.s32 s4, s19  }
0x9c: {  	s7 =	simm.s32 $0x0;
	s20 =	sshll.u32 s5, $0x1;
	s5 =	sadd.s32 s21, s3  }
0x9d: {  	[timem:s7], [sflag:s22] =	dma.local [hbm:s5], s20  }
0x9e: {  	_ =	swait.ge [sflag:s22], s20  }
0x9f: {  	s4 =	ssub.s32 $0x0, s20;
	[sflag:s22] =	ssyncset.done $0x0  }
0xa0: {  	[sflag:s22] =	ssyncadd.s32 s4;
	_ =	sdelay $0x1  }
0xa1: {  	s23 =	simm.s32 $0x1B8B  }
0xa2: {  	_ =	swait.ge [sflag:s23], $0x1  }
0xa3: {  	[sflag:s23] =	ssyncset.done $0x0  }
0xa4: {  	s25 =	simm.s32 $0x1B8E;
	s24 =	sld [smem:$0x3FFE];
	[sflag:s23] =	ssyncadd.s32 $0xFFFFFFFF  }
0xa5: {  	s26 =	simm.s32 $execute0_lowered;
	[smem:$0x3FD2] =	sst s25  }
0xa6: {  	s5 =	sshll.u32 s26, $0x1;
	_ =	strace $0x80000046;
	[dreg:$0x1] =	wrdreg $0xFFFFFFFF  }
0xa7: {  	s28 =	simm.s32 $_size_execute0_lowered;
	s3 =	sadd.s32 s3, s5;
	[dreg:$0x0] =	wrdreg $0x0  }
0xa8: {  	s5 =	sshll.u32 s28, $0x1;
	[dreg:$0x2] =	wrdreg s3  }
0xa9: {  	[dreg:$0x3] =	wrdreg s5  }
0xaa: {  	[dreg:$0x4] =	wrdreg $0xC0  }
0xab: {  	_ =	task [dreg:s7], $0x5FFFF  }
0xac: {  	[dreg:$0x1] =	wrdreg $0xFFFFFFFF  }
0xad: {  	[dreg:$0x0] =	wrdreg $0x60  }
0xae: {  	[dreg:$0x2] =	wrdreg s24  }
0xaf: {  	[dreg:$0x3] =	wrdreg s2  }
0xb0: {  	[dreg:$0x4] =	wrdreg $0x4D800  }
0xb1: {  	[dreg:$0x5] =	wrdreg $0x9  }
0xb2: {  	_ =	task.clear_ibuf [dreg:s7], $0x6FFFF;
	_ =	strace $0x90000046  }
0xb3: {  	s29 =	simm.s32 $0x9;
	_ =	strace $0x80000048  }
0xb4: {  	_ =	swait.ge [sflag:s29], $0x1  }
0xb5: {  	[sflag:s29] =	ssyncadd.s32 $0xFFFFFFFF  }
0xb6: {  	_ =	strace $0x90000048  }
0xb7: {  	_ =	sfence  }
0xb8: {  	s30 =	sld [smem:$0x0];
	_ =	sdelay $0x2  }
0xb9: {  	s31 =	sshll.u32 s1, $0xD;
	s1 =	sshrl.u32 s1, $0x2  }
0xba: {  	s3 =	sand.u32 $0x4000, s31;
	s1 =	sadd.s32 s1, s30  }
0xbb: {  	s0 =	sor.u32 s3, s0;
	s1 =	sshll.u32 s1, $0x11  }
0xbc: {  	s0 =	sor.u32 s1, s0  }
0xbd: {  	s0 =	sadd.s32 $0x8F2B, s0  }
0xbe: {  	[sflag:s0] =	ssyncadd.remote.s32 $0x1  }
0xbf: {  	_ =	sfence.sel $0xFFFF  }
0xc0: {  	[dreg:$0x0] =	wrdreg $0xFFFFFFFF;
	(pc) =	sbr.abs _section_cstart, $3  }
0xc1: {  	[dreg:$0x1] =	wrdreg $0xFFFFFFFF  }
0xc2: {  	_ =	task.clear_ibuf [dreg:s7], $0x2FFFF;
	_ =	strace $0x9FFFFFFF  }
0xc3: {  	(tm) =	ssettm $0x7FFFFFFF  }
tec
execute0_lowered:
.L_overlay_start_1:
0x0: {  	(tag) =	ssettag $0x1  }
0x1: {  	s0 =	rddreg [dreg:$0x0]  }
0x2: {  	s4 =	simm.s32 $0x0;
	s1 =	srdreg.scid;
	s9 =	stileid.u32  }
0x3: {  	[smem:$0x7FF] =	sst s4;
	s1 =	sand.u32 $0x1, s1;
	s7 =	smul.u32 $0x1B000, s9  }
0x4: {  	s3 =	rddreg [dreg:$0x2];
	_ =	strace $0x80000047;
	s2 =	ssub.s32 $0x2, s1  }
0x5: {  	s1 =	sshll.u32 s1, $0x1;
	[dreg:$0x4] =	wrdreg s7;
	s7 =	sadd.s32 s7, s3  }
0x6: {  	[dreg:$0x14] =	wrdreg s1;
	s24 =	sadd.s32 $0xD80, s7  }
0x7: {  	s25 =	sadd.s32 $0x1B00, s7;
	[dreg:$0x5] =	wrdreg s24  }
0x8: {  	s26 =	sadd.s32 $0x2880, s7;
	[dreg:$0x6] =	wrdreg s25  }
0x9: {  	s28 =	sadd.s32 $0x3600, s7;
	[dreg:$0x7] =	wrdreg s26  }
0xa: {  	s29 =	sadd.s32 $0x4380, s7;
	[dreg:$0x8] =	wrdreg s28  }
0xb: {  	s30 =	sadd.s32 $0x5100, s7;
	[dreg:$0x9] =	wrdreg s29  }
0xc: {  	s5 =	sshrl.u32 s2, $0x1;
	s31 =	sadd.s32 $0x5E80, s7;
	[dreg:$0xa] =	wrdreg s30  }
0xd: {  	s23 =	ssub.s32 s2, s5;
	s5 =	sadd.s32 $0x6C00, s7;
	[dreg:$0xb] =	wrdreg s31  }
0xe: {  	s10 =	sadd.s32 $0x7980, s7;
	[dreg:$0xc] =	wrdreg s5  }
0xf: {  	s11 =	sadd.s32 $0x8700, s7;
	[dreg:$0xd] =	wrdreg s10  }
0x10: {  	s12 =	sadd.s32 $0x9480, s7;
	[dreg:$0xe] =	wrdreg s11  }
0x11: {  	s13 =	sadd.s32 $0xA200, s7;
	[dreg:$0xf] =	wrdreg s12  }
0x12: {  	s14 =	sadd.s32 $0xAF80, s7;
	[dreg:$0x10] =	wrdreg s13  }
0x13: {  	s15 =	sadd.s32 $0xBD00, s7;
	[dreg:$0x11] =	wrdreg s14  }
0x14: {  	s16 =	sadd.s32 $0xCA80, s7;
	[dreg:$0x12] =	wrdreg s15  }
0x15: {  	s17 =	sadd.s32 $0xD800, s7;
	[dreg:$0x13] =	wrdreg s16  }
0x16: {  	s18 =	sadd.s32 $0xE580, s7;
	[dreg:$0x16] =	wrdreg s17  }
0x17: {  	s6 =	sadd.s32 $0x800, s0;
	s19 =	sadd.s32 $0xF300, s7;
	[dreg:$0x17] =	wrdreg s18  }
0x18: {  	s8 =	sadd.s32 $0x1B0800, s0;
	s20 =	sadd.s32 $0x10080, s7;
	[dreg:$0x18] =	wrdreg s19  }
0x19: {  	s1 =	simm.s32 $0x0;
	s21 =	sadd.s32 $0x10E00, s7;
	[dreg:$0x19] =	wrdreg s20  }
0x1a: {  	s22 =	sadd.s32 $0x11B80, s7;
	s0 =	smax.u32 s23, $0x1;
	[dreg:$0x1a] =	wrdreg s21  }
0x1b: {  	[dreg:$0x1b] =	wrdreg s22;
	s23 =	sadd.s32 $0x12900, s7;
	s24 =	sadd.s32 $0x13680, s7  }
0x1c: {  	s25 =	sadd.s32 $0x14400, s7;
	s26 =	sadd.s32 $0x15180, s7;
	s28 =	sadd.s32 $0x15F00, s7  }
0x1d: {  	s29 =	sadd.s32 $0x16C80, s7;
	s30 =	sadd.s32 $0x17A00, s7;
	[dreg:$0x15] =	wrdreg s0  }
0x1e: {  	s11 =	sadd.s32 $0x18780, s7;
	s12 =	sadd.s32 $0x19500, s7;
	[dreg:$0x1c] =	wrdreg s23  }
0x1f: {  	s13 =	sadd.s32 $0x1A280, s7;
	s31 =	smul.u32 $0x6C0, s9;
	[dreg:$0x1d] =	wrdreg s24  }
0x20: {  	s14 =	simm.s32 $0x4000;
	s15 =	simm.s32 $0x5;
	[dreg:$0x1e] =	wrdreg s25  }
.Ltmp0:
0x21: {  	s16 =	simm.s32 $0x1000;
	[dreg:$0x1f] =	wrdreg s26;
	(pc) =	sbr.rel .LBB2_1-.Ltmp0, $4  }
0x22: {  	s17 =	simm.s32 $0x3000;
	s18 =	simm.s32 $0x1;
	[smem:$0x7FA] =	sst s28  }
0x23: {  	s19 =	simm.s32 $0x80;
	s20 =	simm.s32 $0x3;
	[smem:$0x7FB] =	sst s29  }
0x24: {  	s21 =	simm.s32 $0x2;
	s22 =	simm.s32 $0x4;
	[smem:$0x7FC] =	sst s30  }
0x25: {  	v0 =	vimm.f32 $0.0e+00;
	s23 =	simm.s32 $0x6;
	s26 =	simm.s32 $0x0;
	[smem:$0x7FD] =	sst s31  }
.LBB2_12:
0x26: {  	s1 =	sld [smem:$0x7F9];
	_ =	sdelay $0x2  }
0x27: {  	s0 =	rddreg [dreg:$0x15];
	s1 =	sadd.s32 $0x1, s1  }
0x28: {  	p0 =	sne.s32 s1, s0  }
.Ltmp1:
0x29: {  	_ = 	snop;
	(pc) =	sbr.rel @!p0 .LBB2_13-.Ltmp1, $1  }
0x2a: {  	_ =	sdelay $0x3  }
.LBB2_1:
0x2b: {  	[smem:$0x7F9] =	sst s1;
	s0 =	simm.s32 $0x40;
	s1 =	simm.s32 $0x0  }
.LBB2_2:
0x2c: {  	p0 =	sne.s32 s0, $0x35C0;
	[tilespmem:s1+$0x4000] =	vst v0;
	s1 =	smov.u32 s0;
	s0 =	sadd.s32 $0x40, s0  }
.Ltmp2:
0x2d: {  	(pc) =	sbr.rel @p0 .LBB2_2-.Ltmp2, $2  }
0x2e: {  	_ =	sdelay $0x2  }
0x2f: {  	s1 =	sshra.s32 s1, $0x2  }
0x30: {  	[tilespmem:s1+$0x4000] =	vst v0;
	s0 =	rddreg [dreg:$0x5]  }
0x31: {  	[spmem:s7] =	stream.linear.scatter [tilespmem:s14], [sflag:$0x5], $0xD80, $0x38;
	[tilespmem:$0x1FD80] =	vst v63  }
0x32: {  	s9 =	rddreg [dreg:$0x6]  }
0x33: {  	[spmem:s0] =	stream.linear.scatter [tilespmem:s14], [sflag:$0x5], $0xD80, $0x38;
	[tilespmem:$0x1FD80] =	vst v63  }
0x34: {  	s10 =	rddreg [dreg:$0x7]  }
0x35: {  	[spmem:s9] =	stream.linear.scatter [tilespmem:s14], [sflag:$0x5], $0xD80, $0x38;
	[tilespmem:$0x1FD80] =	vst v63  }
0x36: {  	s24 =	rddreg [dreg:$0x8]  }
0x37: {  	[spmem:s10] =	stream.linear.scatter [tilespmem:s14], [sflag:$0x5], $0xD80, $0x38;
	[tilespmem:$0x1FD80] =	vst v63  }
0x38: {  	s25 =	rddreg [dreg:$0x9]  }
0x39: {  	[spmem:s24] =	stream.linear.scatter [tilespmem:s14], [sflag:$0x5], $0xD80, $0x38;
	[tilespmem:$0x1FD80] =	vst v63  }
0x3a: {  	s29 =	rddreg [dreg:$0xa]  }
0x3b: {  	[spmem:s25] =	stream.linear.scatter [tilespmem:s14], [sflag:$0x5], $0xD80, $0x38;
	[tilespmem:$0x1FD80] =	vst v63  }
0x3c: {  	s30 =	rddreg [dreg:$0xb]  }
0x3d: {  	[spmem:s29] =	stream.linear.scatter [tilespmem:s14], [sflag:$0x5], $0xD80, $0x38;
	[tilespmem:$0x1FD80] =	vst v63  }
0x3e: {  	s31 =	rddreg [dreg:$0xc]  }
0x3f: {  	[spmem:s30] =	stream.linear.scatter [tilespmem:s14], [sflag:$0x5], $0xD80, $0x38;
	[tilespmem:$0x1FD80] =	vst v63  }
0x40: {  	s1 =	rddreg [dreg:$0xd]  }
0x41: {  	[spmem:s31] =	stream.linear.scatter [tilespmem:s14], [sflag:$0x5], $0xD80, $0x38;
	[tilespmem:$0x1FD80] =	vst v63  }
0x42: {  	s2 =	rddreg [dreg:$0xe]  }
0x43: {  	[spmem:s1] =	stream.linear.scatter [tilespmem:s14], [sflag:$0x5], $0xD80, $0x38;
	[tilespmem:$0x1FD80] =	vst v63  }
0x44: {  	s5 =	rddreg [dreg:$0xf]  }
0x45: {  	[spmem:s2] =	stream.linear.scatter [tilespmem:s14], [sflag:$0x5], $0xD80, $0x38;
	[tilespmem:$0x1FD80] =	vst v63  }
0x46: {  	s9 =	rddreg [dreg:$0x10]  }
0x47: {  	[spmem:s5] =	stream.linear.scatter [tilespmem:s14], [sflag:$0x5], $0xD80, $0x38;
	[tilespmem:$0x1FD80] =	vst v63  }
0x48: {  	s10 =	rddreg [dreg:$0x11]  }
0x49: {  	[spmem:s9] =	stream.linear.scatter [tilespmem:s14], [sflag:$0x5], $0xD80, $0x38;
	[tilespmem:$0x1FD80] =	vst v63  }
0x4a: {  	s24 =	rddreg [dreg:$0x12]  }
0x4b: {  	[spmem:s10] =	stream.linear.scatter [tilespmem:s14], [sflag:$0x5], $0xD80, $0x38;
	[tilespmem:$0x1FD80] =	vst v63  }
0x4c: {  	s25 =	rddreg [dreg:$0x13]  }
0x4d: {  	[spmem:s24] =	stream.linear.scatter [tilespmem:s14], [sflag:$0x5], $0xD80, $0x38;
	[tilespmem:$0x1FD80] =	vst v63  }
0x4e: {  	s29 =	rddreg [dreg:$0x16]  }
0x4f: {  	[spmem:s25] =	stream.linear.scatter [tilespmem:s14], [sflag:$0x5], $0xD80, $0x38;
	[tilespmem:$0x1FD80] =	vst v63  }
0x50: {  	s30 =	rddreg [dreg:$0x17]  }
0x51: {  	[spmem:s29] =	stream.linear.scatter [tilespmem:s14], [sflag:$0x5], $0xD80, $0x38;
	[tilespmem:$0x1FD80] =	vst v63  }
0x52: {  	s31 =	rddreg [dreg:$0x18]  }
0x53: {  	[spmem:s30] =	stream.linear.scatter [tilespmem:s14], [sflag:$0x5], $0xD80, $0x38;
	[tilespmem:$0x1FD80] =	vst v63  }
0x54: {  	s1 =	rddreg [dreg:$0x19]  }
0x55: {  	[spmem:s31] =	stream.linear.scatter [tilespmem:s14], [sflag:$0x5], $0xD80, $0x38;
	[tilespmem:$0x1FD80] =	vst v63  }
0x56: {  	s2 =	rddreg [dreg:$0x1a]  }
0x57: {  	[spmem:s1] =	stream.linear.scatter [tilespmem:s14], [sflag:$0x5], $0xD80, $0x38;
	[tilespmem:$0x1FD80] =	vst v63  }
0x58: {  	s5 =	rddreg [dreg:$0x1b]  }
0x59: {  	[spmem:s2] =	stream.linear.scatter [tilespmem:s14], [sflag:$0x5], $0xD80, $0x38;
	[tilespmem:$0x1FD80] =	vst v63  }
0x5a: {  	s9 =	rddreg [dreg:$0x1c]  }
0x5b: {  	[spmem:s5] =	stream.linear.scatter [tilespmem:s14], [sflag:$0x5], $0xD80, $0x38;
	[tilespmem:$0x1FD80] =	vst v63  }
0x5c: {  	s10 =	rddreg [dreg:$0x1d]  }
0x5d: {  	[spmem:s9] =	stream.linear.scatter [tilespmem:s14], [sflag:$0x5], $0xD80, $0x38;
	[tilespmem:$0x1FD80] =	vst v63  }
0x5e: {  	s24 =	rddreg [dreg:$0x1e]  }
0x5f: {  	[spmem:s10] =	stream.linear.scatter [tilespmem:s14], [sflag:$0x5], $0xD80, $0x38;
	[tilespmem:$0x1FD80] =	vst v63  }
0x60: {  	s25 =	rddreg [dreg:$0x1f]  }
0x61: {  	[spmem:s24] =	stream.linear.scatter [tilespmem:s14], [sflag:$0x5], $0xD80, $0x38;
	[tilespmem:$0x1FD80] =	vst v63  }
0x62: {  	s29 =	sld [smem:$0x7FA]  }
0x63: {  	[spmem:s25] =	stream.linear.scatter [tilespmem:s14], [sflag:$0x5], $0xD80, $0x38;
	[tilespmem:$0x1FD80] =	vst v63  }
0x64: {  	s30 =	sld [smem:$0x7FB]  }
0x65: {  	[spmem:s29] =	stream.linear.scatter [tilespmem:s14], [sflag:$0x5], $0xD80, $0x38;
	[tilespmem:$0x1FD80] =	vst v63  }
0x66: {  	s31 =	sld [smem:$0x7FC]  }
0x67: {  	[spmem:s30] =	stream.linear.scatter [tilespmem:s14], [sflag:$0x5], $0xD80, $0x38;
	[tilespmem:$0x1FD80] =	vst v63  }
0x68: {  	_ = 	snop  }
0x69: {  	[spmem:s31] =	stream.linear.scatter [tilespmem:s14], [sflag:$0x5], $0xD80, $0x38;
	[tilespmem:$0x1FD80] =	vst v63  }
0x6a: {  	_ = 	snop  }
0x6b: {  	[spmem:s11] =	stream.linear.scatter [tilespmem:s14], [sflag:$0x5], $0xD80, $0x38;
	[tilespmem:$0x1FD80] =	vst v63  }
0x6c: {  	_ = 	snop  }
0x6d: {  	[spmem:s12] =	stream.linear.scatter [tilespmem:s14], [sflag:$0x5], $0xD80, $0x38;
	[tilespmem:$0x1FD80] =	vst v63  }
0x6e: {  	_ = 	snop  }
0x6f: {  	[spmem:s13] =	stream.linear.scatter [tilespmem:s14], [sflag:$0x5], $0xD80, $0x38;
	[tilespmem:$0x1FD80] =	vst v63  }
0x70: {  	_ =	swait.ge [sflag:s15], $0xD80  }
0x71: {  	[sflag:s15] =	ssyncset.done $0x0  }
0x72: {  	[sflag:s15] =	ssyncadd.s32 $0xFFFFF280  }
0x73: {  	_ =	swait.ge [sflag:s15], $0xD80  }
0x74: {  	[sflag:s15] =	ssyncset.done $0x0  }
0x75: {  	[sflag:s15] =	ssyncadd.s32 $0xFFFFF280  }
0x76: {  	_ =	swait.ge [sflag:s15], $0xD80  }
0x77: {  	[sflag:s15] =	ssyncset.done $0x0  }
0x78: {  	[sflag:s15] =	ssyncadd.s32 $0xFFFFF280  }
0x79: {  	_ =	swait.ge [sflag:s15], $0xD80  }
0x7a: {  	[sflag:s15] =	ssyncset.done $0x0  }
0x7b: {  	[sflag:s15] =	ssyncadd.s32 $0xFFFFF280  }
0x7c: {  	_ =	swait.ge [sflag:s15], $0xD80  }
0x7d: {  	[sflag:s15] =	ssyncset.done $0x0  }
0x7e: {  	[sflag:s15] =	ssyncadd.s32 $0xFFFFF280  }
0x7f: {  	_ =	swait.ge [sflag:s15], $0xD80  }
0x80: {  	[sflag:s15] =	ssyncset.done $0x0  }
0x81: {  	[sflag:s15] =	ssyncadd.s32 $0xFFFFF280  }
0x82: {  	_ =	swait.ge [sflag:s15], $0xD80  }
0x83: {  	[sflag:s15] =	ssyncset.done $0x0  }
0x84: {  	[sflag:s15] =	ssyncadd.s32 $0xFFFFF280  }
0x85: {  	_ =	swait.ge [sflag:s15], $0xD80  }
0x86: {  	[sflag:s15] =	ssyncset.done $0x0  }
0x87: {  	[sflag:s15] =	ssyncadd.s32 $0xFFFFF280  }
0x88: {  	_ =	swait.ge [sflag:s15], $0xD80  }
0x89: {  	[sflag:s15] =	ssyncset.done $0x0  }
0x8a: {  	[sflag:s15] =	ssyncadd.s32 $0xFFFFF280  }
0x8b: {  	_ =	swait.ge [sflag:s15], $0xD80  }
0x8c: {  	[sflag:s15] =	ssyncset.done $0x0  }
0x8d: {  	[sflag:s15] =	ssyncadd.s32 $0xFFFFF280  }
0x8e: {  	_ =	swait.ge [sflag:s15], $0xD80  }
0x8f: {  	[sflag:s15] =	ssyncset.done $0x0  }
0x90: {  	[sflag:s15] =	ssyncadd.s32 $0xFFFFF280  }
0x91: {  	_ =	swait.ge [sflag:s15], $0xD80  }
0x92: {  	[sflag:s15] =	ssyncset.done $0x0  }
0x93: {  	[sflag:s15] =	ssyncadd.s32 $0xFFFFF280  }
0x94: {  	_ =	swait.ge [sflag:s15], $0xD80  }
0x95: {  	[sflag:s15] =	ssyncset.done $0x0  }
0x96: {  	[sflag:s15] =	ssyncadd.s32 $0xFFFFF280  }
0x97: {  	_ =	swait.ge [sflag:s15], $0xD80  }
0x98: {  	[sflag:s15] =	ssyncset.done $0x0  }
0x99: {  	[sflag:s15] =	ssyncadd.s32 $0xFFFFF280  }
0x9a: {  	_ =	swait.ge [sflag:s15], $0xD80  }
0x9b: {  	[sflag:s15] =	ssyncset.done $0x0  }
0x9c: {  	[sflag:s15] =	ssyncadd.s32 $0xFFFFF280  }
0x9d: {  	_ =	swait.ge [sflag:s15], $0xD80  }
0x9e: {  	[sflag:s15] =	ssyncset.done $0x0  }
0x9f: {  	[sflag:s15] =	ssyncadd.s32 $0xFFFFF280  }
0xa0: {  	_ =	swait.ge [sflag:s15], $0xD80  }
0xa1: {  	[sflag:s15] =	ssyncset.done $0x0  }
0xa2: {  	[sflag:s15] =	ssyncadd.s32 $0xFFFFF280  }
0xa3: {  	_ =	swait.ge [sflag:s15], $0xD80  }
0xa4: {  	[sflag:s15] =	ssyncset.done $0x0  }
0xa5: {  	[sflag:s15] =	ssyncadd.s32 $0xFFFFF280  }
0xa6: {  	_ =	swait.ge [sflag:s15], $0xD80  }
0xa7: {  	[sflag:s15] =	ssyncset.done $0x0  }
0xa8: {  	[sflag:s15] =	ssyncadd.s32 $0xFFFFF280  }
0xa9: {  	_ =	swait.ge [sflag:s15], $0xD80  }
0xaa: {  	[sflag:s15] =	ssyncset.done $0x0  }
0xab: {  	[sflag:s15] =	ssyncadd.s32 $0xFFFFF280  }
0xac: {  	_ =	swait.ge [sflag:s15], $0xD80  }
0xad: {  	[sflag:s15] =	ssyncset.done $0x0  }
0xae: {  	[sflag:s15] =	ssyncadd.s32 $0xFFFFF280  }
0xaf: {  	_ =	swait.ge [sflag:s15], $0xD80  }
0xb0: {  	[sflag:s15] =	ssyncset.done $0x0  }
0xb1: {  	[sflag:s15] =	ssyncadd.s32 $0xFFFFF280  }
0xb2: {  	_ =	swait.ge [sflag:s15], $0xD80  }
0xb3: {  	[sflag:s15] =	ssyncset.done $0x0  }
0xb4: {  	[sflag:s15] =	ssyncadd.s32 $0xFFFFF280  }
0xb5: {  	_ =	swait.ge [sflag:s15], $0xD80  }
0xb6: {  	[sflag:s15] =	ssyncset.done $0x0  }
0xb7: {  	[sflag:s15] =	ssyncadd.s32 $0xFFFFF280  }
0xb8: {  	_ =	swait.ge [sflag:s15], $0xD80  }
0xb9: {  	[sflag:s15] =	ssyncset.done $0x0  }
0xba: {  	[sflag:s15] =	ssyncadd.s32 $0xFFFFF280  }
0xbb: {  	_ =	swait.ge [sflag:s15], $0xD80  }
0xbc: {  	[sflag:s15] =	ssyncset.done $0x0  }
0xbd: {  	[sflag:s15] =	ssyncadd.s32 $0xFFFFF280  }
0xbe: {  	_ =	swait.ge [sflag:s15], $0xD80  }
0xbf: {  	[sflag:s15] =	ssyncset.done $0x0  }
0xc0: {  	[sflag:s15] =	ssyncadd.s32 $0xFFFFF280  }
0xc1: {  	_ =	swait.ge [sflag:s15], $0xD80  }
0xc2: {  	[sflag:s15] =	ssyncset.done $0x0  }
0xc3: {  	[sflag:s15] =	ssyncadd.s32 $0xFFFFF280  }
0xc4: {  	_ =	swait.ge [sflag:s15], $0xD80  }
0xc5: {  	[sflag:s15] =	ssyncset.done $0x0  }
0xc6: {  	[sflag:s15] =	ssyncadd.s32 $0xFFFFF280  }
0xc7: {  	_ =	swait.ge [sflag:s15], $0xD80  }
0xc8: {  	[sflag:s15] =	ssyncset.done $0x0  }
0xc9: {  	[sflag:s15] =	ssyncadd.s32 $0xFFFFF280  }
0xca: {  	_ =	swait.ge [sflag:s15], $0xD80  }
0xcb: {  	[sflag:s15] =	ssyncset.done $0x0  }
0xcc: {  	[sflag:s15] =	ssyncadd.s32 $0xFFFFF280  }
.Ltmp3:
0xcd: {  	_ =	swait.ge [sflag:s15], $0xD80;
	(pc) =	sbr.rel .LBB2_4-.Ltmp3, $4  }
0xce: {  	[sflag:s15] =	ssyncset.done $0x0  }
0xcf: {  	[sflag:s15] =	ssyncadd.s32 $0xFFFFF280  }
0xd0: {  	[bflag:$0x0] =	sbarrier.arrive $0xFFFF  }
0xd1: {  	s28 =	simm.s32 $0x0  }
.LBB2_11:
0xd2: {  	s0 =	smul.u32 $0xD80000, s29;
	s1 =	rddreg [dreg:$0x4]  }
0xd3: {  	s1 =	sadd.s32 s1, s30  }
0xd4: {  	[bflag:$0x0] =	sbarrier.arrive $0xFFFF;
	s30 =	stileid.u32;
	s0 =	sadd.s32 s0, s1  }
0xd5: {  	s2 =	rddreg [dreg:$0x1];
	s1 =	sshll.u32 s30, $0x6;
	s0 =	sshrl.u32 s0, $0x3  }
0xd6: {  	s31 =	sshrl.u32 s7, $0x3;
	s1 =	sor.u32 $0x1C06, s1;
	s0 =	sadd.s32 s2, s0  }
0xd7: {  	[hbm:s0], [sflag:s1] =	dma.local [spmem:s31], $0x3600  }
0xd8: {  	_ =	swait.ge [sflag:s23], $0x3600  }
0xd9: {  	[sflag:s23] =	ssyncset.done $0x0  }
0xda: {  	s5 =	rddreg [dreg:$0x5];
	[sflag:s23] =	ssyncadd.s32 $0xFFFFCA00  }
0xdb: {  	[spmem:s7] =	stream.linear.scatter [tilespmem:s14], [sflag:$0x5], $0xD80, $0x38;
	[tilespmem:$0x1FD80] =	vst v63  }
0xdc: {  	s9 =	rddreg [dreg:$0x6]  }
0xdd: {  	[spmem:s5] =	stream.linear.scatter [tilespmem:s14], [sflag:$0x5], $0xD80, $0x38;
	[tilespmem:$0x1FD80] =	vst v63  }
0xde: {  	s10 =	rddreg [dreg:$0x7]  }
0xdf: {  	[spmem:s9] =	stream.linear.scatter [tilespmem:s14], [sflag:$0x5], $0xD80, $0x38;
	[tilespmem:$0x1FD80] =	vst v63  }
0xe0: {  	s24 =	rddreg [dreg:$0x8]  }
0xe1: {  	[spmem:s10] =	stream.linear.scatter [tilespmem:s14], [sflag:$0x5], $0xD80, $0x38;
	[tilespmem:$0x1FD80] =	vst v63  }
0xe2: {  	s25 =	rddreg [dreg:$0x9]  }
0xe3: {  	[spmem:s24] =	stream.linear.scatter [tilespmem:s14], [sflag:$0x5], $0xD80, $0x38;
	[tilespmem:$0x1FD80] =	vst v63  }
0xe4: {  	s29 =	rddreg [dreg:$0xa]  }
0xe5: {  	[spmem:s25] =	stream.linear.scatter [tilespmem:s14], [sflag:$0x5], $0xD80, $0x38;
	[tilespmem:$0x1FD80] =	vst v63  }
0xe6: {  	s30 =	rddreg [dreg:$0xb]  }
0xe7: {  	[spmem:s29] =	stream.linear.scatter [tilespmem:s14], [sflag:$0x5], $0xD80, $0x38;
	[tilespmem:$0x1FD80] =	vst v63  }
0xe8: {  	s31 =	rddreg [dreg:$0xc]  }
0xe9: {  	[spmem:s30] =	stream.linear.scatter [tilespmem:s14], [sflag:$0x5], $0xD80, $0x38;
	[tilespmem:$0x1FD80] =	vst v63  }
0xea: {  	s1 =	rddreg [dreg:$0xd]  }
0xeb: {  	[spmem:s31] =	stream.linear.scatter [tilespmem:s14], [sflag:$0x5], $0xD80, $0x38;
	[tilespmem:$0x1FD80] =	vst v63  }
0xec: {  	s2 =	rddreg [dreg:$0xe]  }
0xed: {  	[spmem:s1] =	stream.linear.scatter [tilespmem:s14], [sflag:$0x5], $0xD80, $0x38;
	[tilespmem:$0x1FD80] =	vst v63  }
0xee: {  	s5 =	rddreg [dreg:$0xf]  }
0xef: {  	[spmem:s2] =	stream.linear.scatter [tilespmem:s14], [sflag:$0x5], $0xD80, $0x38;
	[tilespmem:$0x1FD80] =	vst v63  }
0xf0: {  	s9 =	rddreg [dreg:$0x10]  }
0xf1: {  	[spmem:s5] =	stream.linear.scatter [tilespmem:s14], [sflag:$0x5], $0xD80, $0x38;
	[tilespmem:$0x1FD80] =	vst v63  }
0xf2: {  	s10 =	rddreg [dreg:$0x11]  }
0xf3: {  	[spmem:s9] =	stream.linear.scatter [tilespmem:s14], [sflag:$0x5], $0xD80, $0x38;
	[tilespmem:$0x1FD80] =	vst v63  }
0xf4: {  	s24 =	rddreg [dreg:$0x12]  }
0xf5: {  	[spmem:s10] =	stream.linear.scatter [tilespmem:s14], [sflag:$0x5], $0xD80, $0x38;
	[tilespmem:$0x1FD80] =	vst v63  }
0xf6: {  	s25 =	rddreg [dreg:$0x13]  }
0xf7: {  	[spmem:s24] =	stream.linear.scatter [tilespmem:s14], [sflag:$0x5], $0xD80, $0x38;
	[tilespmem:$0x1FD80] =	vst v63  }
0xf8: {  	s29 =	rddreg [dreg:$0x16]  }
0xf9: {  	[spmem:s25] =	stream.linear.scatter [tilespmem:s14], [sflag:$0x5], $0xD80, $0x38;
	[tilespmem:$0x1FD80] =	vst v63  }
0xfa: {  	s30 =	rddreg [dreg:$0x17]  }
0xfb: {  	[spmem:s29] =	stream.linear.scatter [tilespmem:s14], [sflag:$0x5], $0xD80, $0x38;
	[tilespmem:$0x1FD80] =	vst v63  }
0xfc: {  	s31 =	rddreg [dreg:$0x18]  }
0xfd: {  	[spmem:s30] =	stream.linear.scatter [tilespmem:s14], [sflag:$0x5], $0xD80, $0x38;
	[tilespmem:$0x1FD80] =	vst v63  }
0xfe: {  	s1 =	rddreg [dreg:$0x19]  }
0xff: {  	[spmem:s31] =	stream.linear.scatter [tilespmem:s14], [sflag:$0x5], $0xD80, $0x38;
	[tilespmem:$0x1FD80] =	vst v63  }
0x100: {  	s2 =	rddreg [dreg:$0x1a]  }
0x101: {  	[spmem:s1] =	stream.linear.scatter [tilespmem:s14], [sflag:$0x5], $0xD80, $0x38;
	[tilespmem:$0x1FD80] =	vst v63  }
0x102: {  	s5 =	rddreg [dreg:$0x1b]  }
0x103: {  	[spmem:s2] =	stream.linear.scatter [tilespmem:s14], [sflag:$0x5], $0xD80, $0x38;
	[tilespmem:$0x1FD80] =	vst v63  }
0x104: {  	s9 =	rddreg [dreg:$0x1c]  }
0x105: {  	[spmem:s5] =	stream.linear.scatter [tilespmem:s14], [sflag:$0x5], $0xD80, $0x38;
	[tilespmem:$0x1FD80] =	vst v63  }
0x106: {  	s10 =	rddreg [dreg:$0x1d]  }
0x107: {  	[spmem:s9] =	stream.linear.scatter [tilespmem:s14], [sflag:$0x5], $0xD80, $0x38;
	[tilespmem:$0x1FD80] =	vst v63  }
0x108: {  	s24 =	rddreg [dreg:$0x1e]  }
0x109: {  	[spmem:s10] =	stream.linear.scatter [tilespmem:s14], [sflag:$0x5], $0xD80, $0x38;
	[tilespmem:$0x1FD80] =	vst v63  }
0x10a: {  	s25 =	rddreg [dreg:$0x1f]  }
0x10b: {  	[spmem:s24] =	stream.linear.scatter [tilespmem:s14], [sflag:$0x5], $0xD80, $0x38;
	[tilespmem:$0x1FD80] =	vst v63  }
0x10c: {  	s29 =	sld [smem:$0x7FA]  }
0x10d: {  	[spmem:s25] =	stream.linear.scatter [tilespmem:s14], [sflag:$0x5], $0xD80, $0x38;
	[tilespmem:$0x1FD80] =	vst v63  }
0x10e: {  	s30 =	sld [smem:$0x7FB]  }
0x10f: {  	[spmem:s29] =	stream.linear.scatter [tilespmem:s14], [sflag:$0x5], $0xD80, $0x38;
	[tilespmem:$0x1FD80] =	vst v63  }
0x110: {  	s31 =	sld [smem:$0x7FC]  }
0x111: {  	[spmem:s30] =	stream.linear.scatter [tilespmem:s14], [sflag:$0x5], $0xD80, $0x38;
	[tilespmem:$0x1FD80] =	vst v63  }
0x112: {  	_ = 	snop  }
0x113: {  	[spmem:s31] =	stream.linear.scatter [tilespmem:s14], [sflag:$0x5], $0xD80, $0x38;
	[tilespmem:$0x1FD80] =	vst v63  }
0x114: {  	_ = 	snop  }
0x115: {  	[spmem:s11] =	stream.linear.scatter [tilespmem:s14], [sflag:$0x5], $0xD80, $0x38;
	[tilespmem:$0x1FD80] =	vst v63  }
0x116: {  	_ = 	snop  }
0x117: {  	[spmem:s12] =	stream.linear.scatter [tilespmem:s14], [sflag:$0x5], $0xD80, $0x38;
	[tilespmem:$0x1FD80] =	vst v63  }
0x118: {  	_ = 	snop  }
0x119: {  	[spmem:s13] =	stream.linear.scatter [tilespmem:s14], [sflag:$0x5], $0xD80, $0x38;
	[tilespmem:$0x1FD80] =	vst v63  }
0x11a: {  	_ =	swait.ge [sflag:s15], $0xD80  }
0x11b: {  	[sflag:s15] =	ssyncset.done $0x0  }
0x11c: {  	[sflag:s15] =	ssyncadd.s32 $0xFFFFF280  }
0x11d: {  	_ =	swait.ge [sflag:s15], $0xD80  }
0x11e: {  	[sflag:s15] =	ssyncset.done $0x0  }
0x11f: {  	[sflag:s15] =	ssyncadd.s32 $0xFFFFF280  }
0x120: {  	_ =	swait.ge [sflag:s15], $0xD80  }
0x121: {  	[sflag:s15] =	ssyncset.done $0x0  }
0x122: {  	[sflag:s15] =	ssyncadd.s32 $0xFFFFF280  }
0x123: {  	_ =	swait.ge [sflag:s15], $0xD80  }
0x124: {  	[sflag:s15] =	ssyncset.done $0x0  }
0x125: {  	[sflag:s15] =	ssyncadd.s32 $0xFFFFF280  }
0x126: {  	_ =	swait.ge [sflag:s15], $0xD80  }
0x127: {  	[sflag:s15] =	ssyncset.done $0x0  }
0x128: {  	[sflag:s15] =	ssyncadd.s32 $0xFFFFF280  }
0x129: {  	_ =	swait.ge [sflag:s15], $0xD80  }
0x12a: {  	[sflag:s15] =	ssyncset.done $0x0  }
0x12b: {  	[sflag:s15] =	ssyncadd.s32 $0xFFFFF280  }
0x12c: {  	_ =	swait.ge [sflag:s15], $0xD80  }
0x12d: {  	[sflag:s15] =	ssyncset.done $0x0  }
0x12e: {  	[sflag:s15] =	ssyncadd.s32 $0xFFFFF280  }
0x12f: {  	_ =	swait.ge [sflag:s15], $0xD80  }
0x130: {  	[sflag:s15] =	ssyncset.done $0x0  }
0x131: {  	[sflag:s15] =	ssyncadd.s32 $0xFFFFF280  }
0x132: {  	_ =	swait.ge [sflag:s15], $0xD80  }
0x133: {  	[sflag:s15] =	ssyncset.done $0x0  }
0x134: {  	[sflag:s15] =	ssyncadd.s32 $0xFFFFF280  }
0x135: {  	_ =	swait.ge [sflag:s15], $0xD80  }
0x136: {  	[sflag:s15] =	ssyncset.done $0x0  }
0x137: {  	[sflag:s15] =	ssyncadd.s32 $0xFFFFF280  }
0x138: {  	_ =	swait.ge [sflag:s15], $0xD80  }
0x139: {  	[sflag:s15] =	ssyncset.done $0x0  }
0x13a: {  	[sflag:s15] =	ssyncadd.s32 $0xFFFFF280  }
0x13b: {  	_ =	swait.ge [sflag:s15], $0xD80  }
0x13c: {  	[sflag:s15] =	ssyncset.done $0x0  }
0x13d: {  	[sflag:s15] =	ssyncadd.s32 $0xFFFFF280  }
0x13e: {  	_ =	swait.ge [sflag:s15], $0xD80  }
0x13f: {  	[sflag:s15] =	ssyncset.done $0x0  }
0x140: {  	[sflag:s15] =	ssyncadd.s32 $0xFFFFF280  }
0x141: {  	_ =	swait.ge [sflag:s15], $0xD80  }
0x142: {  	[sflag:s15] =	ssyncset.done $0x0  }
0x143: {  	[sflag:s15] =	ssyncadd.s32 $0xFFFFF280  }
0x144: {  	_ =	swait.ge [sflag:s15], $0xD80  }
0x145: {  	[sflag:s15] =	ssyncset.done $0x0  }
0x146: {  	[sflag:s15] =	ssyncadd.s32 $0xFFFFF280  }
0x147: {  	_ =	swait.ge [sflag:s15], $0xD80  }
0x148: {  	[sflag:s15] =	ssyncset.done $0x0  }
0x149: {  	[sflag:s15] =	ssyncadd.s32 $0xFFFFF280  }
0x14a: {  	_ =	swait.ge [sflag:s15], $0xD80  }
0x14b: {  	[sflag:s15] =	ssyncset.done $0x0  }
0x14c: {  	[sflag:s15] =	ssyncadd.s32 $0xFFFFF280  }
0x14d: {  	_ =	swait.ge [sflag:s15], $0xD80  }
0x14e: {  	[sflag:s15] =	ssyncset.done $0x0  }
0x14f: {  	[sflag:s15] =	ssyncadd.s32 $0xFFFFF280  }
0x150: {  	_ =	swait.ge [sflag:s15], $0xD80  }
0x151: {  	[sflag:s15] =	ssyncset.done $0x0  }
0x152: {  	[sflag:s15] =	ssyncadd.s32 $0xFFFFF280  }
0x153: {  	_ =	swait.ge [sflag:s15], $0xD80  }
0x154: {  	[sflag:s15] =	ssyncset.done $0x0  }
0x155: {  	[sflag:s15] =	ssyncadd.s32 $0xFFFFF280  }
0x156: {  	_ =	swait.ge [sflag:s15], $0xD80  }
0x157: {  	[sflag:s15] =	ssyncset.done $0x0  }
0x158: {  	[sflag:s15] =	ssyncadd.s32 $0xFFFFF280  }
0x159: {  	_ =	swait.ge [sflag:s15], $0xD80  }
0x15a: {  	[sflag:s15] =	ssyncset.done $0x0  }
0x15b: {  	[sflag:s15] =	ssyncadd.s32 $0xFFFFF280  }
0x15c: {  	_ =	swait.ge [sflag:s15], $0xD80  }
0x15d: {  	[sflag:s15] =	ssyncset.done $0x0  }
0x15e: {  	[sflag:s15] =	ssyncadd.s32 $0xFFFFF280  }
0x15f: {  	_ =	swait.ge [sflag:s15], $0xD80  }
0x160: {  	[sflag:s15] =	ssyncset.done $0x0  }
0x161: {  	[sflag:s15] =	ssyncadd.s32 $0xFFFFF280  }
0x162: {  	_ =	swait.ge [sflag:s15], $0xD80  }
0x163: {  	[sflag:s15] =	ssyncset.done $0x0  }
0x164: {  	[sflag:s15] =	ssyncadd.s32 $0xFFFFF280  }
0x165: {  	_ =	swait.ge [sflag:s15], $0xD80  }
0x166: {  	[sflag:s15] =	ssyncset.done $0x0  }
0x167: {  	[sflag:s15] =	ssyncadd.s32 $0xFFFFF280  }
0x168: {  	_ =	swait.ge [sflag:s15], $0xD80  }
0x169: {  	[sflag:s15] =	ssyncset.done $0x0  }
0x16a: {  	[sflag:s15] =	ssyncadd.s32 $0xFFFFF280  }
0x16b: {  	_ =	swait.ge [sflag:s15], $0xD80  }
0x16c: {  	[sflag:s15] =	ssyncset.done $0x0  }
0x16d: {  	[sflag:s15] =	ssyncadd.s32 $0xFFFFF280  }
0x16e: {  	_ =	swait.ge [sflag:s15], $0xD80  }
0x16f: {  	[sflag:s15] =	ssyncset.done $0x0  }
0x170: {  	[sflag:s15] =	ssyncadd.s32 $0xFFFFF280  }
0x171: {  	_ =	swait.ge [sflag:s15], $0xD80  }
0x172: {  	[sflag:s15] =	ssyncset.done $0x0  }
0x173: {  	[sflag:s15] =	ssyncadd.s32 $0xFFFFF280  }
0x174: {  	_ =	swait.ge [sflag:s15], $0xD80  }
0x175: {  	s28 =	sadd.s32 $0x1, s28;
	[sflag:s15] =	ssyncset.done $0x0  }
0x176: {  	p0 =	sne.s32 s28, $0x10;
	[sflag:s15] =	ssyncadd.s32 $0xFFFFF280  }
.Ltmp4:
0x177: {  	_ =	swait.ge [sflag:s15], $0xD80;
	(pc) =	sbr.rel @!p0 .LBB2_12-.Ltmp4, $3  }
0x178: {  	[sflag:s15] =	ssyncset.done $0x0  }
0x179: {  	[sflag:s15] =	ssyncadd.s32 $0xFFFFF280  }
0x17a: {  	[bflag:$0x0] =	sbarrier.arrive $0xFFFF;
	_ =	sdelay $0x1  }
.LBB2_4:
0x17b: {  	s0 =	sshrl.u32 s28, $0x3;
	s1 =	rddreg [dreg:$0x14]  }
0x17c: {  	s5 =	sld [smem:$0x7FD];
	s29 =	sadd.s32 s1, s0  }
0x17d: {  	s0 =	smul.u32 $0x6C00, s29;
	_ =	sdelay $0x1  }
0x17e: {  	s0 =	sadd.s32 s5, s0  }
0x17f: {  	s0 =	sshll.u32 s0, $0x4  }
0x180: {  	s2 =	simm.s32 $0x2000;
	s9 =	sadd.s32 s8, s0;
	s24 =	sand.u32 $0x1FFFFC00, s0  }
0x181: {  	[tilespmem:s26], [sflag:$0x1] =	stream.linear.gather [hbm4b:s9+s26], $0x1000, $0x38;
	[tilespmem:$0x1FD80] =	vst v63  }
0x182: {  	s25 =	sand.u32 $0x7, s28;
	s10 =	sadd.s32 s6, s0;
	s1 =	sor.u32 $0x200, s24  }
0x183: {  	[tilespmem:s2], [sflag:$0x1] =	stream.linear.gather [hbm4b:s10+s26], $0x1000, $0x38;
	[tilespmem:$0x1FD80] =	vst v63  }
0x184: {  	s30 =	smul.u32 $0x1B0000, s25;
	s25 =	simm.s32 $0x0;
	s5 =	sadd.s32 s8, s1  }
0x185: {  	[tilespmem:s16], [sflag:$0x2] =	stream.linear.gather [hbm4b:s5+s26], $0x1000, $0x38;
	[tilespmem:$0x1FD80] =	vst v63  }
0x186: {  	s31 =	sadd.s32 $0x400, s0;
	s0 =	sadd.s32 $0x600, s0;
	s1 =	sadd.s32 s6, s1  }
0x187: {  	v1 =	vmov s30;
	[tilespmem:s17], [sflag:$0x2] =	stream.linear.gather [hbm4b:s1+s26], $0x1000, $0x38;
	[tilespmem:$0x1FD80] =	vst v63  }
.LBB2_5:
0x188: {  	_ =	swait.ge [sflag:s18], $0x1000  }
0x189: {  	[sflag:s18] =	ssyncset.done $0x0  }
0x18a: {  	[sflag:s18] =	ssyncadd.s32 $0xFFFFF000  }
0x18b: {  	_ =	swait.ge [sflag:s18], $0x1000  }
0x18c: {  	[sflag:s18] =	ssyncset.done $0x0  }
0x18d: {  	s1 =	simm.s32 $0x0;
	[sflag:s18] =	ssyncadd.s32 $0xFFFFF000  }
0x18e: {  	v2 =	vld [tilespmem:s1+$0x70]  }
0x18f: {  	v4 =	vld [tilespmem:s1+$0x50]  }
0x190: {  	s2 =	simm.s32 $0x200;
	v3 =	vld [tilespmem:s1+$0x30]  }
.LBB2_6:
0x191: {  	p0 =	sne.s32 s2, $0x3E00;
	v5 =	vld [tilespmem:s1+$0x40];
	s5 =	smov.u32 s2;
	s2 =	sadd.s32 $0x200, s2  }
0x192: {  	v6 =	vld [tilespmem:s1+$0x60]  }
0x193: {  	v7 =	vld [tilespmem:s1+$0x20]  }
0x194: {  	v8 =	vld [tilespmem:s1+$0x10];
	v4 =	vsub.s32 v4, v1  }
0x195: {  	v2 =	vsub.s32 v2, v1;
	v9 =	vld [tilespmem:s1+$0x0];
	v3 =	vsub.s32 v3, v1;
	vm0 =	vlt.u32 v4, $0x1B0000  }
0x196: {  	vm1 =	vlt.u32 v3, $0x1B0000;
	v4 =	vnsel vm0, $0xFFFFFFFF, v4;
	vm0 =	vlt.u32 v2, $0x1B0000  }
0x197: {  	v3 =	vnsel vm1, $0xFFFFFFFF, v3;
	[tilespmem:s1+$0x50] =	vst v4;
	v4 =	vsub.s32 v6, v1;
	v2 =	vnsel vm0, $0xFFFFFFFF, v2  }
0x198: {  	s5 =	sshra.s32 s5, $0x2;
	v6 =	vsub.s32 v7, v1;
	[tilespmem:s1+$0x30] =	vst v3;
	v3 =	vsub.s32 v5, v1;
	vm0 =	vlt.u32 v4, $0x1B0000  }
0x199: {  	v5 =	vsub.s32 v8, v1;
	vm1 =	vlt.u32 v3, $0x1B0000;
	v4 =	vnsel vm0, $0xFFFFFFFF, v4;
	[tilespmem:s1+$0x70] =	vst v2  }
0x19a: {  	vm2 =	vlt.u32 v6, $0x1B0000;
	vm0 =	vlt.u32 v5, $0x1B0000;
	v2 =	vnsel vm1, $0xFFFFFFFF, v3;
	[tilespmem:s1+$0x60] =	vst v4  }
0x19b: {  	v3 =	vsub.s32 v9, v1;
	v4 =	vnsel vm0, $0xFFFFFFFF, v5;
	v5 =	vnsel vm2, $0xFFFFFFFF, v6;
	[tilespmem:s1+$0x40] =	vst v2  }
0x19c: {  	vm0 =	vlt.u32 v3, $0x1B0000;
	[tilespmem:s1+$0x10] =	vst v4  }
0x19d: {  	v2 =	vnsel vm0, $0xFFFFFFFF, v3;
	[tilespmem:s1+$0x20] =	vst v5  }
0x19e: {  	s24 =	sadd.s32 $0x2000, s1;
	[tilespmem:s1+$0x0] =	vst v2  }
.Ltmp5:
0x19f: {  	(ifvalue) =	ssetifvalue $0xFFFFFFFF;
	(pc) =	sbr.rel @p0 .LBB2_6-.Ltmp5, $4  }
0x1a0: {  	[spmem:s3] =	stream.indirect.scatter.add.f32 [tilespmem:s24], [sflag:$0x3], $0x1, s1, s19, $0x40b8;
	[tilespmem:$0x1FD80] =	vst v63  }
0x1a1: {  	s1 =	smov.u32 s5;
	v2 =	vld [tilespmem:s5+$0x70]  }
0x1a2: {  	v4 =	vld [tilespmem:s1+$0x50]  }
0x1a3: {  	v3 =	vld [tilespmem:s1+$0x30]  }
0x1a4: {  	_ = 	snop  }
0x1a5: {  	v5 =	vld [tilespmem:s1+$0x60]  }
0x1a6: {  	v6 =	vld [tilespmem:s1+$0x40]  }
0x1a7: {  	v7 =	vld [tilespmem:s1+$0x10];
	v4 =	vsub.s32 v4, v1  }
0x1a8: {  	v8 =	vld [tilespmem:s1+$0x20];
	v3 =	vsub.s32 v3, v1;
	vm0 =	vlt.u32 v4, $0x1B0000  }
0x1a9: {  	v9 =	vld [tilespmem:s1+$0x0];
	v2 =	vsub.s32 v2, v1;
	vm1 =	vlt.u32 v3, $0x1B0000;
	v4 =	vnsel vm0, $0xFFFFFFFF, v4  }
0x1aa: {  	vm0 =	vlt.u32 v2, $0x1B0000;
	v3 =	vnsel vm1, $0xFFFFFFFF, v3;
	[tilespmem:s1+$0x50] =	vst v4;
	v4 =	vsub.s32 v5, v1  }
0x1ab: {  	v2 =	vnsel vm0, $0xFFFFFFFF, v2;
	[tilespmem:s1+$0x30] =	vst v3;
	v3 =	vsub.s32 v6, v1;
	vm0 =	vlt.u32 v4, $0x1B0000  }
0x1ac: {  	v5 =	vsub.s32 v7, v1;
	[tilespmem:s1+$0x70] =	vst v2;
	vm1 =	vlt.u32 v3, $0x1B0000;
	v4 =	vnsel vm0, $0xFFFFFFFF, v4  }
0x1ad: {  	v2 =	vsub.s32 v8, v1;
	vm0 =	vlt.u32 v5, $0x1B0000;
	v3 =	vnsel vm1, $0xFFFFFFFF, v3;
	[tilespmem:s1+$0x60] =	vst v4  }
0x1ae: {  	vm1 =	vlt.u32 v2, $0x1B0000;
	v4 =	vsub.s32 v9, v1;
	v5 =	vnsel vm0, $0xFFFFFFFF, v5;
	[tilespmem:s1+$0x40] =	vst v3  }
0x1af: {  	v2 =	vnsel vm1, $0xFFFFFFFF, v2;
	vm0 =	vlt.u32 v4, $0x1B0000;
	[tilespmem:s1+$0x10] =	vst v5  }
0x1b0: {  	v3 =	vnsel vm0, $0xFFFFFFFF, v4;
	[tilespmem:s1+$0x20] =	vst v2  }
0x1b1: {  	s2 =	sadd.s32 $0x2000, s1;
	[tilespmem:s1+$0x0] =	vst v3;
	(ifvalue) =	ssetifvalue $0xFFFFFFFF  }
0x1b2: {  	[spmem:s3] =	stream.indirect.scatter.add.f32 [tilespmem:s2], [sflag:$0x3], $0x1, s1, s19, $0x40b8;
	[tilespmem:$0x1FD80] =	vst v63  }
0x1b3: {  	_ =	swait.ge [sflag:s20], $0x80  }
0x1b4: {  	[sflag:s20] =	ssyncset.done $0x0  }
0x1b5: {  	[sflag:s20] =	ssyncadd.s32 $0xFFFFFF80  }
0x1b6: {  	_ =	swait.ge [sflag:s20], $0x80  }
0x1b7: {  	[sflag:s20] =	ssyncset.done $0x0  }
0x1b8: {  	[sflag:s20] =	ssyncadd.s32 $0xFFFFFF80  }
0x1b9: {  	_ =	swait.ge [sflag:s20], $0x80  }
0x1ba: {  	[sflag:s20] =	ssyncset.done $0x0  }
0x1bb: {  	[sflag:s20] =	ssyncadd.s32 $0xFFFFFF80  }
0x1bc: {  	_ =	swait.ge [sflag:s20], $0x80  }
0x1bd: {  	[sflag:s20] =	ssyncset.done $0x0  }
0x1be: {  	[sflag:s20] =	ssyncadd.s32 $0xFFFFFF80  }
0x1bf: {  	_ =	swait.ge [sflag:s20], $0x80  }
0x1c0: {  	[sflag:s20] =	ssyncset.done $0x0  }
0x1c1: {  	[sflag:s20] =	ssyncadd.s32 $0xFFFFFF80  }
0x1c2: {  	_ =	swait.ge [sflag:s20], $0x80  }
0x1c3: {  	[sflag:s20] =	ssyncset.done $0x0  }
0x1c4: {  	[sflag:s20] =	ssyncadd.s32 $0xFFFFFF80  }
0x1c5: {  	_ =	swait.ge [sflag:s20], $0x80  }
0x1c6: {  	[sflag:s20] =	ssyncset.done $0x0  }
0x1c7: {  	[sflag:s20] =	ssyncadd.s32 $0xFFFFFF80  }
0x1c8: {  	_ =	swait.ge [sflag:s20], $0x80  }
0x1c9: {  	[sflag:s20] =	ssyncset.done $0x0  }
0x1ca: {  	[sflag:s20] =	ssyncadd.s32 $0xFFFFFF80  }
0x1cb: {  	_ =	swait.ge [sflag:s20], $0x80  }
0x1cc: {  	[sflag:s20] =	ssyncset.done $0x0  }
0x1cd: {  	[sflag:s20] =	ssyncadd.s32 $0xFFFFFF80  }
0x1ce: {  	_ =	swait.ge [sflag:s20], $0x80  }
0x1cf: {  	[sflag:s20] =	ssyncset.done $0x0  }
0x1d0: {  	[sflag:s20] =	ssyncadd.s32 $0xFFFFFF80  }
0x1d1: {  	_ =	swait.ge [sflag:s20], $0x80  }
0x1d2: {  	[sflag:s20] =	ssyncset.done $0x0  }
0x1d3: {  	[sflag:s20] =	ssyncadd.s32 $0xFFFFFF80  }
0x1d4: {  	_ =	swait.ge [sflag:s20], $0x80  }
0x1d5: {  	[sflag:s20] =	ssyncset.done $0x0  }
0x1d6: {  	[sflag:s20] =	ssyncadd.s32 $0xFFFFFF80  }
0x1d7: {  	_ =	swait.ge [sflag:s20], $0x80  }
0x1d8: {  	[sflag:s20] =	ssyncset.done $0x0  }
0x1d9: {  	[sflag:s20] =	ssyncadd.s32 $0xFFFFFF80  }
0x1da: {  	_ =	swait.ge [sflag:s20], $0x80  }
0x1db: {  	[sflag:s20] =	ssyncset.done $0x0  }
0x1dc: {  	[sflag:s20] =	ssyncadd.s32 $0xFFFFFF80  }
0x1dd: {  	_ =	swait.ge [sflag:s20], $0x80  }
0x1de: {  	[sflag:s20] =	ssyncset.done $0x0  }
0x1df: {  	[sflag:s20] =	ssyncadd.s32 $0xFFFFFF80  }
0x1e0: {  	_ =	swait.ge [sflag:s20], $0x80  }
0x1e1: {  	[sflag:s20] =	ssyncset.done $0x0  }
0x1e2: {  	[sflag:s20] =	ssyncadd.s32 $0xFFFFFF80  }
0x1e3: {  	_ =	swait.ge [sflag:s20], $0x80  }
0x1e4: {  	[sflag:s20] =	ssyncset.done $0x0  }
0x1e5: {  	[sflag:s20] =	ssyncadd.s32 $0xFFFFFF80  }
0x1e6: {  	_ =	swait.ge [sflag:s20], $0x80  }
0x1e7: {  	[sflag:s20] =	ssyncset.done $0x0  }
0x1e8: {  	[sflag:s20] =	ssyncadd.s32 $0xFFFFFF80  }
0x1e9: {  	_ =	swait.ge [sflag:s20], $0x80  }
0x1ea: {  	[sflag:s20] =	ssyncset.done $0x0  }
0x1eb: {  	[sflag:s20] =	ssyncadd.s32 $0xFFFFFF80  }
0x1ec: {  	_ =	swait.ge [sflag:s20], $0x80  }
0x1ed: {  	[sflag:s20] =	ssyncset.done $0x0  }
0x1ee: {  	[sflag:s20] =	ssyncadd.s32 $0xFFFFFF80  }
0x1ef: {  	_ =	swait.ge [sflag:s20], $0x80  }
0x1f0: {  	[sflag:s20] =	ssyncset.done $0x0  }
0x1f1: {  	[sflag:s20] =	ssyncadd.s32 $0xFFFFFF80  }
0x1f2: {  	_ =	swait.ge [sflag:s20], $0x80  }
0x1f3: {  	[sflag:s20] =	ssyncset.done $0x0  }
0x1f4: {  	[sflag:s20] =	ssyncadd.s32 $0xFFFFFF80  }
0x1f5: {  	_ =	swait.ge [sflag:s20], $0x80  }
0x1f6: {  	[sflag:s20] =	ssyncset.done $0x0  }
0x1f7: {  	[sflag:s20] =	ssyncadd.s32 $0xFFFFFF80  }
0x1f8: {  	_ =	swait.ge [sflag:s20], $0x80  }
0x1f9: {  	[sflag:s20] =	ssyncset.done $0x0  }
0x1fa: {  	[sflag:s20] =	ssyncadd.s32 $0xFFFFFF80  }
0x1fb: {  	_ =	swait.ge [sflag:s20], $0x80  }
0x1fc: {  	[sflag:s20] =	ssyncset.done $0x0  }
0x1fd: {  	[sflag:s20] =	ssyncadd.s32 $0xFFFFFF80  }
0x1fe: {  	_ =	swait.ge [sflag:s20], $0x80  }
0x1ff: {  	[sflag:s20] =	ssyncset.done $0x0  }
0x200: {  	[sflag:s20] =	ssyncadd.s32 $0xFFFFFF80  }
0x201: {  	_ =	swait.ge [sflag:s20], $0x80  }
0x202: {  	[sflag:s20] =	ssyncset.done $0x0  }
0x203: {  	[sflag:s20] =	ssyncadd.s32 $0xFFFFFF80  }
0x204: {  	_ =	swait.ge [sflag:s20], $0x80  }
0x205: {  	[sflag:s20] =	ssyncset.done $0x0  }
0x206: {  	[sflag:s20] =	ssyncadd.s32 $0xFFFFFF80  }
0x207: {  	_ =	swait.ge [sflag:s20], $0x80  }
0x208: {  	[sflag:s20] =	ssyncset.done $0x0  }
0x209: {  	[sflag:s20] =	ssyncadd.s32 $0xFFFFFF80  }
0x20a: {  	_ =	swait.ge [sflag:s20], $0x80  }
0x20b: {  	[sflag:s20] =	ssyncset.done $0x0  }
0x20c: {  	[sflag:s20] =	ssyncadd.s32 $0xFFFFFF80  }
0x20d: {  	_ =	swait.ge [sflag:s20], $0x80  }
0x20e: {  	[sflag:s20] =	ssyncset.done $0x0  }
0x20f: {  	[sflag:s20] =	ssyncadd.s32 $0xFFFFFF80  }
0x210: {  	p0 =	seq.s32 s25, $0x1A;
	s1 =	sshll.u32 s25, $0xA;
	_ =	swait.ge [sflag:s20], $0x80  }
0x211: {  	s2 =	sadd.s32 @!p0 s1, s31;
	[sflag:s20] =	ssyncset.done $0x0  }
0x212: {  	s24 =	simm.s32 @!p0 $0x0;
	s5 =	sadd.s32 @!p0 s8, s2;
	[sflag:s20] =	ssyncadd.s32 $0xFFFFFF80  }
0x213: {  	[tilespmem:s24], [sflag:$0x1] =	stream.linear.gather @!p0 [hbm4b:s5+s24], $0x1000, $0x38;
	[tilespmem:$0x1FD80] =	vst v63  }
0x214: {  	s2 =	sadd.s32 @!p0 s6, s2;
	s5 =	simm.s32 @!p0 $0x2000  }
0x215: {  	[tilespmem:s5], [sflag:$0x1] =	stream.linear.gather @!p0 [hbm4b:s2+s24], $0x1000, $0x38;
	[tilespmem:$0x1FD80] =	vst v63  }
0x216: {  	_ =	swait.ge [sflag:s21], $0x1000  }
0x217: {  	[sflag:s21] =	ssyncset.done $0x0  }
0x218: {  	[sflag:s21] =	ssyncadd.s32 $0xFFFFF000  }
0x219: {  	_ =	swait.ge [sflag:s21], $0x1000  }
0x21a: {  	[sflag:s21] =	ssyncset.done $0x0  }
0x21b: {  	s5 =	simm.s32 $0x0;
	[sflag:s21] =	ssyncadd.s32 $0xFFFFF000  }
0x21c: {  	v2 =	vld [tilespmem:s5+$0x1000]  }
0x21d: {  	v3 =	vld [tilespmem:s5+$0x1030]  }
0x21e: {  	v4 =	vld [tilespmem:s5+$0x1070]  }
0x21f: {  	v5 =	vld [tilespmem:s5+$0x1020];
	_ =	sdelay $0x1  }
0x220: {  	v6 =	vld [tilespmem:s5+$0x1060]  }
0x221: {  	v7 =	vld [tilespmem:s5+$0x1040]  }
0x222: {  	v61 =	vld [tilespmem:s5+$0x1010];
	v2 =	vsub.s32 v2, v1;
	v3 =	vsub.s32 v3, v1  }
0x223: {  	v4 =	vsub.s32 v4, v1;
	v5 =	vsub.s32 v5, v1;
	vm0 =	vlt.u32 v2, $0x1B0000  }
0x224: {  	vm1 =	vlt.u32 v4, $0x1B0000;
	vm2 =	vlt.u32 v5, $0x1B0000;
	v62 =	vnsel vm0, $0xFFFFFFFF, v2;
	v2 =	vld [tilespmem:s5+$0x1050]  }
0x225: {  	vm0 =	vlt.u32 v3, $0x1B0000;
	v63 =	vnsel vm1, $0xFFFFFFFF, v4;
	v4 =	vnsel vm2, $0xFFFFFFFF, v5;
	[tilespmem:s5+$0x1000] =	vst v62  }
0x226: {  	v6 =	vsub.s32 v6, v1;
	v5 =	vsub.s32 v7, v1;
	v3 =	vnsel vm0, $0xFFFFFFFF, v3;
	[tilespmem:s5+$0x1020] =	vst v4  }
0x227: {  	vm2 =	vlt.u32 v6, $0x1B0000;
	vm1 =	vlt.u32 v5, $0x1B0000;
	[tilespmem:s5+$0x1030] =	vst v3;
	v3 =	vsub.s32 v61, v1  }
0x228: {  	s24 =	simm.s32 $0x400;
	s2 =	simm.s32 $0x80;
	v4 =	vnsel vm2, $0xFFFFFFFF, v6;
	[tilespmem:s5+$0x1070] =	vst v63;
	v5 =	vnsel vm1, $0xFFFFFFFF, v5;
	vm0 =	vlt.u32 v3, $0x1B0000  }
.LBB2_8:
0x229: {  	p1 =	sne.s32 s24, $0x3E00;
	v3 =	vnsel vm0, $0xFFFFFFFF, v3;
	[tilespmem:s5+$0x1040] =	vst v5;
	v2 =	vsub.s32 v2, v1;
	s9 =	smov.u32 s24;
	s24 =	sadd.s32 $0x200, s24  }
0x22a: {  	vm0 =	vlt.u32 v2, $0x1B0000;
	[tilespmem:s5+$0x1060] =	vst v4  }
0x22b: {  	[tilespmem:s5+$0x1010] =	vst v3;
	v2 =	vnsel vm0, $0xFFFFFFFF, v2  }
0x22c: {  	[tilespmem:s5+$0x1050] =	vst v2  }
0x22d: {  	s10 =	sadd.s32 $0x1000, s5;
	s5 =	sadd.s32 $0x3000, s5;
	(ifvalue) =	ssetifvalue $0xFFFFFFFF  }
0x22e: {  	[spmem:s3] =	stream.indirect.scatter.add.f32 [tilespmem:s5], [sflag:$0x4], $0x1, s10, s19, $0x40b8;
	[tilespmem:$0x1FD80] =	vst v63  }
0x22f: {  	s5 =	smov.u32 s2;
	v2 =	vld [tilespmem:s2+$0x1000]  }
0x230: {  	s2 =	sshra.s32 s9, $0x2;
	v3 =	vld [tilespmem:s5+$0x1030]  }
0x231: {  	v4 =	vld [tilespmem:s5+$0x1070]  }
0x232: {  	v5 =	vld [tilespmem:s5+$0x1020]  }
0x233: {  	v6 =	vld [tilespmem:s5+$0x1060]  }
0x234: {  	v2 =	vsub.s32 v2, v1;
	v7 =	vld [tilespmem:s5+$0x1040]  }
0x235: {  	vm0 =	vlt.u32 v2, $0x1B0000;
	v8 =	vld [tilespmem:s5+$0x1010]  }
0x236: {  	v3 =	vsub.s32 v3, v1;
	v9 =	vnsel vm0, $0xFFFFFFFF, v2;
	v2 =	vld [tilespmem:s5+$0x1050];
	v4 =	vsub.s32 v4, v1  }
.Ltmp6:
0x237: {  	vm0 =	vlt.u32 v3, $0x1B0000;
	[tilespmem:s5+$0x1000] =	vst v9;
	v5 =	vsub.s32 v5, v1;
	vm1 =	vlt.u32 v4, $0x1B0000;
	(pc) =	sbr.rel @p1 .LBB2_8-.Ltmp6, $4  }
0x238: {  	v3 =	vnsel vm0, $0xFFFFFFFF, v3;
	vm2 =	vlt.u32 v5, $0x1B0000;
	v9 =	vnsel vm1, $0xFFFFFFFF, v4  }
0x239: {  	v6 =	vsub.s32 v6, v1;
	v4 =	vnsel vm2, $0xFFFFFFFF, v5;
	[tilespmem:s5+$0x1030] =	vst v3;
	v5 =	vsub.s32 v7, v1  }
0x23a: {  	vm2 =	vlt.u32 v6, $0x1B0000;
	v3 =	vsub.s32 v8, v1;
	[tilespmem:s5+$0x1020] =	vst v4;
	vm1 =	vlt.u32 v5, $0x1B0000  }
0x23b: {  	v4 =	vnsel vm2, $0xFFFFFFFF, v6;
	vm0 =	vlt.u32 v3, $0x1B0000;
	v5 =	vnsel vm1, $0xFFFFFFFF, v5;
	[tilespmem:s5+$0x1070] =	vst v9  }
0x23c: {  	[tilespmem:s5+$0x1040] =	vst v5;
	v2 =	vsub.s32 v2, v1  }
0x23d: {  	v3 =	vnsel vm0, $0xFFFFFFFF, v3;
	[tilespmem:s5+$0x1060] =	vst v4;
	vm8 =	vlt.u32 v2, $0x1B0000  }
0x23e: {  	[tilespmem:s5+$0x1010] =	vst v3;
	v2 =	vnsel vm8, $0xFFFFFFFF, v2  }
0x23f: {  	s9 =	sadd.s32 $0x1000, s5;
	s24 =	sadd.s32 $0x3000, s5;
	[tilespmem:s5+$0x1050] =	vst v2;
	(ifvalue) =	ssetifvalue $0xFFFFFFFF  }
0x240: {  	[spmem:s3] =	stream.indirect.scatter.add.f32 [tilespmem:s24], [sflag:$0x4], $0x1, s9, s19, $0x40b8;
	[tilespmem:$0x1FD80] =	vst v63  }
0x241: {  	v2 =	vld [tilespmem:s2+$0x1000]  }
0x242: {  	v3 =	vld [tilespmem:s2+$0x1030]  }
0x243: {  	v60 =	vld [tilespmem:s2+$0x1070]  }
0x244: {  	v59 =	vld [tilespmem:s2+$0x1020]  }
0x245: {  	v6 =	vld [tilespmem:s2+$0x1040]  }
0x246: {  	v7 =	vld [tilespmem:s2+$0x1060];
	v2 =	vsub.s32 v2, v1  }
0x247: {  	v8 =	vld [tilespmem:s2+$0x1010];
	v3 =	vsub.s32 v3, v1;
	vm9 =	vlt.u32 v2, $0x1B0000  }
0x248: {  	v9 =	vld [tilespmem:s2+$0x1050];
	v5 =	vsub.s32 v60, v1;
	vm10 =	vlt.u32 v3, $0x1B0000;
	v2 =	vnsel vm9, $0xFFFFFFFF, v2  }
0x249: {  	v4 =	vsub.s32 v59, v1;
	vm11 =	vlt.u32 v5, $0x1B0000;
	[tilespmem:s2+$0x1000] =	vst v2;
	v2 =	vnsel vm10, $0xFFFFFFFF, v3  }
0x24a: {  	vm1 =	vlt.u32 v4, $0x1B0000;
	v61 =	vnsel vm11, $0xFFFFFFFF, v5;
	[tilespmem:s2+$0x1030] =	vst v2;
	v2 =	vsub.s32 v6, v1  }
0x24b: {  	v62 =	vsub.s32 v7, v1;
	v3 =	vnsel vm1, $0xFFFFFFFF, v4;
	[tilespmem:s2+$0x1070] =	vst v61;
	vm12 =	vlt.u32 v2, $0x1B0000  }
0x24c: {  	vm13 =	vlt.u32 v62, $0x1B0000;
	[tilespmem:s2+$0x1020] =	vst v3;
	v3 =	vsub.s32 v8, v1;
	v2 =	vnsel vm12, $0xFFFFFFFF, v2  }
0x24d: {  	v63 =	vnsel vm13, $0xFFFFFFFF, v62;
	vm14 =	vlt.u32 v3, $0x1B0000;
	[tilespmem:s2+$0x1040] =	vst v2;
	v2 =	vsub.s32 v9, v1  }
0x24e: {  	[tilespmem:s2+$0x1060] =	vst v63;
	v3 =	vnsel vm14, $0xFFFFFFFF, v3;
	vm15 =	vlt.u32 v2, $0x1B0000  }
0x24f: {  	[tilespmem:s2+$0x1010] =	vst v3;
	v2 =	vnsel vm15, $0xFFFFFFFF, v2  }
0x250: {  	s10 =	sadd.s32 $0x1000, s2;
	s24 =	sadd.s32 $0x3000, s2;
	[tilespmem:s2+$0x1050] =	vst v2;
	(ifvalue) =	ssetifvalue $0xFFFFFFFF  }
0x251: {  	[spmem:s3] =	stream.indirect.scatter.add.f32 [tilespmem:s24], [sflag:$0x4], $0x1, s10, s19, $0x40b8;
	[tilespmem:$0x1FD80] =	vst v63  }
0x252: {  	_ =	swait.ge [sflag:s22], $0x80  }
0x253: {  	[sflag:s22] =	ssyncset.done $0x0  }
0x254: {  	[sflag:s22] =	ssyncadd.s32 $0xFFFFFF80  }
0x255: {  	_ =	swait.ge [sflag:s22], $0x80  }
0x256: {  	[sflag:s22] =	ssyncset.done $0x0  }
0x257: {  	[sflag:s22] =	ssyncadd.s32 $0xFFFFFF80  }
0x258: {  	_ =	swait.ge [sflag:s22], $0x80  }
0x259: {  	[sflag:s22] =	ssyncset.done $0x0  }
0x25a: {  	[sflag:s22] =	ssyncadd.s32 $0xFFFFFF80  }
0x25b: {  	_ =	swait.ge [sflag:s22], $0x80  }
0x25c: {  	[sflag:s22] =	ssyncset.done $0x0  }
0x25d: {  	[sflag:s22] =	ssyncadd.s32 $0xFFFFFF80  }
0x25e: {  	_ =	swait.ge [sflag:s22], $0x80  }
0x25f: {  	[sflag:s22] =	ssyncset.done $0x0  }
0x260: {  	[sflag:s22] =	ssyncadd.s32 $0xFFFFFF80  }
0x261: {  	_ =	swait.ge [sflag:s22], $0x80  }
0x262: {  	[sflag:s22] =	ssyncset.done $0x0  }
0x263: {  	[sflag:s22] =	ssyncadd.s32 $0xFFFFFF80  }
0x264: {  	_ =	swait.ge [sflag:s22], $0x80  }
0x265: {  	[sflag:s22] =	ssyncset.done $0x0  }
0x266: {  	[sflag:s22] =	ssyncadd.s32 $0xFFFFFF80  }
0x267: {  	_ =	swait.ge [sflag:s22], $0x80  }
0x268: {  	[sflag:s22] =	ssyncset.done $0x0  }
0x269: {  	[sflag:s22] =	ssyncadd.s32 $0xFFFFFF80  }
0x26a: {  	_ =	swait.ge [sflag:s22], $0x80  }
0x26b: {  	[sflag:s22] =	ssyncset.done $0x0  }
0x26c: {  	[sflag:s22] =	ssyncadd.s32 $0xFFFFFF80  }
0x26d: {  	_ =	swait.ge [sflag:s22], $0x80  }
0x26e: {  	[sflag:s22] =	ssyncset.done $0x0  }
0x26f: {  	[sflag:s22] =	ssyncadd.s32 $0xFFFFFF80  }
0x270: {  	_ =	swait.ge [sflag:s22], $0x80  }
0x271: {  	[sflag:s22] =	ssyncset.done $0x0  }
0x272: {  	[sflag:s22] =	ssyncadd.s32 $0xFFFFFF80  }
0x273: {  	_ =	swait.ge [sflag:s22], $0x80  }
0x274: {  	[sflag:s22] =	ssyncset.done $0x0  }
0x275: {  	[sflag:s22] =	ssyncadd.s32 $0xFFFFFF80  }
0x276: {  	_ =	swait.ge [sflag:s22], $0x80  }
0x277: {  	[sflag:s22] =	ssyncset.done $0x0  }
0x278: {  	[sflag:s22] =	ssyncadd.s32 $0xFFFFFF80  }
0x279: {  	_ =	swait.ge [sflag:s22], $0x80  }
0x27a: {  	[sflag:s22] =	ssyncset.done $0x0  }
0x27b: {  	[sflag:s22] =	ssyncadd.s32 $0xFFFFFF80  }
0x27c: {  	_ =	swait.ge [sflag:s22], $0x80  }
0x27d: {  	[sflag:s22] =	ssyncset.done $0x0  }
0x27e: {  	[sflag:s22] =	ssyncadd.s32 $0xFFFFFF80  }
0x27f: {  	_ =	swait.ge [sflag:s22], $0x80  }
0x280: {  	[sflag:s22] =	ssyncset.done $0x0  }
0x281: {  	[sflag:s22] =	ssyncadd.s32 $0xFFFFFF80  }
0x282: {  	_ =	swait.ge [sflag:s22], $0x80  }
0x283: {  	[sflag:s22] =	ssyncset.done $0x0  }
0x284: {  	[sflag:s22] =	ssyncadd.s32 $0xFFFFFF80  }
0x285: {  	_ =	swait.ge [sflag:s22], $0x80  }
0x286: {  	[sflag:s22] =	ssyncset.done $0x0  }
0x287: {  	[sflag:s22] =	ssyncadd.s32 $0xFFFFFF80  }
0x288: {  	_ =	swait.ge [sflag:s22], $0x80  }
0x289: {  	[sflag:s22] =	ssyncset.done $0x0  }
0x28a: {  	[sflag:s22] =	ssyncadd.s32 $0xFFFFFF80  }
0x28b: {  	_ =	swait.ge [sflag:s22], $0x80  }
0x28c: {  	[sflag:s22] =	ssyncset.done $0x0  }
0x28d: {  	[sflag:s22] =	ssyncadd.s32 $0xFFFFFF80  }
0x28e: {  	_ =	swait.ge [sflag:s22], $0x80  }
0x28f: {  	[sflag:s22] =	ssyncset.done $0x0  }
0x290: {  	[sflag:s22] =	ssyncadd.s32 $0xFFFFFF80  }
0x291: {  	_ =	swait.ge [sflag:s22], $0x80  }
0x292: {  	[sflag:s22] =	ssyncset.done $0x0  }
0x293: {  	[sflag:s22] =	ssyncadd.s32 $0xFFFFFF80  }
0x294: {  	_ =	swait.ge [sflag:s22], $0x80  }
0x295: {  	[sflag:s22] =	ssyncset.done $0x0  }
0x296: {  	[sflag:s22] =	ssyncadd.s32 $0xFFFFFF80  }
0x297: {  	_ =	swait.ge [sflag:s22], $0x80  }
0x298: {  	[sflag:s22] =	ssyncset.done $0x0  }
0x299: {  	[sflag:s22] =	ssyncadd.s32 $0xFFFFFF80  }
0x29a: {  	_ =	swait.ge [sflag:s22], $0x80  }
0x29b: {  	[sflag:s22] =	ssyncset.done $0x0  }
0x29c: {  	[sflag:s22] =	ssyncadd.s32 $0xFFFFFF80  }
0x29d: {  	_ =	swait.ge [sflag:s22], $0x80  }
0x29e: {  	[sflag:s22] =	ssyncset.done $0x0  }
0x29f: {  	[sflag:s22] =	ssyncadd.s32 $0xFFFFFF80  }
0x2a0: {  	_ =	swait.ge [sflag:s22], $0x80  }
0x2a1: {  	[sflag:s22] =	ssyncset.done $0x0  }
0x2a2: {  	[sflag:s22] =	ssyncadd.s32 $0xFFFFFF80  }
0x2a3: {  	_ =	swait.ge [sflag:s22], $0x80  }
0x2a4: {  	[sflag:s22] =	ssyncset.done $0x0  }
0x2a5: {  	[sflag:s22] =	ssyncadd.s32 $0xFFFFFF80  }
0x2a6: {  	_ =	swait.ge [sflag:s22], $0x80  }
0x2a7: {  	[sflag:s22] =	ssyncset.done $0x0  }
0x2a8: {  	[sflag:s22] =	ssyncadd.s32 $0xFFFFFF80  }
0x2a9: {  	_ =	swait.ge [sflag:s22], $0x80  }
0x2aa: {  	[sflag:s22] =	ssyncset.done $0x0  }
0x2ab: {  	[sflag:s22] =	ssyncadd.s32 $0xFFFFFF80  }
0x2ac: {  	_ =	swait.ge [sflag:s22], $0x80  }
.Ltmp7:
0x2ad: {  	[sflag:s22] =	ssyncset.done $0x0;
	(pc) =	sbr.rel @p0 .LBB2_11-.Ltmp7, $4  }
0x2ae: {  	[sflag:s22] =	ssyncadd.s32 $0xFFFFFF80  }
0x2af: {  	_ =	swait.ge [sflag:s22], $0x80  }
0x2b0: {  	[sflag:s22] =	ssyncset.done $0x0  }
0x2b1: {  	[sflag:s22] =	ssyncadd.s32 $0xFFFFFF80  }
.Ltmp8:
0x2b2: {  	s1 =	sadd.s32 s1, s0;
	(pc) =	sbr.rel .LBB2_5-.Ltmp8, $4  }
0x2b3: {  	s2 =	sadd.s32 s8, s1  }
0x2b4: {  	[tilespmem:s16], [sflag:$0x2] =	stream.linear.gather [hbm4b:s2+s4], $0x1000, $0x38;
	[tilespmem:$0x1FD80] =	vst v63  }
0x2b5: {  	s25 =	sadd.s32 $0x1, s25;
	s1 =	sadd.s32 s6, s1  }
0x2b6: {  	[tilespmem:s17], [sflag:$0x2] =	stream.linear.gather [hbm4b:s1+s4], $0x1000, $0x38;
	[tilespmem:$0x1FD80] =	vst v63  }
.LBB2_13:
0x2b7: {  	_ =	sfence.sel $0x180000  }
0x2b8: {  	[bflag:$0x0] =	sbarrier.arrive $0xFFFF  }
0x2b9: {  	_ =	strace $0x90000047  }
0x2ba: {  	s0 =	stileid.u32;
	[bflag:$0x2] =	sbarrier.arrive $0xFFFF  }
0x2bb: {  	p0 =	sne.s32 s0, $0x0;
	s0 =	rddreg [dreg:$0x3]  }
0x2bc: {  	s0 =	sadd.s32 @!p0 $0x100000, s0  }
0x2bd: {  	[sflag:s0] =	ssyncadd.tile.s32 @!p0 $0x1;
	_ =	shalt  }
.Lfunc_end2:
_tile_overlayer_lowered:
.L_overlay_start_2:
0x2be: {  	(tag) =	ssettag $0x2  }
0x2bf: {  	s0 =	rddreg [dreg:$0x0];
	s2 =	stileid.u32  }
0x2c0: {  	s1 =	rddreg [dreg:$0x1];
	p0 =	sne.s32 s2, $0x0  }
0x2c1: {  	s3 =	rddreg [dreg:$0x2];
	[bflag:$0x3] =	sbarrier.arrive $0xFFFF;
	s2 =	simm.s32 @!p0 $0x1C06  }
0x2c2: {  	[timem:s3], [sflag:s2] =	dma.local @!p0 [hbm:s0], s1  }
0x2c3: {  	s0 =	simm.s32 @!p0 $0x6  }
0x2c4: {  	_ =	swait.ge @!p0 [sflag:s0], s1  }
0x2c5: {  	s1 =	ssub.s32 @!p0 $0x0, s1;
	[sflag:s0] =	ssyncset.done @!p0 $0x0  }
0x2c6: {  	[sflag:s0] =	ssyncadd.s32 @!p0 s1  }
0x2c7: {  	[bflag:$0x3] =	sbarrier.arrive $0xFFFF  }
0x2c8: {  	_ =	shalt  }

// kernel: sparse-core-data-format-call.cloned.1.call-start
scs
called_computation_lowered:
.L_overlay_start_0:
0x0: {  	s2 =	sld [smem:$0x3FD9]  }
0x1: {  	s3 =	sld [smem:$0x3FFE];
	_ =	sdelay $0x1  }
0x2: {  	s1 =	srdreg.scid  }
0x3: {  	s0 =	sand.u32 $0x1, s1  }
0x4: {  	s18 =	sshll.u32 s0, $0xA;
	s2 =	sadd.s32 s3, s2  }
0x5: {  	s2 =	sadd.s32 s2, s18  }
0x6: {  	[smem:$0x3FC6] =	sst s2  }
0x7: {  	_ = 	snop  }
0x8: {  	s2 =	sld [smem:$0x3FD0];
	(tm) =	ssettm $0x1  }
0x9: {  	s19 =	sld [smem:$0x3FFB];
	_ =	sdelay $0x3  }
0xa: {  	_ =	strace s19  }
0xb: {  	s3 =	sld [smem:$0x3FFC];
	_ =	sdelay $0x3  }
0xc: {  	_ =	strace s3  }
0xd: {  	s3 =	sld [smem:$0x3FFD];
	_ =	sdelay $0x3  }
0xe: {  	_ =	strace s3  }
0xf: {  	_ =	strace $0x8FFFFFFF  }
0x10: {  	s20 =	sld [smem:$0x3FDB];
	_ =	sdelay $0x1  }
0x11: {  	s4 =	simm.s32 $_scs_section_size  }
0x12: {  	s5 =	simm.s32 $_size__tile_overlayer_lowered;
	s6 =	simm.s32 $_tile_overlayer_lowered  }
0x13: {  	s23 =	simm.s32 $0x1BFF;
	s22 =	sshll.u32 s6, $0x1;
	s3 =	sadd.s32 s4, s20  }
0x14: {  	s7 =	simm.s32 $0x0;
	s21 =	sshll.u32 s5, $0x1;
	s5 =	sadd.s32 s22, s3  }
0x15: {  	[timem:s7], [sflag:s23] =	dma.local [hbm:s5], s21  }
0x16: {  	_ =	swait.ge [sflag:s23], s21  }
0x17: {  	s4 =	ssub.s32 $0x0, s21;
	[sflag:s23] =	ssyncset.done $0x0  }
0x18: {  	[sflag:s23] =	ssyncadd.s32 s4;
	_ =	sdelay $0x1  }
0x19: {  	s24 =	simm.s32 $0x1B8B  }
0x1a: {  	_ =	swait.ge [sflag:s24], $0x1  }
0x1b: {  	[sflag:s24] =	ssyncset.done $0x0  }
0x1c: {  	s26 =	simm.s32 $0x1B8E;
	s25 =	sld [smem:$0x3FFE];
	[sflag:s24] =	ssyncadd.s32 $0xFFFFFFFF  }
0x1d: {  	s27 =	simm.s32 $execute0_lowered;
	[smem:$0x3FD2] =	sst s26  }
0x1e: {  	s5 =	sshll.u32 s27, $0x1;
	_ =	strace $0x80000049;
	[dreg:$0x1] =	wrdreg $0xFFFFFFFF  }
0x1f: {  	s28 =	simm.s32 $_size_execute0_lowered;
	s3 =	sadd.s32 s3, s5;
	[dreg:$0x0] =	wrdreg $0x0  }
0x20: {  	s5 =	sshll.u32 s28, $0x1;
	[dreg:$0x2] =	wrdreg s3  }
0x21: {  	[dreg:$0x3] =	wrdreg s5  }
0x22: {  	[dreg:$0x4] =	wrdreg $0xC0  }
0x23: {  	_ =	task [dreg:s7], $0x5FFFF  }
0x24: {  	[dreg:$0x1] =	wrdreg $0xFFFFFFFF  }
0x25: {  	[dreg:$0x0] =	wrdreg $0x60  }
0x26: {  	[dreg:$0x2] =	wrdreg s25  }
0x27: {  	[dreg:$0x3] =	wrdreg s2  }
0x28: {  	[dreg:$0x4] =	wrdreg $0x9  }
0x29: {  	_ =	task.clear_ibuf [dreg:s7], $0x5FFFF;
	_ =	strace $0x90000049  }
0x2a: {  	s29 =	simm.s32 $0x9;
	_ =	strace $0x8000004B  }
0x2b: {  	_ =	swait.ge [sflag:s29], $0x1  }
0x2c: {  	[sflag:s29] =	ssyncadd.s32 $0xFFFFFFFF  }
0x2d: {  	_ =	strace $0x9000004B  }
0x2e: {  	_ =	sfence  }
0x2f: {  	s30 =	sld [smem:$0x0];
	_ =	sdelay $0x2  }
0x30: {  	s31 =	sshll.u32 s1, $0xD;
	s1 =	sshrl.u32 s1, $0x2  }
0x31: {  	s3 =	sand.u32 $0x4000, s31;
	s1 =	sadd.s32 s1, s30  }
0x32: {  	s0 =	sor.u32 s3, s0;
	s1 =	sshll.u32 s1, $0x11  }
0x33: {  	s0 =	sor.u32 s1, s0  }
0x34: {  	s0 =	sadd.s32 $0x8F2B, s0  }
0x35: {  	[sflag:s0] =	ssyncadd.remote.s32 $0x1  }
0x36: {  	_ =	sfence.sel $0xFFFF  }
0x37: {  	[dreg:$0x0] =	wrdreg $0xFFFFFFFF;
	(pc) =	sbr.abs _section_cstart, $3  }
0x38: {  	[dreg:$0x1] =	wrdreg $0xFFFFFFFF  }
0x39: {  	_ =	task.clear_ibuf [dreg:s7], $0x2FFFF;
	_ =	strace $0x9FFFFFFF  }
0x3a: {  	(tm) =	ssettm $0x7FFFFFFF  }
0x3b: {  	_ =	shalt  }
tec
execute0_lowered:
.L_overlay_start_1:
0x0: {  	(tag) =	ssettag $0x1  }
0x1: {  	s3 =	rddreg [dreg:$0x0]  }
0x2: {  	s2 =	rddreg [dreg:$0x1]  }
0x3: {  	s1 =	srdreg.scid;
	s0 =	rddreg [dreg:$0x2];
	_ =	strace $0x8000004A  }
0x4: {  	s7 =	simm.s32 $0x2;
	s15 =	simm.s32 $0x0;
	p0 =	por $0x0, $0x0  }
0x5: {  	s16 =	simm.s32 $0x0;
	s17 =	simm.s32 $0x0;
	s8 =	simm.s32 $0x0  }
0x6: {  	s10 =	simm.s32 $0x0;
	s11 =	simm.s32 $0x0;
	s12 =	simm.s32 $0x0  }
.Ltmp0:
0x7: {  	s9 =	simm.s32 $0x0;
	s4 =	sshll.u32 s1, $0x4;
	(pc) =	sbr.rel .LBB1_1-.Ltmp0, $4  }
0x8: {  	s1 =	stileid.u32;
	s3 =	sadd.s32 $0x800, s3;
	s4 =	sand.u32 $0x10, s4  }
0x9: {  	s5 =	sand.u32 $0x3, s1;
	s6 =	sor.u32 s1, s4;
	s4 =	simm.s32 $0x1  }
0xa: {  	s14 =	smov.u32 s5;
	[sflag:s4] =	ssyncpa.u1 $0x0;
	s6 =	sshrl.u32 s6, $0x2  }
0xb: {  	[sflag:s7] =	ssyncpa.u1 $0x0;
	s7 =	simm.s32 $0xC00;
	s13 =	smov.u32 s6  }
.LBB1_5:
0xc: {  	p1 =	slt.u32 s9, $0x2;
	s18 =	smov.u32 s17  }
0xd: {  	p2 =	sgt.s32 @!p1 s17, $0x3;
	s19 =	sshra.s32 @!p1 s17, $0x1F;
	s20 =	sshra.s32 @!p1 s16, $0x1F  }
0xe: {  	p2 =	por !p2, p1;
	s17 =	sand.u32 @!p1 s19, s17;
	s19 =	smov.u32 s16  }
0xf: {  	s18 =	simm.s32 @p2 $0x3;
	p2 =	sgt.s32 @!p1 s16, $0x17F;
	s16 =	sand.u32 @!p1 s20, s16  }
0x10: {  	s20 =	sshra.s32 @!p1 s15, $0x1F;
	s17 =	ssub.s32 @!p1 s18, s17;
	p3 =	por !p2, p1  }
0x11: {  	s18 =	sadd.s32 @!p1 $0xFFFFFFFD, s17;
	s19 =	simm.s32 @p3 $0x17F;
	s17 =	ssub.s32 @!p1 $0x4, s17  }
0x12: {  	p3 =	sgt.s32 @!p1 s15, $0x100;
	p2 =	sgt.s32 @!p1 s18, $0x0;
	s16 =	ssub.s32 @!p1 s19, s16  }
0x13: {  	p3 =	por !p3, p1;
	s19 =	smov.u32 s15;
	s15 =	sand.u32 @!p1 s20, s15  }
0x14: {  	s17 =	smul.u32 @!p1 $0x60, s17;
	s18 =	sadd.s32 @!p1 $0xFFFFFE81, s16;
	s19 =	simm.s32 @p3 $0x100  }
0x15: {  	s16 =	ssub.s32 @!p1 $0x180, s16;
	p3 =	sgt.s32 @!p1 s18, $0x0;
	s15 =	ssub.s32 @!p1 s19, s15  }
0x16: {  	p2 =	por !p2, p1;
	p3 =	por !p3, p1;
	s18 =	sadd.s32 @!p1 $0xFFFFFF00, s15  }
0x17: {  	s17 =	simm.s32 @!p2 $0x0;
	s16 =	simm.s32 @!p3 $0x0;
	p3 =	sgt.s32 @!p1 s18, $0x7F  }
0x18: {  	s15 =	ssub.s32 @!p1 $0x180, s15;
	p2 =	por !p3, p1;
	s16 =	smul.u32 @!p1 s16, s17  }
0x19: {  	s19 =	smov.u32 s13;
	s18 =	sadd.s32 $0x80, s12;
	s15 =	simm.s32 @!p2 $0x0  }
0x1a: {  	p2 =	sgt.s32 s18, $0x17F;
	s15 =	smul.u32 @!p1 s15, s16;
	s16 =	sadd.s32 $0x8, s13  }
0x1b: {  	s19 =	smov.u32 @p2 s16  }
0x1c: {  	s21 =	smov.u32 s14;
	s16 =	sadd.s32 $0x4, s14;
	p3 =	sgt.s32 s19, $0x17F  }
0x1d: {  	s9 =	sadd.s32 $0x1, s9;
	p0 =	por !p0, !p0;
	s21 =	smov.u32 @p3 s16  }
0x1e: {  	s20 =	simm.s32 @!p1 $0x2;
	s18 =	simm.s32 @p2 $0x0;
	p2 =	sgt.s32 s21, $0x3  }
0x1f: {  	s17 =	smov.u32 s11;
	s21 =	smov.u32 @p2 s5;
	p2 =	sne.s32 s9, $0x92  }
.Ltmp1:
0x20: {  	s11 =	smov.u32 s14;
	s15 =	sand.u32 @!p1 $0x3FFFFFE0, s15;
	(pc) =	sbr.rel @!p2 .LBB1_6-.Ltmp1, $4  }
0x21: {  	_ =	swait.ge @!p1 [sflag:s20], s15;
	s22 =	ssub.s32 @!p1 $0x0, s15;
	s15 =	smov.u32 s8  }
0x22: {  	s16 =	smov.u32 s10;
	s19 =	smov.u32 @p3 s6;
	s8 =	smov.u32 s12  }
0x23: {  	s10 =	smov.u32 s13;
	s12 =	smov.u32 s18;
	[sflag:s20] =	ssyncset.done @!p1 $0x0  }
0x24: {  	s13 =	smov.u32 s19;
	[sflag:s20] =	ssyncadd.s32 @!p1 s22;
	s14 =	smov.u32 s21  }
.LBB1_1:
0x25: {  	p1 =	sgt.u32 s9, $0x8F  }
0x26: {  	s18 =	sand.u32 @!p1 $0x1FFFFFF, s12  }
0x27: {  	s19 =	smulhi.u32 @!p1 $0xAAAAAB, s18  }
0x28: {  	s20 =	smul.u32 @!p1 $0x240000, s14  }
0x29: {  	s19 =	smul.u32 @!p1 $0x180, s19  }
0x2a: {  	s21 =	smul.u32 @!p1 $0x1800, s13  }
0x2b: {  	s20 =	sadd.s32 @!p1 s3, s20;
	s18 =	ssub.s32 @!p1 s18, s19;
	s19 =	sxor.u32 @!p1 $0xFFFFFFFF, s9  }
0x2c: {  	s20 =	sadd.s32 @!p1 s21, s20;
	s19 =	sshll.u32 @!p1 s19, $0xE;
	s18 =	sshll.u32 @!p1 s18, $0x4  }
0x2d: {  	s19 =	sand.u32 @!p1 $0x4000, s19;
	s18 =	sadd.s32 @!p1 s18, s20;
	s20 =	simm.s32 @!p1 $0x0  }
0x2e: {  	[tilespmem:s19], [sflag:$0x1] =	stream.linear.gather @!p1 [hbm4b:s18+s20], $0x4000, $0x38;
	[tilespmem:$0x10100] =	vst v63  }
0x2f: {  	p1 =	seq.s32 s9, $0x0  }
0x30: {  	p2 =	seq.s32 @!p1 s9, $0x91  }
0x31: {  	p1 =	por p1, p2  }
.Ltmp2:
0x32: {  	_ = 	snop;
	(pc) =	sbr.rel @p1 .LBB1_5-.Ltmp2, $1  }
0x33: {  	_ =	sdelay $0x3  }
0x34: {  	s18 =	simm.s32 $0x1  }
0x35: {  	_ =	swait.ge [sflag:s4], $0x4000;
	s18 =	simm.s32 @!p0 $0x0  }
0x36: {  	[sflag:s4] =	ssyncset.done $0x0;
	s19 =	sshll.u32 s18, $0xE  }
0x37: {  	[sflag:s4] =	ssyncadd.s32 $0xFFFFC000;
	s19 =	sor.u32 $0x40, s19  }
0x38: {  	s18 =	smul.u32 $0x10200, s18;
	v0 =	vld [tilespmem:s19+$0x30]  }
0x39: {  	v1 =	vld [tilespmem:s19+$0xFFFFFFD0]  }
0x3a: {  	s18 =	sshrl.u32 s18, $0x2;
	v5 =	vld [tilespmem:s19+$0xFFFFFFE0]  }
0x3b: {  	v6 =	vld [tilespmem:s19+$0xFFFFFFF0];
	s21 =	sor.u32 $0x8000, s18  }
0x3c: {  	s31 =	sand.u32 $0x1, s9;
	v4 =	vld [tilespmem:s19+$0x0];
	s20 =	sadd.s32 $0x0, s21  }
0x3d: {  	v3 =	vld [tilespmem:s19+$0x10];
	s18 =	smul.u32 $0x10200, s31;
	[tilespmem:s20+$0x3870 ss:$0x81] =	vst.msk $0xffff, v0  }
0x3e: {  	v2 =	vld [tilespmem:s19+$0x20];
	[tilespmem:s20+$0x810 ss:$0x81] =	vst.msk $0xffff, v1  }
0x3f: {  	s18 =	sshrl.u32 s18, $0x2;
	v1 =	vld [tilespmem:s19+$0xFFFFFFC0];
	[tilespmem:s20+$0x1020 ss:$0x81] =	vst.msk $0xffff, v5;
	s19 =	sadd.s32 $0x80, s19  }
0x40: {  	s22 =	simm.s32 $0x4;
	s23 =	simm.s32 $0x8;
	s18 =	sor.u32 $0x8000, s18;
	[tilespmem:s20+$0x1830 ss:$0x81] =	vst.msk $0xffff, v6;
	v0 =	vld [tilespmem:s19+$0x30]  }
.LBB1_3:
0x41: {  	p1 =	sne.s32 s23, $0x1FC;
	v5 =	vld [tilespmem:s19+$0xFFFFFFD0];
	[tilespmem:s20+$0x2040 ss:$0x81] =	vst.msk $0xffff, v4  }
0x42: {  	v6 =	vld [tilespmem:s19+$0xFFFFFFE0];
	[tilespmem:s20+$0x2850 ss:$0x81] =	vst.msk $0xffff, v3  }
0x43: {  	s24 =	sshra.s32 s22, $0x2;
	s22 =	smov.u32 s23;
	v7 =	vld [tilespmem:s19+$0xFFFFFFF0];
	[tilespmem:s20+$0x3060 ss:$0x81] =	vst.msk $0xffff, v2  }
.Ltmp3:
0x44: {  	v4 =	vld [tilespmem:s19+$0x0];
	[tilespmem:s20+$0x0 ss:$0x81] =	vst.msk $0xffff, v1;
	s20 =	sadd.s32 s24, s21;
	(pc) =	sbr.rel @p1 .LBB1_3-.Ltmp3, $4  }
0x45: {  	v3 =	vld [tilespmem:s19+$0x10];
	[tilespmem:s20+$0x3870 ss:$0x81] =	vst.msk $0xffff, v0  }
0x46: {  	[tilespmem:s20+$0x810 ss:$0x81] =	vst.msk $0xffff, v5;
	v2 =	vld [tilespmem:s19+$0x20]  }
0x47: {  	v1 =	vld [tilespmem:s19+$0xFFFFFFC0];
	[tilespmem:s20+$0x1020 ss:$0x81] =	vst.msk $0xffff, v6;
	s19 =	sadd.s32 $0x80, s19  }
0x48: {  	s23 =	sadd.s32 $0x4, s23;
	v0 =	vld [tilespmem:s19+$0x30];
	[tilespmem:s20+$0x1830 ss:$0x81] =	vst.msk $0xffff, v7  }
0x49: {  	s23 =	sshll.u32 s8, $0x3  }
0x4a: {  	s24 =	sand.u32 $0x7F, s8;
	s22 =	sshra.s32 s22, $0x2;
	s23 =	sand.u32 $0xFFFFFC00, s23  }
0x4b: {  	p1 =	sgt.s32 s11, $0x3;
	s24 =	sor.u32 s24, s23;
	s23 =	smulhi.u32 $0xAAAAAAAB, s23  }
0x4c: {  	s26 =	sshra.s32 s11, $0x1F;
	s28 =	sshra.s32 s10, $0x1F;
	s25 =	smulhi.u32 $0xAAAAAAAB, s24  }
0x4d: {  	s21 =	sadd.s32 s22, s21;
	s26 =	sand.u32 s26, s11;
	s28 =	sand.u32 s28, s10  }
0x4e: {  	[tilespmem:s20+$0x2040 ss:$0x81] =	vst.msk $0xffff, v4;
	s23 =	sshrl.u32 s23, $0x8;
	s30 =	sshrl.u32 s25, $0x8;
	s25 =	smov.u32 s11  }
0x4f: {  	[tilespmem:s20+$0x2850 ss:$0x81] =	vst.msk $0xffff, v3;
	s27 =	smulhi.u32 $0x2AAAAAB, s23;
	s25 =	simm.s32 @!p1 $0x3;
	p1 =	sgt.s32 s10, $0x17F  }
0x50: {  	[tilespmem:s20+$0x3060 ss:$0x81] =	vst.msk $0xffff, v2;
	s22 =	smul.u32 $0x180, s30;
	s25 =	ssub.s32 s25, s26;
	s26 =	smov.u32 s10  }
0x51: {  	[tilespmem:s20+$0x0 ss:$0x81] =	vst.msk $0xffff, v1;
	s20 =	smov.u32 s8;
	s27 =	smul.u32 $0x60, s27;
	s26 =	simm.s32 @!p1 $0x17F  }
0x52: {  	v5 =	vld [tilespmem:s19+$0xFFFFFFD0];
	s31 =	sadd.s32 $0xFFFFFFFD, s25;
	s25 =	ssub.s32 $0x4, s25;
	s26 =	ssub.s32 s26, s28  }
0x53: {  	v58 =	vld [tilespmem:s19+$0xFFFFFFE0];
	s30 =	sshra.s32 s8, $0x1F;
	s25 =	smul.u32 $0x60, s25;
	s29 =	sadd.s32 $0xFFFFFE81, s26  }
0x54: {  	v59 =	vld [tilespmem:s19+$0xFFFFFFF0];
	p1 =	sgt.s32 s31, $0x0;
	s26 =	ssub.s32 $0x180, s26;
	p2 =	sgt.s32 s29, $0x0  }
0x55: {  	v60 =	vld [tilespmem:s19+$0x0];
	s25 =	simm.s32 @p1 $0x0;
	s26 =	simm.s32 @p2 $0x0;
	p2 =	sgt.s32 s8, $0x100  }
0x56: {  	v61 =	vld [tilespmem:s19+$0x10];
	[tilespmem:s21+$0x3870 ss:$0x81] =	vst.msk $0xffff, v0;
	s28 =	sand.u32 s30, s8;
	s20 =	simm.s32 @!p2 $0x100;
	s31 =	smul.u32 s26, s25  }
0x57: {  	v62 =	vld [tilespmem:s19+$0x20];
	[tilespmem:s21+$0x810 ss:$0x81] =	vst.msk $0xffff, v5;
	s25 =	ssub.s32 s23, s27;
	s27 =	smul.u32 $0x1B0000, s11;
	s20 =	ssub.s32 s20, s28  }
0x58: {  	v63 =	vld [tilespmem:s19+$0xFFFFFFC0];
	[tilespmem:s21+$0x1020 ss:$0x81] =	vst.msk $0xffff, v58;
	s22 =	ssub.s32 s24, s22;
	s28 =	smul.u32 $0x1200, s10;
	s26 =	sadd.s32 $0xFFFFFF00, s20  }
0x59: {  	[tilespmem:s21+$0x1830 ss:$0x81] =	vst.msk $0xffff, v59;
	s19 =	smul.u32 $0x30, s25;
	s20 =	ssub.s32 $0x180, s20;
	p1 =	sgt.s32 s26, $0x7F  }
.Ltmp4:
0x5a: {  	[tilespmem:s21+$0x2040 ss:$0x81] =	vst.msk $0xffff, v60;
	s25 =	sadd.s32 s2, s27;
	s20 =	simm.s32 @p1 $0x0;
	(pc) =	sbr.rel .LBB1_5-.Ltmp4, $4  }
0x5b: {  	[tilespmem:s21+$0x2850 ss:$0x81] =	vst.msk $0xffff, v61;
	s29 =	sand.u32 $0x7, s22;
	s23 =	sadd.s32 s28, s25;
	s20 =	smul.u32 s20, s31  }
0x5c: {  	[tilespmem:s21+$0x3060 ss:$0x81] =	vst.msk $0xffff, v62;
	s22 =	sshrl.u32 s22, $0x3;
	s30 =	sshll.u32 s29, $0x12;
	s19 =	sadd.s32 s19, s23  }
0x5d: {  	[tilespmem:s21+$0x0 ss:$0x81] =	vst.msk $0xffff, v63;
	s19 =	sadd.s32 s22, s19;
	s31 =	sor.u32 $0x400, s30;
	s20 =	sand.u32 $0x3FFFFFE0, s20  }
0x5e: {  	[hbm4b:s19+s31] =	stream.strided.scatter [tilespmem:s18], [sflag:$0x2], s20, s7, s31, $0x20;
	[tilespmem:$0x10100] =	vst v63  }
.LBB1_6:
0x5f: {  	_ =	sfence.sel $0x180000  }
0x60: {  	s2 =	simm.s32 $0x1;
	[bflag:$0x0] =	sbarrier.arrive $0xFFFF  }
0x61: {  	s31 =	simm.s32 $0x2;
	[sflag:s2] =	ssyncpa.u1 $0x1  }
0x62: {  	[sflag:s31] =	ssyncpa.u1 $0x1  }
0x63: {  	p0 =	sne.s32 s1, $0x0;
	_ =	strace $0x9000004A  }
0x64: {  	s0 =	sadd.s32 @!p0 $0x100000, s0;
	[bflag:$0x2] =	sbarrier.arrive $0xFFFF  }
0x65: {  	[sflag:s0] =	ssyncadd.tile.s32 @!p0 $0x1;
	_ =	shalt  }
.Lfunc_end1:
_tile_overlayer_lowered:
.L_overlay_start_2:
0x66: {  	(tag) =	ssettag $0x2  }
0x67: {  	s0 =	rddreg [dreg:$0x0];
	s2 =	stileid.u32  }
0x68: {  	s1 =	rddreg [dreg:$0x1];
	p0 =	sne.s32 s2, $0x0  }
0x69: {  	s3 =	rddreg [dreg:$0x2];
	[bflag:$0x3] =	sbarrier.arrive $0xFFFF;
	s2 =	simm.s32 @!p0 $0x1C01  }
0x6a: {  	[timem:s3], [sflag:s2] =	dma.local @!p0 [hbm:s0], s1  }
0x6b: {  	s0 =	simm.s32 @!p0 $0x1  }
0x6c: {  	_ =	swait.ge @!p0 [sflag:s0], s1  }
0x6d: {  	s1 =	ssub.s32 @!p0 $0x0, s1;
	[sflag:s0] =	ssyncset.done @!p0 $0x0  }
0x6e: {  	[sflag:s0] =	ssyncadd.s32 @!p0 s1  }
0x6f: {  	[bflag:$0x3] =	sbarrier.arrive $0xFFFF  }
0x70: {  	_ =	shalt  }

</sc_bundles>
